<compile_context>
chip_gen: v7x
topology: tpu7x:2x2x1
jax: 0.10.2.dev20260603
libtpu: 0.0.44.dev20260713+nightly
codegen_flags: <defaults>
</compile_context>

<pallas_src>
import functools

import jax
import jax.numpy as jnp
from jax import lax
from jax.experimental import pallas as pl
from jax.experimental.pallas import tpu as pltpu
from jax.experimental.pallas import tpu_sc as plsc

H = 224
W = 224
NPIX = H * W
NPLANE = 24
K = 1000
KPAD = 1024
KBUF = KPAD + 16
CHUNKS = NPIX // 16
import numpy as np
THRESH = float(np.float32(0.3) + np.float32(1e-5))


def _sc_compact_body(pred_hbm, tgt_hbm, idx_hbm, cnt_hbm,
                     pred_v, tgt_v, o0, o1, o2, o3, cnt_v):
  wid = lax.axis_index("s") * 2 + lax.axis_index("c")

  @pl.when(wid < NPLANE)
  def _():
    pltpu.sync_copy(pred_hbm.at[wid], pred_v)
    pltpu.sync_copy(tgt_hbm.at[wid], tgt_v)
    lanes = lax.iota(jnp.int32, 16)

    one = jnp.int32(1)
    zero = jnp.int32(0)

    def masks_at(it):
      base = it * 16
      pv = pred_v[pl.ds(base, 16)]
      tv = tgt_v[pl.ds(base, 16)]
      pbi = jnp.where(jnp.abs(pv - 1.0) <= THRESH, one, zero)
      tbi = jnp.where(jnp.abs(tv - 1.0) <= THRESH, one, zero)
      mi0 = pbi * (1 - tbi)
      mi1 = tbi * (1 - pbi)
      return mi0, mi1, tbi, pbi

    def body(it, carry):
      c0, c1, c2, c3 = carry
      mi0, mi1, tbi, pbi = masks_at(it)
      idxv = it * 16 + lanes
      trash = KPAD + lanes

      def emit(ref, cur, mi):
        ranks = plsc.cumsum(mi)
        n = jnp.sum(mi)
        pos = jnp.minimum(cur + ranks - 1, trash)
        pos = pos * mi + trash * (1 - mi)
        plsc.store_scatter(ref, [pos], idxv)
        return cur + n

      c0 = emit(o0, c0, mi0)
      c1 = emit(o1, c1, mi1)
      c2 = emit(o2, c2, tbi)
      c3 = emit(o3, c3, pbi)
      return c0, c1, c2, c3

    BLK = 16
    z = jnp.int32(0)

    def wcond(carry):
      it, c0, c1, c2, c3 = carry
      full = ((c0 >= KPAD) & (c1 >= KPAD) & (c2 >= KPAD) & (c3 >= KPAD))
      return jnp.logical_and(it < CHUNKS, jnp.logical_not(full))

    def wbody(carry):
      it, c0, c1, c2, c3 = carry

      def inner(j, cs):
        return body(it + j, cs)

      c0, c1, c2, c3 = lax.fori_loop(0, BLK, inner, (c0, c1, c2, c3))
      return it + BLK, c0, c1, c2, c3

    it_end, c0, c1, c2, c3 = lax.while_loop(
        wcond, wbody, (z, z, z, z, z))

    def body2(it, vecs):
      v0, v1, v2, v3 = vecs
      mi0, mi1, tbi, pbi = masks_at(it)
      return v0 + mi0, v1 + mi1, v2 + tbi, v3 + pbi

    zv = jnp.zeros((16,), jnp.int32)
    v0, v1, v2, v3 = lax.fori_loop(it_end, CHUNKS, body2, (zv, zv, zv, zv))
    c0 = c0 + jnp.sum(v0)
    c1 = c1 + jnp.sum(v1)
    c2 = c2 + jnp.sum(v2)
    c3 = c3 + jnp.sum(v3)

    cvec = jnp.where(lanes == 0, jnp.full((16,), c0, jnp.int32),
           jnp.where(lanes == 1, jnp.full((16,), c1, jnp.int32),
           jnp.where(lanes == 2, jnp.full((16,), c2, jnp.int32),
           jnp.where(lanes == 3, jnp.full((16,), c3, jnp.int32),
                     jnp.zeros((16,), jnp.int32)))))
    cnt_v[...] = cvec
    pltpu.sync_copy(cnt_v, cnt_hbm.at[wid])
    pltpu.sync_copy(o0.at[pl.ds(0, KPAD)], idx_hbm.at[wid, 0])
    pltpu.sync_copy(o1.at[pl.ds(0, KPAD)], idx_hbm.at[wid, 1])
    pltpu.sync_copy(o2.at[pl.ds(0, KPAD)], idx_hbm.at[wid, 2])
    pltpu.sync_copy(o3.at[pl.ds(0, KPAD)], idx_hbm.at[wid, 3])


def _sc_compact(pred24, tgt24):
  f = pl.kernel(
      _sc_compact_body,
      out_type=(
          jax.ShapeDtypeStruct((NPLANE, 4, KPAD), jnp.int32),
          jax.ShapeDtypeStruct((NPLANE, 16), jnp.int32),
      ),
      mesh=plsc.VectorSubcoreMesh(core_axis_name="c", subcore_axis_name="s"),
      compiler_params=pltpu.CompilerParams(needs_layout_passes=False),
      scratch_types=[
          pltpu.VMEM((NPIX,), jnp.float32),
          pltpu.VMEM((NPIX,), jnp.float32),
          pltpu.VMEM((KBUF,), jnp.int32),
          pltpu.VMEM((KBUF,), jnp.int32),
          pltpu.VMEM((KBUF,), jnp.int32),
          pltpu.VMEM((KBUF,), jnp.int32),
          pltpu.VMEM((16,), jnp.int32),
      ],
  )
  return f(pred24, tgt24)


def _tc_pairwise_body(xcol_ref, trow_ref, nx_ref, ny_ref, out_ref):
  i = pl.program_id(0)

  @pl.when(i == 0)
  def _():
    out_ref[0, 0] = jnp.float32(0.0)

  nx = nx_ref[i]
  ny = ny_ref[i]
  nx_eff = jnp.minimum(nx, K)
  ny_eff = jnp.minimum(ny, K)

  ti = trow_ref[0]
  lanes = lax.broadcasted_iota(jnp.int32, (1, 128), 1)
  inf = jnp.float32(jnp.inf)
  trs = []
  tcs = []
  for tj in range(8):
    trow = ti[tj:tj + 1, :]
    tvalid = (tj * 128 + lanes) < ny_eff
    trs.append((trow // W).astype(jnp.float32))
    tcs.append(jnp.where(tvalid, (trow % W).astype(jnp.float32), inf))

  sub = lax.broadcasted_iota(jnp.int32, (128, 1), 0)
  part = jnp.float32(0.0)
  for pj in range(8):
    xi = xcol_ref[0, pl.ds(pj * 128, 128), :]
    pr = (xi // W).astype(jnp.float32)
    pc = (xi % W).astype(jnp.float32)
    md2 = jnp.full((128, 128), inf, jnp.float32)
    for tj in range(8):
      dr = pr - trs[tj]
      dc = pc - tcs[tj]
      md2 = jnp.minimum(md2, dr * dr + dc * dc)
    mind = jnp.sqrt(jnp.min(md2, axis=1, keepdims=True))
    pslot = pj * 128 + sub
    part += jnp.sum(jnp.where(pslot < nx_eff, mind, jnp.float32(0.0)))

  gate = jnp.logical_and(nx > 0, ny > 0)
  contrib = jnp.where(gate, part / ny.astype(jnp.float32), jnp.float32(0.0))
  out_ref[0, 0] += contrib / jnp.float32(2 * NPLANE)


def _tc_pairwise(xcol, trow, nx, ny):
  return pl.pallas_call(
      _tc_pairwise_body,
      grid=(48,),
      in_specs=[
          pl.BlockSpec((1, KPAD, 1), lambda i: (i, 0, 0)),
          pl.BlockSpec((1, 8, 128), lambda i: (i, 0, 0)),
          pl.BlockSpec(memory_space=pltpu.SMEM),
          pl.BlockSpec(memory_space=pltpu.SMEM),
      ],
      out_specs=pl.BlockSpec((1, 1), lambda i: (0, 0),
                             memory_space=pltpu.SMEM),
      out_shape=jax.ShapeDtypeStruct((1, 1), jnp.float32),
  )(xcol, trow, nx, ny)


@jax.jit
def kernel(pred, target):
  pred24 = pred.reshape(NPLANE, NPIX)
  tgt24 = target.reshape(NPLANE, NPIX)
  idx, cnt = _sc_compact(pred24, tgt24)
  xcol = idx[:, 0:2, :].reshape(48, KPAD, 1)
  y_idx = idx[:, 2:4, :].reshape(48, 8, 128)
  nx = cnt[:, 0:2].reshape(48)
  ny = cnt[:, 2:4].reshape(48)
  out = _tc_pairwise(xcol, y_idx, nx, ny)
  return out[0, 0]

# --- scband reference (transcript-rebuilt; emitter-appended) ---
"""Pipeline reference for scband-efficient-balanced-averaged-hausdorff-loss-46213848105412 (READ-ONLY COPY).

The authoritative reference and input builder live on the scoring server;
editing this copy changes nothing except your own understanding.
"""

import jax, jax.numpy as jnp
import numpy as np

ATOL = 0.3

def _calculate(x, y):
    x_shape = x.shape
    xy_shape = tuple(x_shape[-2:])
    n_batch_chan = int(np.prod(x_shape[:2]))
    pred = x.reshape((-1,) + xy_shape)
    target = y.reshape((-1,) + xy_shape)
    h, w = xy_shape
    n_pix = h * w
    idx = jnp.arange(n_pix)
    coords = jnp.stack([idx // w, idx % w], axis=-1)
    pred_flat = pred.reshape((n_batch_chan, n_pix)) != 0
    tgt_flat = target.reshape((n_batch_chan, n_pix)) != 0
    k = min(1000, n_pix)
    slot = jnp.arange(k)
    loss_value = jnp.float32(0.0)
    for i in range(n_batch_chan):
        pmask = pred_flat[i]
        tmask = tgt_flat[i]
        n_pred = jnp.sum(pmask)
        n_points_ground_truth = jnp.sum(tmask)
        p_order = jnp.argsort(jnp.where(pmask, idx, n_pix))[:k]
        t_order = jnp.argsort(jnp.where(tmask, idx, n_pix))[:k]
        p_valid = slot < n_pred
        t_valid = slot < n_points_ground_truth
        p = coords[p_order]
        t = coords[t_order]
        differences = p[:, None, :] - t[None, :, :]
        distances = jnp.sum(jnp.abs(differences.astype(jnp.float32)) ** 2, -1) ** 0.5
        distances = jnp.where(t_valid[None, :], distances, jnp.inf)
        min_distances = jnp.min(distances, axis=1)
        masked_sum = jnp.sum(jnp.where(p_valid, min_distances, jnp.float32(0.0)))
        term_1 = jnp.where(
            (n_pred > 0) & (n_points_ground_truth > 0),
            masked_sum / n_points_ground_truth,
            jnp.float32(0.0),
        )
        loss_value = loss_value + term_1
    return loss_value / n_batch_chan

def _forward(pred, target):
    pred_b = jnp.isclose(pred, 1.0, atol=ATOL).astype(jnp.float32)
    target_b = jnp.isclose(target, 1.0, atol=ATOL).astype(jnp.float32)
    pred_target_diff_mask = (pred_b - target_b) == 1
    loss_value_1 = _calculate(pred_target_diff_mask, target_b)
    target_pred_diff_mask = (target_b - pred_b) == 1
    loss_value_2 = _calculate(target_pred_diff_mask, pred_b)
    return (loss_value_1 + loss_value_2) / 2

def setup_inputs(seed: int = 0):
    key = jax.random.key(seed)
    k1, k2 = jax.random.split(key)
    pred = jax.random.uniform(k1, (8, 3, 224, 224), dtype=jnp.float32)
    target = jax.random.uniform(k2, (8, 3, 224, 224), dtype=jnp.float32)
    return {"pred": pred, "target": target}

def reference(pred, target):
    return _forward(pred, target)

if __name__ == "__main__":
    import jax
    _d = setup_inputs()
    print(jax.jit(kernel)(*tuple(_d.values())))

</pallas_src>

<mosaic_0001>
#map = affine_map<(d0, d1) -> (0, 0)>
#map1 = affine_map<(d0, d1) -> (0, 0, 0)>
module attributes {stable_mosaic.version = 14 : i64} {
  func.func @_sc_compact_body(%arg0: i32, %arg1: i32, %arg2: memref<24x50176xf32, #tpu.memory_space<hbm>>, %arg3: memref<24x50176xf32, #tpu.memory_space<hbm>>, %arg4: memref<24x4x1024xi32, #tpu.memory_space<hbm>>, %arg5: memref<24x16xi32, #tpu.memory_space<hbm>>, %arg6: memref<50176xf32, #tpu.memory_space<vmem>>, %arg7: memref<50176xf32, #tpu.memory_space<vmem>>, %arg8: memref<1040xi32, #tpu.memory_space<vmem>>, %arg9: memref<1040xi32, #tpu.memory_space<vmem>>, %arg10: memref<1040xi32, #tpu.memory_space<vmem>>, %arg11: memref<1040xi32, #tpu.memory_space<vmem>>, %arg12: memref<16xi32, #tpu.memory_space<vmem>>) attributes {dimension_semantics = [#tpu.dimension_semantics<core_parallel>, #tpu.dimension_semantics<subcore_parallel>], iteration_bounds = array<i64: 2, 16>, scalar_prefetch = 0 : i64, scratch_operands = 7 : i64, tpu.core_type = #tpu.core_type<sc_vector_subcore>, window_params = [{transform_indices = #map}, {transform_indices = #map}, {transform_indices = #map1}, {transform_indices = #map}]} {
    %mul3A = arith.constant 2 : i32
    %mul3A_0 = arith.muli %arg1, %mul3A : i32
    %add3A = arith.addi %mul3A_0, %arg0 : i32
    %lt3A = arith.constant 24 : i32
    %lt3A_1 = arith.cmpi slt, %add3A, %lt3A : i32
    %convert_element_type3A = arith.extui %lt3A_1 : i1 to i32
    %cond3A = arith.constant 0 : i32
    %cond3A_2 = arith.cmpi ne, %convert_element_type3A, %cond3A : i32
    scf.if %cond3A_2 {
      "tpu.region"() ({
        %run_scoped3A_67 = tpu.sem_alloc : memref<!tpu.dma_semaphore, #tpu.memory_space<semaphore_mem>>
        %dma_start3A = arith.constant 0 : i32
        %dma_start3A_68 = tpu.memref_slice %arg2[%add3A, %dma_start3A] : memref<24x50176xf32, #tpu.memory_space<hbm>> -> memref<1x50176xf32, #tpu.memory_space<hbm>>
        %dma_start3A_69 = tpu.memref_squeeze %dma_start3A_68 : memref<1x50176xf32, #tpu.memory_space<hbm>> -> memref<50176xf32, #tpu.memory_space<hbm>>
        %dma_start3A_70 = arith.constant 0 : i32
        %dma_start3A_71 = tpu.memref_slice %arg2[%add3A, %dma_start3A_70] : memref<24x50176xf32, #tpu.memory_space<hbm>> -> memref<1x50176xf32, #tpu.memory_space<hbm>>
        %dma_start3A_72 = tpu.memref_squeeze %dma_start3A_71 : memref<1x50176xf32, #tpu.memory_space<hbm>> -> memref<50176xf32, #tpu.memory_space<hbm>>
        tpu.enqueue_dma source(%dma_start3A_72 : memref<50176xf32, #tpu.memory_space<hbm>>) target(%arg6 : memref<50176xf32, #tpu.memory_space<vmem>>) target_semaphore(%run_scoped3A_67 : memref<!tpu.dma_semaphore, #tpu.memory_space<semaphore_mem>>)
        %dma_wait3A = arith.constant 0 : i32
        %dma_wait3A_73 = tpu.memref_slice %arg2[%add3A, %dma_wait3A] : memref<24x50176xf32, #tpu.memory_space<hbm>> -> memref<1x50176xf32, #tpu.memory_space<hbm>>
        %dma_wait3A_74 = tpu.memref_squeeze %dma_wait3A_73 : memref<1x50176xf32, #tpu.memory_space<hbm>> -> memref<50176xf32, #tpu.memory_space<hbm>>
        %dma_wait3A_75 = arith.constant 0 : i32
        %dma_wait3A_76 = tpu.memref_slice %arg2[%add3A, %dma_wait3A_75] : memref<24x50176xf32, #tpu.memory_space<hbm>> -> memref<1x50176xf32, #tpu.memory_space<hbm>>
        %dma_wait3A_77 = tpu.memref_squeeze %dma_wait3A_76 : memref<1x50176xf32, #tpu.memory_space<hbm>> -> memref<50176xf32, #tpu.memory_space<hbm>>
        tpu.wait_dma2 semaphore(%run_scoped3A_67 : memref<!tpu.dma_semaphore, #tpu.memory_space<semaphore_mem>>) src(%dma_wait3A_77 : memref<50176xf32, #tpu.memory_space<hbm>>) dst(%arg6 : memref<50176xf32, #tpu.memory_space<vmem>>)
        tpu.yield
      }) : () -> ()
      "tpu.region"() ({
        %run_scoped3A_67 = tpu.sem_alloc : memref<!tpu.dma_semaphore, #tpu.memory_space<semaphore_mem>>
        %dma_start3A = arith.constant 0 : i32
        %dma_start3A_68 = tpu.memref_slice %arg3[%add3A, %dma_start3A] : memref<24x50176xf32, #tpu.memory_space<hbm>> -> memref<1x50176xf32, #tpu.memory_space<hbm>>
        %dma_start3A_69 = tpu.memref_squeeze %dma_start3A_68 : memref<1x50176xf32, #tpu.memory_space<hbm>> -> memref<50176xf32, #tpu.memory_space<hbm>>
        %dma_start3A_70 = arith.constant 0 : i32
        %dma_start3A_71 = tpu.memref_slice %arg3[%add3A, %dma_start3A_70] : memref<24x50176xf32, #tpu.memory_space<hbm>> -> memref<1x50176xf32, #tpu.memory_space<hbm>>
        %dma_start3A_72 = tpu.memref_squeeze %dma_start3A_71 : memref<1x50176xf32, #tpu.memory_space<hbm>> -> memref<50176xf32, #tpu.memory_space<hbm>>
        tpu.enqueue_dma source(%dma_start3A_72 : memref<50176xf32, #tpu.memory_space<hbm>>) target(%arg7 : memref<50176xf32, #tpu.memory_space<vmem>>) target_semaphore(%run_scoped3A_67 : memref<!tpu.dma_semaphore, #tpu.memory_space<semaphore_mem>>)
        %dma_wait3A = arith.constant 0 : i32
        %dma_wait3A_73 = tpu.memref_slice %arg3[%add3A, %dma_wait3A] : memref<24x50176xf32, #tpu.memory_space<hbm>> -> memref<1x50176xf32, #tpu.memory_space<hbm>>
        %dma_wait3A_74 = tpu.memref_squeeze %dma_wait3A_73 : memref<1x50176xf32, #tpu.memory_space<hbm>> -> memref<50176xf32, #tpu.memory_space<hbm>>
        %dma_wait3A_75 = arith.constant 0 : i32
        %dma_wait3A_76 = tpu.memref_slice %arg3[%add3A, %dma_wait3A_75] : memref<24x50176xf32, #tpu.memory_space<hbm>> -> memref<1x50176xf32, #tpu.memory_space<hbm>>
        %dma_wait3A_77 = tpu.memref_squeeze %dma_wait3A_76 : memref<1x50176xf32, #tpu.memory_space<hbm>> -> memref<50176xf32, #tpu.memory_space<hbm>>
        tpu.wait_dma2 semaphore(%run_scoped3A_67 : memref<!tpu.dma_semaphore, #tpu.memory_space<semaphore_mem>>) src(%dma_wait3A_77 : memref<50176xf32, #tpu.memory_space<hbm>>) dst(%arg7 : memref<50176xf32, #tpu.memory_space<vmem>>)
        tpu.yield
      }) : () -> ()
      %iota3A = tpu.iota {dimensions = array<i32: 0>} : vector<16xi32>
      %while3A = arith.constant 1 : i32
      %while3A_3 = arith.constant 0 : i32
      %while3A_4 = arith.constant 0 : i32
      %while3A_5 = arith.constant 0 : i32
      %while3A_6 = arith.constant 0 : i32
      %while3A_7 = arith.constant 0 : i32
      %while3A_8 = arith.constant 0 : i32
      %while3A_9:5 = scf.while (%while3A_67 = %while3A_4, %while3A_68 = %while3A_5, %while3A_69 = %while3A_6, %while3A_70 = %while3A_7, %while3A_71 = %while3A_8) : (i32, i32, i32, i32, i32) -> (i32, i32, i32, i32, i32) {
        %ge3A = arith.constant 1024 : i32
        %ge3A_72 = arith.cmpi sge, %while3A_68, %ge3A : i32
        %ge3A_73 = arith.constant 1024 : i32
        %ge3A_74 = arith.cmpi sge, %while3A_69, %ge3A_73 : i32
        %and3A = arith.andi %ge3A_72, %ge3A_74 : i1
        %ge3A_75 = arith.constant 1024 : i32
        %ge3A_76 = arith.cmpi sge, %while3A_70, %ge3A_75 : i32
        %and3A_77 = arith.andi %and3A, %ge3A_76 : i1
        %ge3A_78 = arith.constant 1024 : i32
        %ge3A_79 = arith.cmpi sge, %while3A_71, %ge3A_78 : i32
        %and3A_80 = arith.andi %and3A_77, %ge3A_79 : i1
        %lt3A_81 = arith.constant 3136 : i32
        %lt3A_82 = arith.cmpi slt, %while3A_67, %lt3A_81 : i32
        %not3A = arith.constant true
        %not3A_83 = arith.xori %and3A_80, %not3A : i1
        %and3A_84 = arith.andi %lt3A_82, %not3A_83 : i1
        scf.condition(%and3A_84) %while3A_67, %while3A_68, %while3A_69, %while3A_70, %while3A_71 : i32, i32, i32, i32, i32
      } do {
      ^bb0(%while3A_67: i32, %while3A_68: i32, %while3A_69: i32, %while3A_70: i32, %while3A_71: i32):
        %scan3A = arith.constant 0 : i32
        %scan3A_72 = arith.constant 16 : i32
        %scan3A_73 = arith.addi %scan3A, %scan3A_72 : i32
        %scan3A_74 = arith.constant 1 : i32
        %scan3A_75:4 = scf.for %scan3A_79 = %scan3A to %scan3A_73 step %scan3A_74 iter_args(%scan3A_80 = %while3A_68, %scan3A_81 = %while3A_69, %scan3A_82 = %while3A_70, %scan3A_83 = %while3A_71) -> (i32, i32, i32, i32)  : i32 {
          %add3A_84 = arith.addi %while3A_67, %scan3A_79 : i32
          %mul3A_85 = arith.constant 16 : i32
          %mul3A_86 = arith.muli %add3A_84, %mul3A_85 : i32
          %get3A = arith.index_cast %mul3A_86 : i32 to index
          %get3A_87 = tpu.vector_load %arg6[%get3A] {strides = array<i32>} : memref<50176xf32, #tpu.memory_space<vmem>>, vector<16xf32>,
          %get3A_88 = arith.index_cast %mul3A_86 : i32 to index
          %get3A_89 = tpu.vector_load %arg7[%get3A_88] {strides = array<i32>} : memref<50176xf32, #tpu.memory_space<vmem>>, vector<16xf32>,
          %sub3A = arith.constant 1.000000e+00 : f32
          %sub3A_90 = vector.broadcast %sub3A : f32 to vector<16xf32>
          %sub3A_91 = arith.subf %get3A_87, %sub3A_90 : vector<16xf32>
          %abs3A = math.absf %sub3A_91 : vector<16xf32>
          %le3A = arith.constant 0.300010026 : f32
          %le3A_92 = vector.broadcast %le3A : f32 to vector<16xf32>
          %le3A_93 = arith.cmpf ole, %abs3A, %le3A_92 : vector<16xf32>
          %broadcast_in_dim3A_94 = vector.broadcast %while3A : i32 to vector<16xi32>
          %broadcast_in_dim3A_95 = vector.broadcast %while3A_3 : i32 to vector<16xi32>
          %select_n3A_96 = arith.select %le3A_93, %broadcast_in_dim3A_94, %broadcast_in_dim3A_95 : vector<16xi1>, vector<16xi32>
          %sub3A_97 = arith.constant 1.000000e+00 : f32
          %sub3A_98 = vector.broadcast %sub3A_97 : f32 to vector<16xf32>
          %sub3A_99 = arith.subf %get3A_89, %sub3A_98 : vector<16xf32>
          %abs3A_100 = math.absf %sub3A_99 : vector<16xf32>
          %le3A_101 = arith.constant 0.300010026 : f32
          %le3A_102 = vector.broadcast %le3A_101 : f32 to vector<16xf32>
          %le3A_103 = arith.cmpf ole, %abs3A_100, %le3A_102 : vector<16xf32>
          %broadcast_in_dim3A_104 = vector.broadcast %while3A : i32 to vector<16xi32>
          %broadcast_in_dim3A_105 = vector.broadcast %while3A_3 : i32 to vector<16xi32>
          %select_n3A_106 = arith.select %le3A_103, %broadcast_in_dim3A_104, %broadcast_in_dim3A_105 : vector<16xi1>, vector<16xi32>
          %sub3A_107 = arith.constant 1 : i32
          %sub3A_108 = vector.broadcast %sub3A_107 : i32 to vector<16xi32>
          %sub3A_109 = arith.subi %sub3A_108, %select_n3A_106 : vector<16xi32>
          %mul3A_110 = arith.muli %select_n3A_96, %sub3A_109 : vector<16xi32>
          %sub3A_111 = arith.constant 1 : i32
          %sub3A_112 = vector.broadcast %sub3A_111 : i32 to vector<16xi32>
          %sub3A_113 = arith.subi %sub3A_112, %select_n3A_96 : vector<16xi32>
          %mul3A_114 = arith.muli %select_n3A_106, %sub3A_113 : vector<16xi32>
          %mul3A_115 = arith.constant 16 : i32
          %mul3A_116 = arith.muli %add3A_84, %mul3A_115 : i32
          %add3A_117 = vector.broadcast %mul3A_116 : i32 to vector<16xi32>
          %add3A_118 = arith.addi %add3A_117, %iota3A : vector<16xi32>
          %add3A_119 = arith.constant 1024 : i32
          %add3A_120 = vector.broadcast %add3A_119 : i32 to vector<16xi32>
          %add3A_121 = arith.addi %add3A_120, %iota3A : vector<16xi32>
          %broadcast_in_dim3A_122 = arith.constant true
          %broadcast_in_dim3A_123 = vector.broadcast %broadcast_in_dim3A_122 : i1 to vector<16xi1>
          %masked_cumsum3A = tpu.scan <sum>, %mul3A_110 masked %broadcast_in_dim3A_123 : vector<16xi32>, vector<16xi1> -> vector<16xi32>
          %reduce_sum3A_124 = arith.constant true
          %reduce_sum3A_125 = vector.broadcast %reduce_sum3A_124 : i1 to vector<16xi1>
          %reduce_sum3A_126 = tpu.scan <sum>, %mul3A_110 masked %reduce_sum3A_125 : vector<16xi32>, vector<16xi1> -> vector<16xi32>
          %reduce_sum3A_127 = vector.extract %reduce_sum3A_126[15] : i32 from vector<16xi32>
          %add3A_128 = vector.broadcast %scan3A_80 : i32 to vector<16xi32>
          %add3A_129 = arith.addi %add3A_128, %masked_cumsum3A : vector<16xi32>
          %sub3A_130 = arith.constant 1 : i32
          %sub3A_131 = vector.broadcast %sub3A_130 : i32 to vector<16xi32>
          %sub3A_132 = arith.subi %add3A_129, %sub3A_131 : vector<16xi32>
          %min3A = arith.minsi %sub3A_132, %add3A_121 : vector<16xi32>
          %mul3A_133 = arith.muli %min3A, %mul3A_110 : vector<16xi32>
          %sub3A_134 = arith.constant 1 : i32
          %sub3A_135 = vector.broadcast %sub3A_134 : i32 to vector<16xi32>
          %sub3A_136 = arith.subi %sub3A_135, %mul3A_110 : vector<16xi32>
          %mul3A_137 = arith.muli %add3A_121, %sub3A_136 : vector<16xi32>
          %add3A_138 = arith.addi %mul3A_133, %mul3A_137 : vector<16xi32>
          tpu.vector_store_idx %arg8[%add3A_138], %add3A_118 : memref<1040xi32, #tpu.memory_space<vmem>>[vector<16xi32>], vector<16xi32>,
          %add3A_139 = arith.addi %scan3A_80, %reduce_sum3A_127 : i32
          %broadcast_in_dim3A_140 = arith.constant true
          %broadcast_in_dim3A_141 = vector.broadcast %broadcast_in_dim3A_140 : i1 to vector<16xi1>
          %masked_cumsum3A_142 = tpu.scan <sum>, %mul3A_114 masked %broadcast_in_dim3A_141 : vector<16xi32>, vector<16xi1> -> vector<16xi32>
          %reduce_sum3A_143 = arith.constant true
          %reduce_sum3A_144 = vector.broadcast %reduce_sum3A_143 : i1 to vector<16xi1>
          %reduce_sum3A_145 = tpu.scan <sum>, %mul3A_114 masked %reduce_sum3A_144 : vector<16xi32>, vector<16xi1> -> vector<16xi32>
          %reduce_sum3A_146 = vector.extract %reduce_sum3A_145[15] : i32 from vector<16xi32>
          %add3A_147 = vector.broadcast %scan3A_81 : i32 to vector<16xi32>
          %add3A_148 = arith.addi %add3A_147, %masked_cumsum3A_142 : vector<16xi32>
          %sub3A_149 = arith.constant 1 : i32
          %sub3A_150 = vector.broadcast %sub3A_149 : i32 to vector<16xi32>
          %sub3A_151 = arith.subi %add3A_148, %sub3A_150 : vector<16xi32>
          %min3A_152 = arith.minsi %sub3A_151, %add3A_121 : vector<16xi32>
          %mul3A_153 = arith.muli %min3A_152, %mul3A_114 : vector<16xi32>
          %sub3A_154 = arith.constant 1 : i32
          %sub3A_155 = vector.broadcast %sub3A_154 : i32 to vector<16xi32>
          %sub3A_156 = arith.subi %sub3A_155, %mul3A_114 : vector<16xi32>
          %mul3A_157 = arith.muli %add3A_121, %sub3A_156 : vector<16xi32>
          %add3A_158 = arith.addi %mul3A_153, %mul3A_157 : vector<16xi32>
          tpu.vector_store_idx %arg9[%add3A_158], %add3A_118 : memref<1040xi32, #tpu.memory_space<vmem>>[vector<16xi32>], vector<16xi32>,
          %add3A_159 = arith.addi %scan3A_81, %reduce_sum3A_146 : i32
          %broadcast_in_dim3A_160 = arith.constant true
          %broadcast_in_dim3A_161 = vector.broadcast %broadcast_in_dim3A_160 : i1 to vector<16xi1>
          %masked_cumsum3A_162 = tpu.scan <sum>, %select_n3A_106 masked %broadcast_in_dim3A_161 : vector<16xi32>, vector<16xi1> -> vector<16xi32>
          %reduce_sum3A_163 = arith.constant true
          %reduce_sum3A_164 = vector.broadcast %reduce_sum3A_163 : i1 to vector<16xi1>
          %reduce_sum3A_165 = tpu.scan <sum>, %select_n3A_106 masked %reduce_sum3A_164 : vector<16xi32>, vector<16xi1> -> vector<16xi32>
          %reduce_sum3A_166 = vector.extract %reduce_sum3A_165[15] : i32 from vector<16xi32>
          %add3A_167 = vector.broadcast %scan3A_82 : i32 to vector<16xi32>
          %add3A_168 = arith.addi %add3A_167, %masked_cumsum3A_162 : vector<16xi32>
          %sub3A_169 = arith.constant 1 : i32
          %sub3A_170 = vector.broadcast %sub3A_169 : i32 to vector<16xi32>
          %sub3A_171 = arith.subi %add3A_168, %sub3A_170 : vector<16xi32>
          %min3A_172 = arith.minsi %sub3A_171, %add3A_121 : vector<16xi32>
          %mul3A_173 = arith.muli %min3A_172, %select_n3A_106 : vector<16xi32>
          %sub3A_174 = arith.constant 1 : i32
          %sub3A_175 = vector.broadcast %sub3A_174 : i32 to vector<16xi32>
          %sub3A_176 = arith.subi %sub3A_175, %select_n3A_106 : vector<16xi32>
          %mul3A_177 = arith.muli %add3A_121, %sub3A_176 : vector<16xi32>
          %add3A_178 = arith.addi %mul3A_173, %mul3A_177 : vector<16xi32>
          tpu.vector_store_idx %arg10[%add3A_178], %add3A_118 : memref<1040xi32, #tpu.memory_space<vmem>>[vector<16xi32>], vector<16xi32>,
          %add3A_179 = arith.addi %scan3A_82, %reduce_sum3A_166 : i32
          %broadcast_in_dim3A_180 = arith.constant true
          %broadcast_in_dim3A_181 = vector.broadcast %broadcast_in_dim3A_180 : i1 to vector<16xi1>
          %masked_cumsum3A_182 = tpu.scan <sum>, %select_n3A_96 masked %broadcast_in_dim3A_181 : vector<16xi32>, vector<16xi1> -> vector<16xi32>
          %reduce_sum3A_183 = arith.constant true
          %reduce_sum3A_184 = vector.broadcast %reduce_sum3A_183 : i1 to vector<16xi1>
          %reduce_sum3A_185 = tpu.scan <sum>, %select_n3A_96 masked %reduce_sum3A_184 : vector<16xi32>, vector<16xi1> -> vector<16xi32>
          %reduce_sum3A_186 = vector.extract %reduce_sum3A_185[15] : i32 from vector<16xi32>
          %add3A_187 = vector.broadcast %scan3A_83 : i32 to vector<16xi32>
          %add3A_188 = arith.addi %add3A_187, %masked_cumsum3A_182 : vector<16xi32>
          %sub3A_189 = arith.constant 1 : i32
          %sub3A_190 = vector.broadcast %sub3A_189 : i32 to vector<16xi32>
          %sub3A_191 = arith.subi %add3A_188, %sub3A_190 : vector<16xi32>
          %min3A_192 = arith.minsi %sub3A_191, %add3A_121 : vector<16xi32>
          %mul3A_193 = arith.muli %min3A_192, %select_n3A_96 : vector<16xi32>
          %sub3A_194 = arith.constant 1 : i32
          %sub3A_195 = vector.broadcast %sub3A_194 : i32 to vector<16xi32>
          %sub3A_196 = arith.subi %sub3A_195, %select_n3A_96 : vector<16xi32>
          %mul3A_197 = arith.muli %add3A_121, %sub3A_196 : vector<16xi32>
          %add3A_198 = arith.addi %mul3A_193, %mul3A_197 : vector<16xi32>
          tpu.vector_store_idx %arg11[%add3A_198], %add3A_118 : memref<1040xi32, #tpu.memory_space<vmem>>[vector<16xi32>], vector<16xi32>,
          %add3A_199 = arith.addi %scan3A_83, %reduce_sum3A_186 : i32
          scf.yield %add3A_139, %add3A_159, %add3A_179, %add3A_199 : i32, i32, i32, i32
        }
        %scan3A_76 = arith.constant 16 : i32
        %add3A_77 = arith.constant 16 : i32
        %add3A_78 = arith.addi %while3A_67, %add3A_77 : i32
        scf.yield %add3A_78, %scan3A_75#0, %scan3A_75#1, %scan3A_75#2, %scan3A_75#3 : i32, i32, i32, i32, i32
      }
      %broadcast_in_dim3A = arith.constant 0 : i32
      %broadcast_in_dim3A_10 = vector.broadcast %broadcast_in_dim3A : i32 to vector<16xi32>
      %while3A_11 = arith.constant 1 : i32
      %while3A_12 = arith.constant 0 : i32
      %while3A_13 = arith.constant 3136 : i32
      %while3A_14 = arith.subi %while3A_13, %while3A_9#0 : i32
      %while3A_15 = arith.addi %while3A_9#0, %while3A_14 : i32
      %while3A_16 = arith.constant 1 : i32
      %while3A_17 = arith.divsi %while3A_14, %while3A_16 : i32
      %while3A_18 = arith.muli %while3A_17, %while3A_16 : i32
      %while3A_19 = arith.addi %while3A_9#0, %while3A_18 : i32
      %while3A_20 = arith.constant 1 : i32
      %while3A_21:4 = scf.for %while3A_67 = %while3A_9#0 to %while3A_19 step %while3A_20 iter_args(%while3A_68 = %broadcast_in_dim3A_10, %while3A_69 = %broadcast_in_dim3A_10, %while3A_70 = %broadcast_in_dim3A_10, %while3A_71 = %broadcast_in_dim3A_10) -> (vector<16xi32>, vector<16xi32>, vector<16xi32>, vector<16xi32>)  : i32 {
        %mul3A_72 = arith.constant 16 : i32
        %mul3A_73 = arith.muli %while3A_67, %mul3A_72 : i32
        %get3A = arith.index_cast %mul3A_73 : i32 to index
        %get3A_74 = tpu.vector_load %arg6[%get3A] {strides = array<i32>} : memref<50176xf32, #tpu.memory_space<vmem>>, vector<16xf32>,
        %get3A_75 = arith.index_cast %mul3A_73 : i32 to index
        %get3A_76 = tpu.vector_load %arg7[%get3A_75] {strides = array<i32>} : memref<50176xf32, #tpu.memory_space<vmem>>, vector<16xf32>,
        %sub3A = arith.constant 1.000000e+00 : f32
        %sub3A_77 = vector.broadcast %sub3A : f32 to vector<16xf32>
        %sub3A_78 = arith.subf %get3A_74, %sub3A_77 : vector<16xf32>
        %abs3A = math.absf %sub3A_78 : vector<16xf32>
        %le3A = arith.constant 0.300010026 : f32
        %le3A_79 = vector.broadcast %le3A : f32 to vector<16xf32>
        %le3A_80 = arith.cmpf ole, %abs3A, %le3A_79 : vector<16xf32>
        %broadcast_in_dim3A_81 = vector.broadcast %while3A_11 : i32 to vector<16xi32>
        %broadcast_in_dim3A_82 = vector.broadcast %while3A_12 : i32 to vector<16xi32>
        %select_n3A_83 = arith.select %le3A_80, %broadcast_in_dim3A_81, %broadcast_in_dim3A_82 : vector<16xi1>, vector<16xi32>
        %sub3A_84 = arith.constant 1.000000e+00 : f32
        %sub3A_85 = vector.broadcast %sub3A_84 : f32 to vector<16xf32>
        %sub3A_86 = arith.subf %get3A_76, %sub3A_85 : vector<16xf32>
        %abs3A_87 = math.absf %sub3A_86 : vector<16xf32>
        %le3A_88 = arith.constant 0.300010026 : f32
        %le3A_89 = vector.broadcast %le3A_88 : f32 to vector<16xf32>
        %le3A_90 = arith.cmpf ole, %abs3A_87, %le3A_89 : vector<16xf32>
        %broadcast_in_dim3A_91 = vector.broadcast %while3A_11 : i32 to vector<16xi32>
        %broadcast_in_dim3A_92 = vector.broadcast %while3A_12 : i32 to vector<16xi32>
        %select_n3A_93 = arith.select %le3A_90, %broadcast_in_dim3A_91, %broadcast_in_dim3A_92 : vector<16xi1>, vector<16xi32>
        %sub3A_94 = arith.constant 1 : i32
        %sub3A_95 = vector.broadcast %sub3A_94 : i32 to vector<16xi32>
        %sub3A_96 = arith.subi %sub3A_95, %select_n3A_93 : vector<16xi32>
        %mul3A_97 = arith.muli %select_n3A_83, %sub3A_96 : vector<16xi32>
        %sub3A_98 = arith.constant 1 : i32
        %sub3A_99 = vector.broadcast %sub3A_98 : i32 to vector<16xi32>
        %sub3A_100 = arith.subi %sub3A_99, %select_n3A_83 : vector<16xi32>
        %mul3A_101 = arith.muli %select_n3A_93, %sub3A_100 : vector<16xi32>
        %add3A_102 = arith.addi %while3A_68, %mul3A_97 : vector<16xi32>
        %add3A_103 = arith.addi %while3A_69, %mul3A_101 : vector<16xi32>
        %add3A_104 = arith.addi %while3A_70, %select_n3A_93 : vector<16xi32>
        %add3A_105 = arith.addi %while3A_71, %select_n3A_83 : vector<16xi32>
        scf.yield %add3A_102, %add3A_103, %add3A_104, %add3A_105 : vector<16xi32>, vector<16xi32>, vector<16xi32>, vector<16xi32>
      }
      %while3A_22 = arith.constant 1 : i32
      %while3A_23:4 = scf.for %while3A_67 = %while3A_19 to %while3A_15 step %while3A_22 iter_args(%while3A_68 = %while3A_21#0, %while3A_69 = %while3A_21#1, %while3A_70 = %while3A_21#2, %while3A_71 = %while3A_21#3) -> (vector<16xi32>, vector<16xi32>, vector<16xi32>, vector<16xi32>)  : i32 {
        %mul3A_72 = arith.constant 16 : i32
        %mul3A_73 = arith.muli %while3A_67, %mul3A_72 : i32
        %get3A = arith.index_cast %mul3A_73 : i32 to index
        %get3A_74 = tpu.vector_load %arg6[%get3A] {strides = array<i32>} : memref<50176xf32, #tpu.memory_space<vmem>>, vector<16xf32>,
        %get3A_75 = arith.index_cast %mul3A_73 : i32 to index
        %get3A_76 = tpu.vector_load %arg7[%get3A_75] {strides = array<i32>} : memref<50176xf32, #tpu.memory_space<vmem>>, vector<16xf32>,
        %sub3A = arith.constant 1.000000e+00 : f32
        %sub3A_77 = vector.broadcast %sub3A : f32 to vector<16xf32>
        %sub3A_78 = arith.subf %get3A_74, %sub3A_77 : vector<16xf32>
        %abs3A = math.absf %sub3A_78 : vector<16xf32>
        %le3A = arith.constant 0.300010026 : f32
        %le3A_79 = vector.broadcast %le3A : f32 to vector<16xf32>
        %le3A_80 = arith.cmpf ole, %abs3A, %le3A_79 : vector<16xf32>
        %broadcast_in_dim3A_81 = vector.broadcast %while3A_11 : i32 to vector<16xi32>
        %broadcast_in_dim3A_82 = vector.broadcast %while3A_12 : i32 to vector<16xi32>
        %select_n3A_83 = arith.select %le3A_80, %broadcast_in_dim3A_81, %broadcast_in_dim3A_82 : vector<16xi1>, vector<16xi32>
        %sub3A_84 = arith.constant 1.000000e+00 : f32
        %sub3A_85 = vector.broadcast %sub3A_84 : f32 to vector<16xf32>
        %sub3A_86 = arith.subf %get3A_76, %sub3A_85 : vector<16xf32>
        %abs3A_87 = math.absf %sub3A_86 : vector<16xf32>
        %le3A_88 = arith.constant 0.300010026 : f32
        %le3A_89 = vector.broadcast %le3A_88 : f32 to vector<16xf32>
        %le3A_90 = arith.cmpf ole, %abs3A_87, %le3A_89 : vector<16xf32>
        %broadcast_in_dim3A_91 = vector.broadcast %while3A_11 : i32 to vector<16xi32>
        %broadcast_in_dim3A_92 = vector.broadcast %while3A_12 : i32 to vector<16xi32>
        %select_n3A_93 = arith.select %le3A_90, %broadcast_in_dim3A_91, %broadcast_in_dim3A_92 : vector<16xi1>, vector<16xi32>
        %sub3A_94 = arith.constant 1 : i32
        %sub3A_95 = vector.broadcast %sub3A_94 : i32 to vector<16xi32>
        %sub3A_96 = arith.subi %sub3A_95, %select_n3A_93 : vector<16xi32>
        %mul3A_97 = arith.muli %select_n3A_83, %sub3A_96 : vector<16xi32>
        %sub3A_98 = arith.constant 1 : i32
        %sub3A_99 = vector.broadcast %sub3A_98 : i32 to vector<16xi32>
        %sub3A_100 = arith.subi %sub3A_99, %select_n3A_83 : vector<16xi32>
        %mul3A_101 = arith.muli %select_n3A_93, %sub3A_100 : vector<16xi32>
        %add3A_102 = arith.addi %while3A_68, %mul3A_97 : vector<16xi32>
        %add3A_103 = arith.addi %while3A_69, %mul3A_101 : vector<16xi32>
        %add3A_104 = arith.addi %while3A_70, %select_n3A_93 : vector<16xi32>
        %add3A_105 = arith.addi %while3A_71, %select_n3A_83 : vector<16xi32>
        scf.yield %add3A_102, %add3A_103, %add3A_104, %add3A_105 : vector<16xi32>, vector<16xi32>, vector<16xi32>, vector<16xi32>
      }
      %reduce_sum3A = arith.constant true
      %reduce_sum3A_24 = vector.broadcast %reduce_sum3A : i1 to vector<16xi1>
      %reduce_sum3A_25 = tpu.scan <sum>, %while3A_23#0 masked %reduce_sum3A_24 : vector<16xi32>, vector<16xi1> -> vector<16xi32>
      %reduce_sum3A_26 = vector.extract %reduce_sum3A_25[15] : i32 from vector<16xi32>
      %add3A_27 = arith.addi %while3A_9#1, %reduce_sum3A_26 : i32
      %reduce_sum3A_28 = arith.constant true
      %reduce_sum3A_29 = vector.broadcast %reduce_sum3A_28 : i1 to vector<16xi1>
      %reduce_sum3A_30 = tpu.scan <sum>, %while3A_23#1 masked %reduce_sum3A_29 : vector<16xi32>, vector<16xi1> -> vector<16xi32>
      %reduce_sum3A_31 = vector.extract %reduce_sum3A_30[15] : i32 from vector<16xi32>
      %add3A_32 = arith.addi %while3A_9#2, %reduce_sum3A_31 : i32
      %reduce_sum3A_33 = arith.constant true
      %reduce_sum3A_34 = vector.broadcast %reduce_sum3A_33 : i1 to vector<16xi1>
      %reduce_sum3A_35 = tpu.scan <sum>, %while3A_23#2 masked %reduce_sum3A_34 : vector<16xi32>, vector<16xi1> -> vector<16xi32>
      %reduce_sum3A_36 = vector.extract %reduce_sum3A_35[15] : i32 from vector<16xi32>
      %add3A_37 = arith.addi %while3A_9#3, %reduce_sum3A_36 : i32
      %reduce_sum3A_38 = arith.constant true
      %reduce_sum3A_39 = vector.broadcast %reduce_sum3A_38 : i1 to vector<16xi1>
      %reduce_sum3A_40 = tpu.scan <sum>, %while3A_23#3 masked %reduce_sum3A_39 : vector<16xi32>, vector<16xi1> -> vector<16xi32>
      %reduce_sum3A_41 = vector.extract %reduce_sum3A_40[15] : i32 from vector<16xi32>
      %add3A_42 = arith.addi %while3A_9#4, %reduce_sum3A_41 : i32
      %eq3A = arith.constant 0 : i32
      %eq3A_43 = vector.broadcast %eq3A : i32 to vector<16xi32>
      %eq3A_44 = arith.cmpi eq, %iota3A, %eq3A_43 : vector<16xi32>
      %broadcast_in_dim3A_45 = vector.broadcast %add3A_27 : i32 to vector<16xi32>
      %eq3A_46 = arith.constant 1 : i32
      %eq3A_47 = vector.broadcast %eq3A_46 : i32 to vector<16xi32>
      %eq3A_48 = arith.cmpi eq, %iota3A, %eq3A_47 : vector<16xi32>
      %broadcast_in_dim3A_49 = vector.broadcast %add3A_32 : i32 to vector<16xi32>
      %eq3A_50 = arith.constant 2 : i32
      %eq3A_51 = vector.broadcast %eq3A_50 : i32 to vector<16xi32>
      %eq3A_52 = arith.cmpi eq, %iota3A, %eq3A_51 : vector<16xi32>
      %broadcast_in_dim3A_53 = vector.broadcast %add3A_37 : i32 to vector<16xi32>
      %eq3A_54 = arith.constant 3 : i32
      %eq3A_55 = vector.broadcast %eq3A_54 : i32 to vector<16xi32>
      %eq3A_56 = arith.cmpi eq, %iota3A, %eq3A_55 : vector<16xi32>
      %broadcast_in_dim3A_57 = vector.broadcast %add3A_42 : i32 to vector<16xi32>
      %broadcast_in_dim3A_58 = arith.constant 0 : i32
      %broadcast_in_dim3A_59 = vector.broadcast %broadcast_in_dim3A_58 : i32 to vector<16xi32>
      %select_n3A = arith.select %eq3A_56, %broadcast_in_dim3A_57, %broadcast_in_dim3A_59 : vector<16xi1>, vector<16xi32>
      %select_n3A_60 = arith.select %eq3A_52, %broadcast_in_dim3A_53, %select_n3A : vector<16xi1>, vector<16xi32>
      %select_n3A_61 = arith.select %eq3A_48, %broadcast_in_dim3A_49, %select_n3A_60 : vector<16xi1>, vector<16xi32>
      %select_n3A_62 = arith.select %eq3A_44, %broadcast_in_dim3A_45, %select_n3A_61 : vector<16xi1>, vector<16xi32>
      %swap3A = arith.constant 0 : index
      %swap3A_63 = tpu.vector_load %arg12[%swap3A] {strides = array<i32>} : memref<16xi32, #tpu.memory_space<vmem>>, vector<16xi32>,
      tpu.vector_store %arg12[%swap3A], %select_n3A_62 {strides = array<i32>} : memref<16xi32, #tpu.memory_space<vmem>>, vector<16xi32>,
      "tpu.region"() ({
        %run_scoped3A_67 = tpu.sem_alloc : memref<!tpu.dma_semaphore, #tpu.memory_space<semaphore_mem>>
        %dma_start3A = arith.constant 0 : i32
        %dma_start3A_68 = tpu.memref_slice %arg5[%add3A, %dma_start3A] : memref<24x16xi32, #tpu.memory_space<hbm>> -> memref<1x16xi32, #tpu.memory_space<hbm>>
        %dma_start3A_69 = tpu.memref_squeeze %dma_start3A_68 : memref<1x16xi32, #tpu.memory_space<hbm>> -> memref<16xi32, #tpu.memory_space<hbm>>
        %dma_start3A_70 = arith.constant 0 : i32
        %dma_start3A_71 = tpu.memref_slice %arg5[%add3A, %dma_start3A_70] : memref<24x16xi32, #tpu.memory_space<hbm>> -> memref<1x16xi32, #tpu.memory_space<hbm>>
        %dma_start3A_72 = tpu.memref_squeeze %dma_start3A_71 : memref<1x16xi32, #tpu.memory_space<hbm>> -> memref<16xi32, #tpu.memory_space<hbm>>
        tpu.enqueue_dma source(%arg12 : memref<16xi32, #tpu.memory_space<vmem>>) target(%dma_start3A_72 : memref<16xi32, #tpu.memory_space<hbm>>) target_semaphore(%run_scoped3A_67 : memref<!tpu.dma_semaphore, #tpu.memory_space<semaphore_mem>>)
        %dma_wait3A = arith.constant 0 : i32
        %dma_wait3A_73 = tpu.memref_slice %arg5[%add3A, %dma_wait3A] : memref<24x16xi32, #tpu.memory_space<hbm>> -> memref<1x16xi32, #tpu.memory_space<hbm>>
        %dma_wait3A_74 = tpu.memref_squeeze %dma_wait3A_73 : memref<1x16xi32, #tpu.memory_space<hbm>> -> memref<16xi32, #tpu.memory_space<hbm>>
        %dma_wait3A_75 = arith.constant 0 : i32
        %dma_wait3A_76 = tpu.memref_slice %arg5[%add3A, %dma_wait3A_75] : memref<24x16xi32, #tpu.memory_space<hbm>> -> memref<1x16xi32, #tpu.memory_space<hbm>>
        %dma_wait3A_77 = tpu.memref_squeeze %dma_wait3A_76 : memref<1x16xi32, #tpu.memory_space<hbm>> -> memref<16xi32, #tpu.memory_space<hbm>>
        tpu.wait_dma2 semaphore(%run_scoped3A_67 : memref<!tpu.dma_semaphore, #tpu.memory_space<semaphore_mem>>) src(%arg12 : memref<16xi32, #tpu.memory_space<vmem>>) dst(%dma_wait3A_77 : memref<16xi32, #tpu.memory_space<hbm>>)
        tpu.yield
      }) : () -> ()
      %run_scoped3A = arith.constant 0 : i32
      "tpu.region"() ({
        %run_scoped3A_67 = tpu.sem_alloc : memref<!tpu.dma_semaphore, #tpu.memory_space<semaphore_mem>>
        %dma_start3A = arith.constant 0 : i32
        %dma_start3A_68 = tpu.memref_slice %arg8[%dma_start3A] : memref<1040xi32, #tpu.memory_space<vmem>> -> memref<1024xi32, #tpu.memory_space<vmem>>
        %dma_start3A_69 = arith.constant 0 : i32
        %dma_start3A_70 = tpu.memref_slice %arg4[%add3A, %run_scoped3A, %dma_start3A_69] : memref<24x4x1024xi32, #tpu.memory_space<hbm>> -> memref<1x1x1024xi32, #tpu.memory_space<hbm>>
        %dma_start3A_71 = tpu.memref_squeeze %dma_start3A_70 : memref<1x1x1024xi32, #tpu.memory_space<hbm>> -> memref<1024xi32, #tpu.memory_space<hbm>>
        %dma_start3A_72 = arith.constant 0 : i32
        %dma_start3A_73 = tpu.memref_slice %arg4[%add3A, %run_scoped3A, %dma_start3A_72] : memref<24x4x1024xi32, #tpu.memory_space<hbm>> -> memref<1x1x1024xi32, #tpu.memory_space<hbm>>
        %dma_start3A_74 = tpu.memref_squeeze %dma_start3A_73 : memref<1x1x1024xi32, #tpu.memory_space<hbm>> -> memref<1024xi32, #tpu.memory_space<hbm>>
        %dma_start3A_75 = arith.constant 0 : i32
        %dma_start3A_76 = tpu.memref_slice %arg8[%dma_start3A_75] : memref<1040xi32, #tpu.memory_space<vmem>> -> memref<1024xi32, #tpu.memory_space<vmem>>
        tpu.enqueue_dma source(%dma_start3A_76 : memref<1024xi32, #tpu.memory_space<vmem>>) target(%dma_start3A_74 : memref<1024xi32, #tpu.memory_space<hbm>>) target_semaphore(%run_scoped3A_67 : memref<!tpu.dma_semaphore, #tpu.memory_space<semaphore_mem>>)
        %dma_wait3A = arith.constant 0 : i32
        %dma_wait3A_77 = tpu.memref_slice %arg8[%dma_wait3A] : memref<1040xi32, #tpu.memory_space<vmem>> -> memref<1024xi32, #tpu.memory_space<vmem>>
        %dma_wait3A_78 = arith.constant 0 : i32
        %dma_wait3A_79 = tpu.memref_slice %arg4[%add3A, %run_scoped3A, %dma_wait3A_78] : memref<24x4x1024xi32, #tpu.memory_space<hbm>> -> memref<1x1x1024xi32, #tpu.memory_space<hbm>>
        %dma_wait3A_80 = tpu.memref_squeeze %dma_wait3A_79 : memref<1x1x1024xi32, #tpu.memory_space<hbm>> -> memref<1024xi32, #tpu.memory_space<hbm>>
        %dma_wait3A_81 = arith.constant 0 : i32
        %dma_wait3A_82 = tpu.memref_slice %arg4[%add3A, %run_scoped3A, %dma_wait3A_81] : memref<24x4x1024xi32, #tpu.memory_space<hbm>> -> memref<1x1x1024xi32, #tpu.memory_space<hbm>>
        %dma_wait3A_83 = tpu.memref_squeeze %dma_wait3A_82 : memref<1x1x1024xi32, #tpu.memory_space<hbm>> -> memref<1024xi32, #tpu.memory_space<hbm>>
        %dma_wait3A_84 = arith.constant 0 : i32
        %dma_wait3A_85 = tpu.memref_slice %arg8[%dma_wait3A_84] : memref<1040xi32, #tpu.memory_space<vmem>> -> memref<1024xi32, #tpu.memory_space<vmem>>
        tpu.wait_dma2 semaphore(%run_scoped3A_67 : memref<!tpu.dma_semaphore, #tpu.memory_space<semaphore_mem>>) src(%dma_wait3A_85 : memref<1024xi32, #tpu.memory_space<vmem>>) dst(%dma_wait3A_83 : memref<1024xi32, #tpu.memory_space<hbm>>)
        tpu.yield
      }) : () -> ()
      %run_scoped3A_64 = arith.constant 1 : i32
      "tpu.region"() ({
        %run_scoped3A_67 = tpu.sem_alloc : memref<!tpu.dma_semaphore, #tpu.memory_space<semaphore_mem>>
        %dma_start3A = arith.constant 0 : i32
        %dma_start3A_68 = tpu.memref_slice %arg9[%dma_start3A] : memref<1040xi32, #tpu.memory_space<vmem>> -> memref<1024xi32, #tpu.memory_space<vmem>>
        %dma_start3A_69 = arith.constant 0 : i32
        %dma_start3A_70 = tpu.memref_slice %arg4[%add3A, %run_scoped3A_64, %dma_start3A_69] : memref<24x4x1024xi32, #tpu.memory_space<hbm>> -> memref<1x1x1024xi32, #tpu.memory_space<hbm>>
        %dma_start3A_71 = tpu.memref_squeeze %dma_start3A_70 : memref<1x1x1024xi32, #tpu.memory_space<hbm>> -> memref<1024xi32, #tpu.memory_space<hbm>>
        %dma_start3A_72 = arith.constant 0 : i32
        %dma_start3A_73 = tpu.memref_slice %arg4[%add3A, %run_scoped3A_64, %dma_start3A_72] : memref<24x4x1024xi32, #tpu.memory_space<hbm>> -> memref<1x1x1024xi32, #tpu.memory_space<hbm>>
        %dma_start3A_74 = tpu.memref_squeeze %dma_start3A_73 : memref<1x1x1024xi32, #tpu.memory_space<hbm>> -> memref<1024xi32, #tpu.memory_space<hbm>>
        %dma_start3A_75 = arith.constant 0 : i32
        %dma_start3A_76 = tpu.memref_slice %arg9[%dma_start3A_75] : memref<1040xi32, #tpu.memory_space<vmem>> -> memref<1024xi32, #tpu.memory_space<vmem>>
        tpu.enqueue_dma source(%dma_start3A_76 : memref<1024xi32, #tpu.memory_space<vmem>>) target(%dma_start3A_74 : memref<1024xi32, #tpu.memory_space<hbm>>) target_semaphore(%run_scoped3A_67 : memref<!tpu.dma_semaphore, #tpu.memory_space<semaphore_mem>>)
        %dma_wait3A = arith.constant 0 : i32
        %dma_wait3A_77 = tpu.memref_slice %arg9[%dma_wait3A] : memref<1040xi32, #tpu.memory_space<vmem>> -> memref<1024xi32, #tpu.memory_space<vmem>>
        %dma_wait3A_78 = arith.constant 0 : i32
        %dma_wait3A_79 = tpu.memref_slice %arg4[%add3A, %run_scoped3A_64, %dma_wait3A_78] : memref<24x4x1024xi32, #tpu.memory_space<hbm>> -> memref<1x1x1024xi32, #tpu.memory_space<hbm>>
        %dma_wait3A_80 = tpu.memref_squeeze %dma_wait3A_79 : memref<1x1x1024xi32, #tpu.memory_space<hbm>> -> memref<1024xi32, #tpu.memory_space<hbm>>
        %dma_wait3A_81 = arith.constant 0 : i32
        %dma_wait3A_82 = tpu.memref_slice %arg4[%add3A, %run_scoped3A_64, %dma_wait3A_81] : memref<24x4x1024xi32, #tpu.memory_space<hbm>> -> memref<1x1x1024xi32, #tpu.memory_space<hbm>>
        %dma_wait3A_83 = tpu.memref_squeeze %dma_wait3A_82 : memref<1x1x1024xi32, #tpu.memory_space<hbm>> -> memref<1024xi32, #tpu.memory_space<hbm>>
        %dma_wait3A_84 = arith.constant 0 : i32
        %dma_wait3A_85 = tpu.memref_slice %arg9[%dma_wait3A_84] : memref<1040xi32, #tpu.memory_space<vmem>> -> memref<1024xi32, #tpu.memory_space<vmem>>
        tpu.wait_dma2 semaphore(%run_scoped3A_67 : memref<!tpu.dma_semaphore, #tpu.memory_space<semaphore_mem>>) src(%dma_wait3A_85 : memref<1024xi32, #tpu.memory_space<vmem>>) dst(%dma_wait3A_83 : memref<1024xi32, #tpu.memory_space<hbm>>)
        tpu.yield
      }) : () -> ()
      %run_scoped3A_65 = arith.constant 2 : i32
      "tpu.region"() ({
        %run_scoped3A_67 = tpu.sem_alloc : memref<!tpu.dma_semaphore, #tpu.memory_space<semaphore_mem>>
        %dma_start3A = arith.constant 0 : i32
        %dma_start3A_68 = tpu.memref_slice %arg10[%dma_start3A] : memref<1040xi32, #tpu.memory_space<vmem>> -> memref<1024xi32, #tpu.memory_space<vmem>>
        %dma_start3A_69 = arith.constant 0 : i32
        %dma_start3A_70 = tpu.memref_slice %arg4[%add3A, %run_scoped3A_65, %dma_start3A_69] : memref<24x4x1024xi32, #tpu.memory_space<hbm>> -> memref<1x1x1024xi32, #tpu.memory_space<hbm>>
        %dma_start3A_71 = tpu.memref_squeeze %dma_start3A_70 : memref<1x1x1024xi32, #tpu.memory_space<hbm>> -> memref<1024xi32, #tpu.memory_space<hbm>>
        %dma_start3A_72 = arith.constant 0 : i32
        %dma_start3A_73 = tpu.memref_slice %arg4[%add3A, %run_scoped3A_65, %dma_start3A_72] : memref<24x4x1024xi32, #tpu.memory_space<hbm>> -> memref<1x1x1024xi32, #tpu.memory_space<hbm>>
        %dma_start3A_74 = tpu.memref_squeeze %dma_start3A_73 : memref<1x1x1024xi32, #tpu.memory_space<hbm>> -> memref<1024xi32, #tpu.memory_space<hbm>>
        %dma_start3A_75 = arith.constant 0 : i32
        %dma_start3A_76 = tpu.memref_slice %arg10[%dma_start3A_75] : memref<1040xi32, #tpu.memory_space<vmem>> -> memref<1024xi32, #tpu.memory_space<vmem>>
        tpu.enqueue_dma source(%dma_start3A_76 : memref<1024xi32, #tpu.memory_space<vmem>>) target(%dma_start3A_74 : memref<1024xi32, #tpu.memory_space<hbm>>) target_semaphore(%run_scoped3A_67 : memref<!tpu.dma_semaphore, #tpu.memory_space<semaphore_mem>>)
        %dma_wait3A = arith.constant 0 : i32
        %dma_wait3A_77 = tpu.memref_slice %arg10[%dma_wait3A] : memref<1040xi32, #tpu.memory_space<vmem>> -> memref<1024xi32, #tpu.memory_space<vmem>>
        %dma_wait3A_78 = arith.constant 0 : i32
        %dma_wait3A_79 = tpu.memref_slice %arg4[%add3A, %run_scoped3A_65, %dma_wait3A_78] : memref<24x4x1024xi32, #tpu.memory_space<hbm>> -> memref<1x1x1024xi32, #tpu.memory_space<hbm>>
        %dma_wait3A_80 = tpu.memref_squeeze %dma_wait3A_79 : memref<1x1x1024xi32, #tpu.memory_space<hbm>> -> memref<1024xi32, #tpu.memory_space<hbm>>
        %dma_wait3A_81 = arith.constant 0 : i32
        %dma_wait3A_82 = tpu.memref_slice %arg4[%add3A, %run_scoped3A_65, %dma_wait3A_81] : memref<24x4x1024xi32, #tpu.memory_space<hbm>> -> memref<1x1x1024xi32, #tpu.memory_space<hbm>>
        %dma_wait3A_83 = tpu.memref_squeeze %dma_wait3A_82 : memref<1x1x1024xi32, #tpu.memory_space<hbm>> -> memref<1024xi32, #tpu.memory_space<hbm>>
        %dma_wait3A_84 = arith.constant 0 : i32
        %dma_wait3A_85 = tpu.memref_slice %arg10[%dma_wait3A_84] : memref<1040xi32, #tpu.memory_space<vmem>> -> memref<1024xi32, #tpu.memory_space<vmem>>
        tpu.wait_dma2 semaphore(%run_scoped3A_67 : memref<!tpu.dma_semaphore, #tpu.memory_space<semaphore_mem>>) src(%dma_wait3A_85 : memref<1024xi32, #tpu.memory_space<vmem>>) dst(%dma_wait3A_83 : memref<1024xi32, #tpu.memory_space<hbm>>)
        tpu.yield
      }) : () -> ()
      %run_scoped3A_66 = arith.constant 3 : i32
      "tpu.region"() ({
        %run_scoped3A_67 = tpu.sem_alloc : memref<!tpu.dma_semaphore, #tpu.memory_space<semaphore_mem>>
        %dma_start3A = arith.constant 0 : i32
        %dma_start3A_68 = tpu.memref_slice %arg11[%dma_start3A] : memref<1040xi32, #tpu.memory_space<vmem>> -> memref<1024xi32, #tpu.memory_space<vmem>>
        %dma_start3A_69 = arith.constant 0 : i32
        %dma_start3A_70 = tpu.memref_slice %arg4[%add3A, %run_scoped3A_66, %dma_start3A_69] : memref<24x4x1024xi32, #tpu.memory_space<hbm>> -> memref<1x1x1024xi32, #tpu.memory_space<hbm>>
        %dma_start3A_71 = tpu.memref_squeeze %dma_start3A_70 : memref<1x1x1024xi32, #tpu.memory_space<hbm>> -> memref<1024xi32, #tpu.memory_space<hbm>>
        %dma_start3A_72 = arith.constant 0 : i32
        %dma_start3A_73 = tpu.memref_slice %arg4[%add3A, %run_scoped3A_66, %dma_start3A_72] : memref<24x4x1024xi32, #tpu.memory_space<hbm>> -> memref<1x1x1024xi32, #tpu.memory_space<hbm>>
        %dma_start3A_74 = tpu.memref_squeeze %dma_start3A_73 : memref<1x1x1024xi32, #tpu.memory_space<hbm>> -> memref<1024xi32, #tpu.memory_space<hbm>>
        %dma_start3A_75 = arith.constant 0 : i32
        %dma_start3A_76 = tpu.memref_slice %arg11[%dma_start3A_75] : memref<1040xi32, #tpu.memory_space<vmem>> -> memref<1024xi32, #tpu.memory_space<vmem>>
        tpu.enqueue_dma source(%dma_start3A_76 : memref<1024xi32, #tpu.memory_space<vmem>>) target(%dma_start3A_74 : memref<1024xi32, #tpu.memory_space<hbm>>) target_semaphore(%run_scoped3A_67 : memref<!tpu.dma_semaphore, #tpu.memory_space<semaphore_mem>>)
        %dma_wait3A = arith.constant 0 : i32
        %dma_wait3A_77 = tpu.memref_slice %arg11[%dma_wait3A] : memref<1040xi32, #tpu.memory_space<vmem>> -> memref<1024xi32, #tpu.memory_space<vmem>>
        %dma_wait3A_78 = arith.constant 0 : i32
        %dma_wait3A_79 = tpu.memref_slice %arg4[%add3A, %run_scoped3A_66, %dma_wait3A_78] : memref<24x4x1024xi32, #tpu.memory_space<hbm>> -> memref<1x1x1024xi32, #tpu.memory_space<hbm>>
        %dma_wait3A_80 = tpu.memref_squeeze %dma_wait3A_79 : memref<1x1x1024xi32, #tpu.memory_space<hbm>> -> memref<1024xi32, #tpu.memory_space<hbm>>
        %dma_wait3A_81 = arith.constant 0 : i32
        %dma_wait3A_82 = tpu.memref_slice %arg4[%add3A, %run_scoped3A_66, %dma_wait3A_81] : memref<24x4x1024xi32, #tpu.memory_space<hbm>> -> memref<1x1x1024xi32, #tpu.memory_space<hbm>>
        %dma_wait3A_83 = tpu.memref_squeeze %dma_wait3A_82 : memref<1x1x1024xi32, #tpu.memory_space<hbm>> -> memref<1024xi32, #tpu.memory_space<hbm>>
        %dma_wait3A_84 = arith.constant 0 : i32
        %dma_wait3A_85 = tpu.memref_slice %arg11[%dma_wait3A_84] : memref<1040xi32, #tpu.memory_space<vmem>> -> memref<1024xi32, #tpu.memory_space<vmem>>
        tpu.wait_dma2 semaphore(%run_scoped3A_67 : memref<!tpu.dma_semaphore, #tpu.memory_space<semaphore_mem>>) src(%dma_wait3A_85 : memref<1024xi32, #tpu.memory_space<vmem>>) dst(%dma_wait3A_83 : memref<1024xi32, #tpu.memory_space<hbm>>)
        tpu.yield
      }) : () -> ()
    } else {
    }
    return
  }
}

module attributes {stable_mosaic.version = 14 : i64} {
  func.func @_tc_pairwise_body(%arg0: i32, %arg1: memref<1x1024x1xi32, #tpu.memory_space<vmem>>, %arg2: memref<1x8x128xi32, #tpu.memory_space<vmem>>, %arg3: memref<48xi32, #tpu.memory_space<smem>>, %arg4: memref<48xi32, #tpu.memory_space<smem>>, %arg5: memref<1x1xf32, #tpu.memory_space<smem>>) attributes {dimension_semantics = [#tpu.dimension_semantics<arbitrary>], iteration_bounds = array<i64: 48>, scalar_prefetch = 0 : i64, scratch_operands = 0 : i64, tpu.core_type = #tpu.core_type<tc>, window_params = [{transform_indices = @transform_0, window_bounds = array<i64: 1, 1024, 1>}, {transform_indices = @transform_1, window_bounds = array<i64: 1, 8, 128>}, {transform_indices = @transform_2, window_bounds = array<i64: 48>}, {transform_indices = @transform_3, window_bounds = array<i64: 48>}, {transform_indices = @transform_4, window_bounds = array<i64: 1, 1>}]} {
    %eq3A = arith.constant 0 : i32
    %eq3A_0 = arith.cmpi eq, %arg0, %eq3A : i32
    %convert_element_type3A = arith.extui %eq3A_0 : i1 to i32
    %cond3A = arith.constant 0 : i32
    %cond3A_1 = arith.cmpi ne, %convert_element_type3A, %cond3A : i32
    scf.if %cond3A_1 {
      %swap3A_1807 = arith.constant 0.000000e+00 : f32
      %swap3A_1808 = arith.constant 0 : index
      %swap3A_1809 = arith.constant 0 : index
      %swap3A_1810 = memref.load %arg5[%swap3A_1808, %swap3A_1809] : memref<1x1xf32, #tpu.memory_space<smem>>
      memref.store %swap3A_1807, %arg5[%swap3A_1808, %swap3A_1809] : memref<1x1xf32, #tpu.memory_space<smem>>
    } else {
    }
    %get3A = arith.index_cast %arg0 : i32 to index
    %get3A_2 = memref.load %arg3[%get3A] : memref<48xi32, #tpu.memory_space<smem>>
    %get3A_3 = arith.index_cast %arg0 : i32 to index
    %get3A_4 = memref.load %arg4[%get3A_3] : memref<48xi32, #tpu.memory_space<smem>>
    %min3A = arith.constant 1000 : i32
    %min3A_5 = arith.minsi %get3A_2, %min3A : i32
    %min3A_6 = arith.constant 1000 : i32
    %min3A_7 = arith.minsi %get3A_4, %min3A_6 : i32
    %get3A_8 = arith.constant 0 : index
    %get3A_9 = arith.constant 0 : index
    %get3A_10 = arith.constant 0 : index
    %get3A_11 = vector.load %arg2[%get3A_8, %get3A_9, %get3A_10] : memref<1x8x128xi32, #tpu.memory_space<vmem>>, vector<1x8x128xi32>
    %get3A_12 = vector.shape_cast %get3A_11 : vector<1x8x128xi32> to vector<8x128xi32>
    %iota3A = tpu.iota {dimensions = array<i32: 1>} : vector<1x128xi32>
    %slice3A = vector.extract_strided_slice %get3A_12 {offsets = [0, 0], sizes = [1, 128], strides = [1, 1]} : vector<8x128xi32> to vector<1x128xi32>
    %add3A = arith.constant 0 : i32
    %add3A_13 = vector.broadcast %add3A : i32 to vector<1x128xi32>
    %add3A_14 = arith.addi %add3A_13, %iota3A : vector<1x128xi32>
    %lt3A = vector.broadcast %min3A_7 : i32 to vector<1x128xi32>
    %lt3A_15 = arith.cmpi slt, %add3A_14, %lt3A : vector<1x128xi32>
    %jit3A = arith.constant 224 : i32
    %div3A = vector.broadcast %jit3A : i32 to vector<1x128xi32>
    %div3A_16 = arith.divsi %slice3A, %div3A : vector<1x128xi32>
    %sign3A = arith.constant 0 : i32
    %sign3A_17 = vector.broadcast %sign3A : i32 to vector<1x128xi32>
    %sign3A_18 = arith.cmpi sgt, %slice3A, %sign3A_17 : vector<1x128xi32>
    %sign3A_19 = arith.extui %sign3A_18 : vector<1x128xi1> to vector<1x128xi32>
    %sign3A_20 = arith.constant 0 : i32
    %sign3A_21 = vector.broadcast %sign3A_20 : i32 to vector<1x128xi32>
    %sign3A_22 = arith.cmpi slt, %slice3A, %sign3A_21 : vector<1x128xi32>
    %sign3A_23 = arith.extui %sign3A_22 : vector<1x128xi1> to vector<1x128xi32>
    %sign3A_24 = arith.subi %sign3A_19, %sign3A_23 : vector<1x128xi32>
    %sign3A_25 = arith.constant 0 : i32
    %sign3A_26 = arith.cmpi sgt, %jit3A, %sign3A_25 : i32
    %sign3A_27 = arith.extui %sign3A_26 : i1 to i32
    %sign3A_28 = arith.constant 0 : i32
    %sign3A_29 = arith.cmpi slt, %jit3A, %sign3A_28 : i32
    %sign3A_30 = arith.extui %sign3A_29 : i1 to i32
    %sign3A_31 = arith.subi %sign3A_27, %sign3A_30 : i32
    %ne3A = vector.broadcast %sign3A_31 : i32 to vector<1x128xi32>
    %ne3A_32 = arith.cmpi ne, %sign3A_24, %ne3A : vector<1x128xi32>
    %rem3A = vector.broadcast %jit3A : i32 to vector<1x128xi32>
    %rem3A_33 = arith.remsi %slice3A, %rem3A : vector<1x128xi32>
    %ne3A_34 = arith.constant 0 : i32
    %ne3A_35 = vector.broadcast %ne3A_34 : i32 to vector<1x128xi32>
    %ne3A_36 = arith.cmpi ne, %rem3A_33, %ne3A_35 : vector<1x128xi32>
    %and3A = arith.andi %ne3A_32, %ne3A_36 : vector<1x128xi1>
    %sub3A = arith.constant 1 : i32
    %sub3A_37 = vector.broadcast %sub3A : i32 to vector<1x128xi32>
    %sub3A_38 = arith.subi %div3A_16, %sub3A_37 : vector<1x128xi32>
    %select_n3A = arith.select %and3A, %sub3A_38, %div3A_16 : vector<1x128xi1>, vector<1x128xi32>
    %convert_element_type3A_39 = arith.sitofp %select_n3A : vector<1x128xi32> to vector<1x128xf32>
    %jit3A_40 = arith.constant 224 : i32
    %eq3A_41 = arith.constant 0 : i32
    %eq3A_42 = arith.cmpi eq, %jit3A_40, %eq3A_41 : i32
    %jit3A_43 = arith.constant 1 : i32
    %select_n3A_44 = arith.select %eq3A_42, %jit3A_43, %jit3A_40 : i32
    %rem3A_45 = vector.broadcast %select_n3A_44 : i32 to vector<1x128xi32>
    %rem3A_46 = arith.remsi %slice3A, %rem3A_45 : vector<1x128xi32>
    %ne3A_47 = arith.constant 0 : i32
    %ne3A_48 = vector.broadcast %ne3A_47 : i32 to vector<1x128xi32>
    %ne3A_49 = arith.cmpi ne, %rem3A_46, %ne3A_48 : vector<1x128xi32>
    %lt3A_50 = arith.constant 0 : i32
    %lt3A_51 = vector.broadcast %lt3A_50 : i32 to vector<1x128xi32>
    %lt3A_52 = arith.cmpi slt, %rem3A_46, %lt3A_51 : vector<1x128xi32>
    %lt3A_53 = arith.constant 0 : i32
    %lt3A_54 = arith.cmpi slt, %select_n3A_44, %lt3A_53 : i32
    %ne3A_55 = vector.broadcast %lt3A_54 : i1 to vector<1x128xi1>
    %ne3A_56 = vector.broadcast %ne3A_55 : vector<1x128xi1> to vector<1x128xi1>
    %ne3A_57 = arith.xori %lt3A_52, %ne3A_56 : vector<1x128xi1>
    %and3A_58 = arith.andi %ne3A_57, %ne3A_49 : vector<1x128xi1>
    %add3A_59 = vector.broadcast %select_n3A_44 : i32 to vector<1x128xi32>
    %add3A_60 = arith.addi %rem3A_46, %add3A_59 : vector<1x128xi32>
    %select_n3A_61 = arith.select %and3A_58, %add3A_60, %rem3A_46 : vector<1x128xi1>, vector<1x128xi32>
    %convert_element_type3A_62 = arith.sitofp %select_n3A_61 : vector<1x128xi32> to vector<1x128xf32>
    %jit3A_63 = arith.constant 0x7F800000 : f32
    %broadcast_in_dim3A = vector.broadcast %jit3A_63 : f32 to vector<1x128xf32>
    %select_n3A_64 = arith.select %lt3A_15, %convert_element_type3A_62, %broadcast_in_dim3A : vector<1x128xi1>, vector<1x128xf32>
    %slice3A_65 = vector.extract_strided_slice %get3A_12 {offsets = [1, 0], sizes = [1, 128], strides = [1, 1]} : vector<8x128xi32> to vector<1x128xi32>
    %add3A_66 = arith.constant 128 : i32
    %add3A_67 = vector.broadcast %add3A_66 : i32 to vector<1x128xi32>
    %add3A_68 = arith.addi %add3A_67, %iota3A : vector<1x128xi32>
    %lt3A_69 = vector.broadcast %min3A_7 : i32 to vector<1x128xi32>
    %lt3A_70 = arith.cmpi slt, %add3A_68, %lt3A_69 : vector<1x128xi32>
    %jit3A_71 = arith.constant 224 : i32
    %div3A_72 = vector.broadcast %jit3A_71 : i32 to vector<1x128xi32>
    %div3A_73 = arith.divsi %slice3A_65, %div3A_72 : vector<1x128xi32>
    %sign3A_74 = arith.constant 0 : i32
    %sign3A_75 = vector.broadcast %sign3A_74 : i32 to vector<1x128xi32>
    %sign3A_76 = arith.cmpi sgt, %slice3A_65, %sign3A_75 : vector<1x128xi32>
    %sign3A_77 = arith.extui %sign3A_76 : vector<1x128xi1> to vector<1x128xi32>
    %sign3A_78 = arith.constant 0 : i32
    %sign3A_79 = vector.broadcast %sign3A_78 : i32 to vector<1x128xi32>
    %sign3A_80 = arith.cmpi slt, %slice3A_65, %sign3A_79 : vector<1x128xi32>
    %sign3A_81 = arith.extui %sign3A_80 : vector<1x128xi1> to vector<1x128xi32>
    %sign3A_82 = arith.subi %sign3A_77, %sign3A_81 : vector<1x128xi32>
    %sign3A_83 = arith.constant 0 : i32
    %sign3A_84 = arith.cmpi sgt, %jit3A_71, %sign3A_83 : i32
    %sign3A_85 = arith.extui %sign3A_84 : i1 to i32
    %sign3A_86 = arith.constant 0 : i32
    %sign3A_87 = arith.cmpi slt, %jit3A_71, %sign3A_86 : i32
    %sign3A_88 = arith.extui %sign3A_87 : i1 to i32
    %sign3A_89 = arith.subi %sign3A_85, %sign3A_88 : i32
    %ne3A_90 = vector.broadcast %sign3A_89 : i32 to vector<1x128xi32>
    %ne3A_91 = arith.cmpi ne, %sign3A_82, %ne3A_90 : vector<1x128xi32>
    %rem3A_92 = vector.broadcast %jit3A_71 : i32 to vector<1x128xi32>
    %rem3A_93 = arith.remsi %slice3A_65, %rem3A_92 : vector<1x128xi32>
    %ne3A_94 = arith.constant 0 : i32
    %ne3A_95 = vector.broadcast %ne3A_94 : i32 to vector<1x128xi32>
    %ne3A_96 = arith.cmpi ne, %rem3A_93, %ne3A_95 : vector<1x128xi32>
    %and3A_97 = arith.andi %ne3A_91, %ne3A_96 : vector<1x128xi1>
    %sub3A_98 = arith.constant 1 : i32
    %sub3A_99 = vector.broadcast %sub3A_98 : i32 to vector<1x128xi32>
    %sub3A_100 = arith.subi %div3A_73, %sub3A_99 : vector<1x128xi32>
    %select_n3A_101 = arith.select %and3A_97, %sub3A_100, %div3A_73 : vector<1x128xi1>, vector<1x128xi32>
    %convert_element_type3A_102 = arith.sitofp %select_n3A_101 : vector<1x128xi32> to vector<1x128xf32>
    %jit3A_103 = arith.constant 224 : i32
    %eq3A_104 = arith.constant 0 : i32
    %eq3A_105 = arith.cmpi eq, %jit3A_103, %eq3A_104 : i32
    %jit3A_106 = arith.constant 1 : i32
    %select_n3A_107 = arith.select %eq3A_105, %jit3A_106, %jit3A_103 : i32
    %rem3A_108 = vector.broadcast %select_n3A_107 : i32 to vector<1x128xi32>
    %rem3A_109 = arith.remsi %slice3A_65, %rem3A_108 : vector<1x128xi32>
    %ne3A_110 = arith.constant 0 : i32
    %ne3A_111 = vector.broadcast %ne3A_110 : i32 to vector<1x128xi32>
    %ne3A_112 = arith.cmpi ne, %rem3A_109, %ne3A_111 : vector<1x128xi32>
    %lt3A_113 = arith.constant 0 : i32
    %lt3A_114 = vector.broadcast %lt3A_113 : i32 to vector<1x128xi32>
    %lt3A_115 = arith.cmpi slt, %rem3A_109, %lt3A_114 : vector<1x128xi32>
    %lt3A_116 = arith.constant 0 : i32
    %lt3A_117 = arith.cmpi slt, %select_n3A_107, %lt3A_116 : i32
    %ne3A_118 = vector.broadcast %lt3A_117 : i1 to vector<1x128xi1>
    %ne3A_119 = vector.broadcast %ne3A_118 : vector<1x128xi1> to vector<1x128xi1>
    %ne3A_120 = arith.xori %lt3A_115, %ne3A_119 : vector<1x128xi1>
    %and3A_121 = arith.andi %ne3A_120, %ne3A_112 : vector<1x128xi1>
    %add3A_122 = vector.broadcast %select_n3A_107 : i32 to vector<1x128xi32>
    %add3A_123 = arith.addi %rem3A_109, %add3A_122 : vector<1x128xi32>
    %select_n3A_124 = arith.select %and3A_121, %add3A_123, %rem3A_109 : vector<1x128xi1>, vector<1x128xi32>
    %convert_element_type3A_125 = arith.sitofp %select_n3A_124 : vector<1x128xi32> to vector<1x128xf32>
    %jit3A_126 = arith.constant 0x7F800000 : f32
    %broadcast_in_dim3A_127 = vector.broadcast %jit3A_126 : f32 to vector<1x128xf32>
    %select_n3A_128 = arith.select %lt3A_70, %convert_element_type3A_125, %broadcast_in_dim3A_127 : vector<1x128xi1>, vector<1x128xf32>
    %slice3A_129 = vector.extract_strided_slice %get3A_12 {offsets = [2, 0], sizes = [1, 128], strides = [1, 1]} : vector<8x128xi32> to vector<1x128xi32>
    %add3A_130 = arith.constant 256 : i32
    %add3A_131 = vector.broadcast %add3A_130 : i32 to vector<1x128xi32>
    %add3A_132 = arith.addi %add3A_131, %iota3A : vector<1x128xi32>
    %lt3A_133 = vector.broadcast %min3A_7 : i32 to vector<1x128xi32>
    %lt3A_134 = arith.cmpi slt, %add3A_132, %lt3A_133 : vector<1x128xi32>
    %jit3A_135 = arith.constant 224 : i32
    %div3A_136 = vector.broadcast %jit3A_135 : i32 to vector<1x128xi32>
    %div3A_137 = arith.divsi %slice3A_129, %div3A_136 : vector<1x128xi32>
    %sign3A_138 = arith.constant 0 : i32
    %sign3A_139 = vector.broadcast %sign3A_138 : i32 to vector<1x128xi32>
    %sign3A_140 = arith.cmpi sgt, %slice3A_129, %sign3A_139 : vector<1x128xi32>
    %sign3A_141 = arith.extui %sign3A_140 : vector<1x128xi1> to vector<1x128xi32>
    %sign3A_142 = arith.constant 0 : i32
    %sign3A_143 = vector.broadcast %sign3A_142 : i32 to vector<1x128xi32>
    %sign3A_144 = arith.cmpi slt, %slice3A_129, %sign3A_143 : vector<1x128xi32>
    %sign3A_145 = arith.extui %sign3A_144 : vector<1x128xi1> to vector<1x128xi32>
    %sign3A_146 = arith.subi %sign3A_141, %sign3A_145 : vector<1x128xi32>
    %sign3A_147 = arith.constant 0 : i32
    %sign3A_148 = arith.cmpi sgt, %jit3A_135, %sign3A_147 : i32
    %sign3A_149 = arith.extui %sign3A_148 : i1 to i32
    %sign3A_150 = arith.constant 0 : i32
    %sign3A_151 = arith.cmpi slt, %jit3A_135, %sign3A_150 : i32
    %sign3A_152 = arith.extui %sign3A_151 : i1 to i32
    %sign3A_153 = arith.subi %sign3A_149, %sign3A_152 : i32
    %ne3A_154 = vector.broadcast %sign3A_153 : i32 to vector<1x128xi32>
    %ne3A_155 = arith.cmpi ne, %sign3A_146, %ne3A_154 : vector<1x128xi32>
    %rem3A_156 = vector.broadcast %jit3A_135 : i32 to vector<1x128xi32>
    %rem3A_157 = arith.remsi %slice3A_129, %rem3A_156 : vector<1x128xi32>
    %ne3A_158 = arith.constant 0 : i32
    %ne3A_159 = vector.broadcast %ne3A_158 : i32 to vector<1x128xi32>
    %ne3A_160 = arith.cmpi ne, %rem3A_157, %ne3A_159 : vector<1x128xi32>
    %and3A_161 = arith.andi %ne3A_155, %ne3A_160 : vector<1x128xi1>
    %sub3A_162 = arith.constant 1 : i32
    %sub3A_163 = vector.broadcast %sub3A_162 : i32 to vector<1x128xi32>
    %sub3A_164 = arith.subi %div3A_137, %sub3A_163 : vector<1x128xi32>
    %select_n3A_165 = arith.select %and3A_161, %sub3A_164, %div3A_137 : vector<1x128xi1>, vector<1x128xi32>
    %convert_element_type3A_166 = arith.sitofp %select_n3A_165 : vector<1x128xi32> to vector<1x128xf32>
    %jit3A_167 = arith.constant 224 : i32
    %eq3A_168 = arith.constant 0 : i32
    %eq3A_169 = arith.cmpi eq, %jit3A_167, %eq3A_168 : i32
    %jit3A_170 = arith.constant 1 : i32
    %select_n3A_171 = arith.select %eq3A_169, %jit3A_170, %jit3A_167 : i32
    %rem3A_172 = vector.broadcast %select_n3A_171 : i32 to vector<1x128xi32>
    %rem3A_173 = arith.remsi %slice3A_129, %rem3A_172 : vector<1x128xi32>
    %ne3A_174 = arith.constant 0 : i32
    %ne3A_175 = vector.broadcast %ne3A_174 : i32 to vector<1x128xi32>
    %ne3A_176 = arith.cmpi ne, %rem3A_173, %ne3A_175 : vector<1x128xi32>
    %lt3A_177 = arith.constant 0 : i32
    %lt3A_178 = vector.broadcast %lt3A_177 : i32 to vector<1x128xi32>
    %lt3A_179 = arith.cmpi slt, %rem3A_173, %lt3A_178 : vector<1x128xi32>
    %lt3A_180 = arith.constant 0 : i32
    %lt3A_181 = arith.cmpi slt, %select_n3A_171, %lt3A_180 : i32
    %ne3A_182 = vector.broadcast %lt3A_181 : i1 to vector<1x128xi1>
    %ne3A_183 = vector.broadcast %ne3A_182 : vector<1x128xi1> to vector<1x128xi1>
    %ne3A_184 = arith.xori %lt3A_179, %ne3A_183 : vector<1x128xi1>
    %and3A_185 = arith.andi %ne3A_184, %ne3A_176 : vector<1x128xi1>
    %add3A_186 = vector.broadcast %select_n3A_171 : i32 to vector<1x128xi32>
    %add3A_187 = arith.addi %rem3A_173, %add3A_186 : vector<1x128xi32>
    %select_n3A_188 = arith.select %and3A_185, %add3A_187, %rem3A_173 : vector<1x128xi1>, vector<1x128xi32>
    %convert_element_type3A_189 = arith.sitofp %select_n3A_188 : vector<1x128xi32> to vector<1x128xf32>
    %jit3A_190 = arith.constant 0x7F800000 : f32
    %broadcast_in_dim3A_191 = vector.broadcast %jit3A_190 : f32 to vector<1x128xf32>
    %select_n3A_192 = arith.select %lt3A_134, %convert_element_type3A_189, %broadcast_in_dim3A_191 : vector<1x128xi1>, vector<1x128xf32>
    %slice3A_193 = vector.extract_strided_slice %get3A_12 {offsets = [3, 0], sizes = [1, 128], strides = [1, 1]} : vector<8x128xi32> to vector<1x128xi32>
    %add3A_194 = arith.constant 384 : i32
    %add3A_195 = vector.broadcast %add3A_194 : i32 to vector<1x128xi32>
    %add3A_196 = arith.addi %add3A_195, %iota3A : vector<1x128xi32>
    %lt3A_197 = vector.broadcast %min3A_7 : i32 to vector<1x128xi32>
    %lt3A_198 = arith.cmpi slt, %add3A_196, %lt3A_197 : vector<1x128xi32>
    %jit3A_199 = arith.constant 224 : i32
    %div3A_200 = vector.broadcast %jit3A_199 : i32 to vector<1x128xi32>
    %div3A_201 = arith.divsi %slice3A_193, %div3A_200 : vector<1x128xi32>
    %sign3A_202 = arith.constant 0 : i32
    %sign3A_203 = vector.broadcast %sign3A_202 : i32 to vector<1x128xi32>
    %sign3A_204 = arith.cmpi sgt, %slice3A_193, %sign3A_203 : vector<1x128xi32>
    %sign3A_205 = arith.extui %sign3A_204 : vector<1x128xi1> to vector<1x128xi32>
    %sign3A_206 = arith.constant 0 : i32
    %sign3A_207 = vector.broadcast %sign3A_206 : i32 to vector<1x128xi32>
    %sign3A_208 = arith.cmpi slt, %slice3A_193, %sign3A_207 : vector<1x128xi32>
    %sign3A_209 = arith.extui %sign3A_208 : vector<1x128xi1> to vector<1x128xi32>
    %sign3A_210 = arith.subi %sign3A_205, %sign3A_209 : vector<1x128xi32>
    %sign3A_211 = arith.constant 0 : i32
    %sign3A_212 = arith.cmpi sgt, %jit3A_199, %sign3A_211 : i32
    %sign3A_213 = arith.extui %sign3A_212 : i1 to i32
    %sign3A_214 = arith.constant 0 : i32
    %sign3A_215 = arith.cmpi slt, %jit3A_199, %sign3A_214 : i32
    %sign3A_216 = arith.extui %sign3A_215 : i1 to i32
    %sign3A_217 = arith.subi %sign3A_213, %sign3A_216 : i32
    %ne3A_218 = vector.broadcast %sign3A_217 : i32 to vector<1x128xi32>
    %ne3A_219 = arith.cmpi ne, %sign3A_210, %ne3A_218 : vector<1x128xi32>
    %rem3A_220 = vector.broadcast %jit3A_199 : i32 to vector<1x128xi32>
    %rem3A_221 = arith.remsi %slice3A_193, %rem3A_220 : vector<1x128xi32>
    %ne3A_222 = arith.constant 0 : i32
    %ne3A_223 = vector.broadcast %ne3A_222 : i32 to vector<1x128xi32>
    %ne3A_224 = arith.cmpi ne, %rem3A_221, %ne3A_223 : vector<1x128xi32>
    %and3A_225 = arith.andi %ne3A_219, %ne3A_224 : vector<1x128xi1>
    %sub3A_226 = arith.constant 1 : i32
    %sub3A_227 = vector.broadcast %sub3A_226 : i32 to vector<1x128xi32>
    %sub3A_228 = arith.subi %div3A_201, %sub3A_227 : vector<1x128xi32>
    %select_n3A_229 = arith.select %and3A_225, %sub3A_228, %div3A_201 : vector<1x128xi1>, vector<1x128xi32>
    %convert_element_type3A_230 = arith.sitofp %select_n3A_229 : vector<1x128xi32> to vector<1x128xf32>
    %jit3A_231 = arith.constant 224 : i32
    %eq3A_232 = arith.constant 0 : i32
    %eq3A_233 = arith.cmpi eq, %jit3A_231, %eq3A_232 : i32
    %jit3A_234 = arith.constant 1 : i32
    %select_n3A_235 = arith.select %eq3A_233, %jit3A_234, %jit3A_231 : i32
    %rem3A_236 = vector.broadcast %select_n3A_235 : i32 to vector<1x128xi32>
    %rem3A_237 = arith.remsi %slice3A_193, %rem3A_236 : vector<1x128xi32>
    %ne3A_238 = arith.constant 0 : i32
    %ne3A_239 = vector.broadcast %ne3A_238 : i32 to vector<1x128xi32>
    %ne3A_240 = arith.cmpi ne, %rem3A_237, %ne3A_239 : vector<1x128xi32>
    %lt3A_241 = arith.constant 0 : i32
    %lt3A_242 = vector.broadcast %lt3A_241 : i32 to vector<1x128xi32>
    %lt3A_243 = arith.cmpi slt, %rem3A_237, %lt3A_242 : vector<1x128xi32>
    %lt3A_244 = arith.constant 0 : i32
    %lt3A_245 = arith.cmpi slt, %select_n3A_235, %lt3A_244 : i32
    %ne3A_246 = vector.broadcast %lt3A_245 : i1 to vector<1x128xi1>
    %ne3A_247 = vector.broadcast %ne3A_246 : vector<1x128xi1> to vector<1x128xi1>
    %ne3A_248 = arith.xori %lt3A_243, %ne3A_247 : vector<1x128xi1>
    %and3A_249 = arith.andi %ne3A_248, %ne3A_240 : vector<1x128xi1>
    %add3A_250 = vector.broadcast %select_n3A_235 : i32 to vector<1x128xi32>
    %add3A_251 = arith.addi %rem3A_237, %add3A_250 : vector<1x128xi32>
    %select_n3A_252 = arith.select %and3A_249, %add3A_251, %rem3A_237 : vector<1x128xi1>, vector<1x128xi32>
    %convert_element_type3A_253 = arith.sitofp %select_n3A_252 : vector<1x128xi32> to vector<1x128xf32>
    %jit3A_254 = arith.constant 0x7F800000 : f32
    %broadcast_in_dim3A_255 = vector.broadcast %jit3A_254 : f32 to vector<1x128xf32>
    %select_n3A_256 = arith.select %lt3A_198, %convert_element_type3A_253, %broadcast_in_dim3A_255 : vector<1x128xi1>, vector<1x128xf32>
    %slice3A_257 = vector.extract_strided_slice %get3A_12 {offsets = [4, 0], sizes = [1, 128], strides = [1, 1]} : vector<8x128xi32> to vector<1x128xi32>
    %add3A_258 = arith.constant 512 : i32
    %add3A_259 = vector.broadcast %add3A_258 : i32 to vector<1x128xi32>
    %add3A_260 = arith.addi %add3A_259, %iota3A : vector<1x128xi32>
    %lt3A_261 = vector.broadcast %min3A_7 : i32 to vector<1x128xi32>
    %lt3A_262 = arith.cmpi slt, %add3A_260, %lt3A_261 : vector<1x128xi32>
    %jit3A_263 = arith.constant 224 : i32
    %div3A_264 = vector.broadcast %jit3A_263 : i32 to vector<1x128xi32>
    %div3A_265 = arith.divsi %slice3A_257, %div3A_264 : vector<1x128xi32>
    %sign3A_266 = arith.constant 0 : i32
    %sign3A_267 = vector.broadcast %sign3A_266 : i32 to vector<1x128xi32>
    %sign3A_268 = arith.cmpi sgt, %slice3A_257, %sign3A_267 : vector<1x128xi32>
    %sign3A_269 = arith.extui %sign3A_268 : vector<1x128xi1> to vector<1x128xi32>
    %sign3A_270 = arith.constant 0 : i32
    %sign3A_271 = vector.broadcast %sign3A_270 : i32 to vector<1x128xi32>
    %sign3A_272 = arith.cmpi slt, %slice3A_257, %sign3A_271 : vector<1x128xi32>
    %sign3A_273 = arith.extui %sign3A_272 : vector<1x128xi1> to vector<1x128xi32>
    %sign3A_274 = arith.subi %sign3A_269, %sign3A_273 : vector<1x128xi32>
    %sign3A_275 = arith.constant 0 : i32
    %sign3A_276 = arith.cmpi sgt, %jit3A_263, %sign3A_275 : i32
    %sign3A_277 = arith.extui %sign3A_276 : i1 to i32
    %sign3A_278 = arith.constant 0 : i32
    %sign3A_279 = arith.cmpi slt, %jit3A_263, %sign3A_278 : i32
    %sign3A_280 = arith.extui %sign3A_279 : i1 to i32
    %sign3A_281 = arith.subi %sign3A_277, %sign3A_280 : i32
    %ne3A_282 = vector.broadcast %sign3A_281 : i32 to vector<1x128xi32>
    %ne3A_283 = arith.cmpi ne, %sign3A_274, %ne3A_282 : vector<1x128xi32>
    %rem3A_284 = vector.broadcast %jit3A_263 : i32 to vector<1x128xi32>
    %rem3A_285 = arith.remsi %slice3A_257, %rem3A_284 : vector<1x128xi32>
    %ne3A_286 = arith.constant 0 : i32
    %ne3A_287 = vector.broadcast %ne3A_286 : i32 to vector<1x128xi32>
    %ne3A_288 = arith.cmpi ne, %rem3A_285, %ne3A_287 : vector<1x128xi32>
    %and3A_289 = arith.andi %ne3A_283, %ne3A_288 : vector<1x128xi1>
    %sub3A_290 = arith.constant 1 : i32
    %sub3A_291 = vector.broadcast %sub3A_290 : i32 to vector<1x128xi32>
    %sub3A_292 = arith.subi %div3A_265, %sub3A_291 : vector<1x128xi32>
    %select_n3A_293 = arith.select %and3A_289, %sub3A_292, %div3A_265 : vector<1x128xi1>, vector<1x128xi32>
    %convert_element_type3A_294 = arith.sitofp %select_n3A_293 : vector<1x128xi32> to vector<1x128xf32>
    %jit3A_295 = arith.constant 224 : i32
    %eq3A_296 = arith.constant 0 : i32
    %eq3A_297 = arith.cmpi eq, %jit3A_295, %eq3A_296 : i32
    %jit3A_298 = arith.constant 1 : i32
    %select_n3A_299 = arith.select %eq3A_297, %jit3A_298, %jit3A_295 : i32
    %rem3A_300 = vector.broadcast %select_n3A_299 : i32 to vector<1x128xi32>
    %rem3A_301 = arith.remsi %slice3A_257, %rem3A_300 : vector<1x128xi32>
    %ne3A_302 = arith.constant 0 : i32
    %ne3A_303 = vector.broadcast %ne3A_302 : i32 to vector<1x128xi32>
    %ne3A_304 = arith.cmpi ne, %rem3A_301, %ne3A_303 : vector<1x128xi32>
    %lt3A_305 = arith.constant 0 : i32
    %lt3A_306 = vector.broadcast %lt3A_305 : i32 to vector<1x128xi32>
    %lt3A_307 = arith.cmpi slt, %rem3A_301, %lt3A_306 : vector<1x128xi32>
    %lt3A_308 = arith.constant 0 : i32
    %lt3A_309 = arith.cmpi slt, %select_n3A_299, %lt3A_308 : i32
    %ne3A_310 = vector.broadcast %lt3A_309 : i1 to vector<1x128xi1>
    %ne3A_311 = vector.broadcast %ne3A_310 : vector<1x128xi1> to vector<1x128xi1>
    %ne3A_312 = arith.xori %lt3A_307, %ne3A_311 : vector<1x128xi1>
    %and3A_313 = arith.andi %ne3A_312, %ne3A_304 : vector<1x128xi1>
    %add3A_314 = vector.broadcast %select_n3A_299 : i32 to vector<1x128xi32>
    %add3A_315 = arith.addi %rem3A_301, %add3A_314 : vector<1x128xi32>
    %select_n3A_316 = arith.select %and3A_313, %add3A_315, %rem3A_301 : vector<1x128xi1>, vector<1x128xi32>
    %convert_element_type3A_317 = arith.sitofp %select_n3A_316 : vector<1x128xi32> to vector<1x128xf32>
    %jit3A_318 = arith.constant 0x7F800000 : f32
    %broadcast_in_dim3A_319 = vector.broadcast %jit3A_318 : f32 to vector<1x128xf32>
    %select_n3A_320 = arith.select %lt3A_262, %convert_element_type3A_317, %broadcast_in_dim3A_319 : vector<1x128xi1>, vector<1x128xf32>
    %slice3A_321 = vector.extract_strided_slice %get3A_12 {offsets = [5, 0], sizes = [1, 128], strides = [1, 1]} : vector<8x128xi32> to vector<1x128xi32>
    %add3A_322 = arith.constant 640 : i32
    %add3A_323 = vector.broadcast %add3A_322 : i32 to vector<1x128xi32>
    %add3A_324 = arith.addi %add3A_323, %iota3A : vector<1x128xi32>
    %lt3A_325 = vector.broadcast %min3A_7 : i32 to vector<1x128xi32>
    %lt3A_326 = arith.cmpi slt, %add3A_324, %lt3A_325 : vector<1x128xi32>
    %jit3A_327 = arith.constant 224 : i32
    %div3A_328 = vector.broadcast %jit3A_327 : i32 to vector<1x128xi32>
    %div3A_329 = arith.divsi %slice3A_321, %div3A_328 : vector<1x128xi32>
    %sign3A_330 = arith.constant 0 : i32
    %sign3A_331 = vector.broadcast %sign3A_330 : i32 to vector<1x128xi32>
    %sign3A_332 = arith.cmpi sgt, %slice3A_321, %sign3A_331 : vector<1x128xi32>
    %sign3A_333 = arith.extui %sign3A_332 : vector<1x128xi1> to vector<1x128xi32>
    %sign3A_334 = arith.constant 0 : i32
    %sign3A_335 = vector.broadcast %sign3A_334 : i32 to vector<1x128xi32>
    %sign3A_336 = arith.cmpi slt, %slice3A_321, %sign3A_335 : vector<1x128xi32>
    %sign3A_337 = arith.extui %sign3A_336 : vector<1x128xi1> to vector<1x128xi32>
    %sign3A_338 = arith.subi %sign3A_333, %sign3A_337 : vector<1x128xi32>
    %sign3A_339 = arith.constant 0 : i32
    %sign3A_340 = arith.cmpi sgt, %jit3A_327, %sign3A_339 : i32
    %sign3A_341 = arith.extui %sign3A_340 : i1 to i32
    %sign3A_342 = arith.constant 0 : i32
    %sign3A_343 = arith.cmpi slt, %jit3A_327, %sign3A_342 : i32
    %sign3A_344 = arith.extui %sign3A_343 : i1 to i32
    %sign3A_345 = arith.subi %sign3A_341, %sign3A_344 : i32
    %ne3A_346 = vector.broadcast %sign3A_345 : i32 to vector<1x128xi32>
    %ne3A_347 = arith.cmpi ne, %sign3A_338, %ne3A_346 : vector<1x128xi32>
    %rem3A_348 = vector.broadcast %jit3A_327 : i32 to vector<1x128xi32>
    %rem3A_349 = arith.remsi %slice3A_321, %rem3A_348 : vector<1x128xi32>
    %ne3A_350 = arith.constant 0 : i32
    %ne3A_351 = vector.broadcast %ne3A_350 : i32 to vector<1x128xi32>
    %ne3A_352 = arith.cmpi ne, %rem3A_349, %ne3A_351 : vector<1x128xi32>
    %and3A_353 = arith.andi %ne3A_347, %ne3A_352 : vector<1x128xi1>
    %sub3A_354 = arith.constant 1 : i32
    %sub3A_355 = vector.broadcast %sub3A_354 : i32 to vector<1x128xi32>
    %sub3A_356 = arith.subi %div3A_329, %sub3A_355 : vector<1x128xi32>
    %select_n3A_357 = arith.select %and3A_353, %sub3A_356, %div3A_329 : vector<1x128xi1>, vector<1x128xi32>
    %convert_element_type3A_358 = arith.sitofp %select_n3A_357 : vector<1x128xi32> to vector<1x128xf32>
    %jit3A_359 = arith.constant 224 : i32
    %eq3A_360 = arith.constant 0 : i32
    %eq3A_361 = arith.cmpi eq, %jit3A_359, %eq3A_360 : i32
    %jit3A_362 = arith.constant 1 : i32
    %select_n3A_363 = arith.select %eq3A_361, %jit3A_362, %jit3A_359 : i32
    %rem3A_364 = vector.broadcast %select_n3A_363 : i32 to vector<1x128xi32>
    %rem3A_365 = arith.remsi %slice3A_321, %rem3A_364 : vector<1x128xi32>
    %ne3A_366 = arith.constant 0 : i32
    %ne3A_367 = vector.broadcast %ne3A_366 : i32 to vector<1x128xi32>
    %ne3A_368 = arith.cmpi ne, %rem3A_365, %ne3A_367 : vector<1x128xi32>
    %lt3A_369 = arith.constant 0 : i32
    %lt3A_370 = vector.broadcast %lt3A_369 : i32 to vector<1x128xi32>
    %lt3A_371 = arith.cmpi slt, %rem3A_365, %lt3A_370 : vector<1x128xi32>
    %lt3A_372 = arith.constant 0 : i32
    %lt3A_373 = arith.cmpi slt, %select_n3A_363, %lt3A_372 : i32
    %ne3A_374 = vector.broadcast %lt3A_373 : i1 to vector<1x128xi1>
    %ne3A_375 = vector.broadcast %ne3A_374 : vector<1x128xi1> to vector<1x128xi1>
    %ne3A_376 = arith.xori %lt3A_371, %ne3A_375 : vector<1x128xi1>
    %and3A_377 = arith.andi %ne3A_376, %ne3A_368 : vector<1x128xi1>
    %add3A_378 = vector.broadcast %select_n3A_363 : i32 to vector<1x128xi32>
    %add3A_379 = arith.addi %rem3A_365, %add3A_378 : vector<1x128xi32>
    %select_n3A_380 = arith.select %and3A_377, %add3A_379, %rem3A_365 : vector<1x128xi1>, vector<1x128xi32>
    %convert_element_type3A_381 = arith.sitofp %select_n3A_380 : vector<1x128xi32> to vector<1x128xf32>
    %jit3A_382 = arith.constant 0x7F800000 : f32
    %broadcast_in_dim3A_383 = vector.broadcast %jit3A_382 : f32 to vector<1x128xf32>
    %select_n3A_384 = arith.select %lt3A_326, %convert_element_type3A_381, %broadcast_in_dim3A_383 : vector<1x128xi1>, vector<1x128xf32>
    %slice3A_385 = vector.extract_strided_slice %get3A_12 {offsets = [6, 0], sizes = [1, 128], strides = [1, 1]} : vector<8x128xi32> to vector<1x128xi32>
    %add3A_386 = arith.constant 768 : i32
    %add3A_387 = vector.broadcast %add3A_386 : i32 to vector<1x128xi32>
    %add3A_388 = arith.addi %add3A_387, %iota3A : vector<1x128xi32>
    %lt3A_389 = vector.broadcast %min3A_7 : i32 to vector<1x128xi32>
    %lt3A_390 = arith.cmpi slt, %add3A_388, %lt3A_389 : vector<1x128xi32>
    %jit3A_391 = arith.constant 224 : i32
    %div3A_392 = vector.broadcast %jit3A_391 : i32 to vector<1x128xi32>
    %div3A_393 = arith.divsi %slice3A_385, %div3A_392 : vector<1x128xi32>
    %sign3A_394 = arith.constant 0 : i32
    %sign3A_395 = vector.broadcast %sign3A_394 : i32 to vector<1x128xi32>
    %sign3A_396 = arith.cmpi sgt, %slice3A_385, %sign3A_395 : vector<1x128xi32>
    %sign3A_397 = arith.extui %sign3A_396 : vector<1x128xi1> to vector<1x128xi32>
    %sign3A_398 = arith.constant 0 : i32
    %sign3A_399 = vector.broadcast %sign3A_398 : i32 to vector<1x128xi32>
    %sign3A_400 = arith.cmpi slt, %slice3A_385, %sign3A_399 : vector<1x128xi32>
    %sign3A_401 = arith.extui %sign3A_400 : vector<1x128xi1> to vector<1x128xi32>
    %sign3A_402 = arith.subi %sign3A_397, %sign3A_401 : vector<1x128xi32>
    %sign3A_403 = arith.constant 0 : i32
    %sign3A_404 = arith.cmpi sgt, %jit3A_391, %sign3A_403 : i32
    %sign3A_405 = arith.extui %sign3A_404 : i1 to i32
    %sign3A_406 = arith.constant 0 : i32
    %sign3A_407 = arith.cmpi slt, %jit3A_391, %sign3A_406 : i32
    %sign3A_408 = arith.extui %sign3A_407 : i1 to i32
    %sign3A_409 = arith.subi %sign3A_405, %sign3A_408 : i32
    %ne3A_410 = vector.broadcast %sign3A_409 : i32 to vector<1x128xi32>
    %ne3A_411 = arith.cmpi ne, %sign3A_402, %ne3A_410 : vector<1x128xi32>
    %rem3A_412 = vector.broadcast %jit3A_391 : i32 to vector<1x128xi32>
    %rem3A_413 = arith.remsi %slice3A_385, %rem3A_412 : vector<1x128xi32>
    %ne3A_414 = arith.constant 0 : i32
    %ne3A_415 = vector.broadcast %ne3A_414 : i32 to vector<1x128xi32>
    %ne3A_416 = arith.cmpi ne, %rem3A_413, %ne3A_415 : vector<1x128xi32>
    %and3A_417 = arith.andi %ne3A_411, %ne3A_416 : vector<1x128xi1>
    %sub3A_418 = arith.constant 1 : i32
    %sub3A_419 = vector.broadcast %sub3A_418 : i32 to vector<1x128xi32>
    %sub3A_420 = arith.subi %div3A_393, %sub3A_419 : vector<1x128xi32>
    %select_n3A_421 = arith.select %and3A_417, %sub3A_420, %div3A_393 : vector<1x128xi1>, vector<1x128xi32>
    %convert_element_type3A_422 = arith.sitofp %select_n3A_421 : vector<1x128xi32> to vector<1x128xf32>
    %jit3A_423 = arith.constant 224 : i32
    %eq3A_424 = arith.constant 0 : i32
    %eq3A_425 = arith.cmpi eq, %jit3A_423, %eq3A_424 : i32
    %jit3A_426 = arith.constant 1 : i32
    %select_n3A_427 = arith.select %eq3A_425, %jit3A_426, %jit3A_423 : i32
    %rem3A_428 = vector.broadcast %select_n3A_427 : i32 to vector<1x128xi32>
    %rem3A_429 = arith.remsi %slice3A_385, %rem3A_428 : vector<1x128xi32>
    %ne3A_430 = arith.constant 0 : i32
    %ne3A_431 = vector.broadcast %ne3A_430 : i32 to vector<1x128xi32>
    %ne3A_432 = arith.cmpi ne, %rem3A_429, %ne3A_431 : vector<1x128xi32>
    %lt3A_433 = arith.constant 0 : i32
    %lt3A_434 = vector.broadcast %lt3A_433 : i32 to vector<1x128xi32>
    %lt3A_435 = arith.cmpi slt, %rem3A_429, %lt3A_434 : vector<1x128xi32>
    %lt3A_436 = arith.constant 0 : i32
    %lt3A_437 = arith.cmpi slt, %select_n3A_427, %lt3A_436 : i32
    %ne3A_438 = vector.broadcast %lt3A_437 : i1 to vector<1x128xi1>
    %ne3A_439 = vector.broadcast %ne3A_438 : vector<1x128xi1> to vector<1x128xi1>
    %ne3A_440 = arith.xori %lt3A_435, %ne3A_439 : vector<1x128xi1>
    %and3A_441 = arith.andi %ne3A_440, %ne3A_432 : vector<1x128xi1>
    %add3A_442 = vector.broadcast %select_n3A_427 : i32 to vector<1x128xi32>
    %add3A_443 = arith.addi %rem3A_429, %add3A_442 : vector<1x128xi32>
    %select_n3A_444 = arith.select %and3A_441, %add3A_443, %rem3A_429 : vector<1x128xi1>, vector<1x128xi32>
    %convert_element_type3A_445 = arith.sitofp %select_n3A_444 : vector<1x128xi32> to vector<1x128xf32>
    %jit3A_446 = arith.constant 0x7F800000 : f32
    %broadcast_in_dim3A_447 = vector.broadcast %jit3A_446 : f32 to vector<1x128xf32>
    %select_n3A_448 = arith.select %lt3A_390, %convert_element_type3A_445, %broadcast_in_dim3A_447 : vector<1x128xi1>, vector<1x128xf32>
    %slice3A_449 = vector.extract_strided_slice %get3A_12 {offsets = [7, 0], sizes = [1, 128], strides = [1, 1]} : vector<8x128xi32> to vector<1x128xi32>
    %add3A_450 = arith.constant 896 : i32
    %add3A_451 = vector.broadcast %add3A_450 : i32 to vector<1x128xi32>
    %add3A_452 = arith.addi %add3A_451, %iota3A : vector<1x128xi32>
    %lt3A_453 = vector.broadcast %min3A_7 : i32 to vector<1x128xi32>
    %lt3A_454 = arith.cmpi slt, %add3A_452, %lt3A_453 : vector<1x128xi32>
    %jit3A_455 = arith.constant 224 : i32
    %div3A_456 = vector.broadcast %jit3A_455 : i32 to vector<1x128xi32>
    %div3A_457 = arith.divsi %slice3A_449, %div3A_456 : vector<1x128xi32>
    %sign3A_458 = arith.constant 0 : i32
    %sign3A_459 = vector.broadcast %sign3A_458 : i32 to vector<1x128xi32>
    %sign3A_460 = arith.cmpi sgt, %slice3A_449, %sign3A_459 : vector<1x128xi32>
    %sign3A_461 = arith.extui %sign3A_460 : vector<1x128xi1> to vector<1x128xi32>
    %sign3A_462 = arith.constant 0 : i32
    %sign3A_463 = vector.broadcast %sign3A_462 : i32 to vector<1x128xi32>
    %sign3A_464 = arith.cmpi slt, %slice3A_449, %sign3A_463 : vector<1x128xi32>
    %sign3A_465 = arith.extui %sign3A_464 : vector<1x128xi1> to vector<1x128xi32>
    %sign3A_466 = arith.subi %sign3A_461, %sign3A_465 : vector<1x128xi32>
    %sign3A_467 = arith.constant 0 : i32
    %sign3A_468 = arith.cmpi sgt, %jit3A_455, %sign3A_467 : i32
    %sign3A_469 = arith.extui %sign3A_468 : i1 to i32
    %sign3A_470 = arith.constant 0 : i32
    %sign3A_471 = arith.cmpi slt, %jit3A_455, %sign3A_470 : i32
    %sign3A_472 = arith.extui %sign3A_471 : i1 to i32
    %sign3A_473 = arith.subi %sign3A_469, %sign3A_472 : i32
    %ne3A_474 = vector.broadcast %sign3A_473 : i32 to vector<1x128xi32>
    %ne3A_475 = arith.cmpi ne, %sign3A_466, %ne3A_474 : vector<1x128xi32>
    %rem3A_476 = vector.broadcast %jit3A_455 : i32 to vector<1x128xi32>
    %rem3A_477 = arith.remsi %slice3A_449, %rem3A_476 : vector<1x128xi32>
    %ne3A_478 = arith.constant 0 : i32
    %ne3A_479 = vector.broadcast %ne3A_478 : i32 to vector<1x128xi32>
    %ne3A_480 = arith.cmpi ne, %rem3A_477, %ne3A_479 : vector<1x128xi32>
    %and3A_481 = arith.andi %ne3A_475, %ne3A_480 : vector<1x128xi1>
    %sub3A_482 = arith.constant 1 : i32
    %sub3A_483 = vector.broadcast %sub3A_482 : i32 to vector<1x128xi32>
    %sub3A_484 = arith.subi %div3A_457, %sub3A_483 : vector<1x128xi32>
    %select_n3A_485 = arith.select %and3A_481, %sub3A_484, %div3A_457 : vector<1x128xi1>, vector<1x128xi32>
    %convert_element_type3A_486 = arith.sitofp %select_n3A_485 : vector<1x128xi32> to vector<1x128xf32>
    %jit3A_487 = arith.constant 224 : i32
    %eq3A_488 = arith.constant 0 : i32
    %eq3A_489 = arith.cmpi eq, %jit3A_487, %eq3A_488 : i32
    %jit3A_490 = arith.constant 1 : i32
    %select_n3A_491 = arith.select %eq3A_489, %jit3A_490, %jit3A_487 : i32
    %rem3A_492 = vector.broadcast %select_n3A_491 : i32 to vector<1x128xi32>
    %rem3A_493 = arith.remsi %slice3A_449, %rem3A_492 : vector<1x128xi32>
    %ne3A_494 = arith.constant 0 : i32
    %ne3A_495 = vector.broadcast %ne3A_494 : i32 to vector<1x128xi32>
    %ne3A_496 = arith.cmpi ne, %rem3A_493, %ne3A_495 : vector<1x128xi32>
    %lt3A_497 = arith.constant 0 : i32
    %lt3A_498 = vector.broadcast %lt3A_497 : i32 to vector<1x128xi32>
    %lt3A_499 = arith.cmpi slt, %rem3A_493, %lt3A_498 : vector<1x128xi32>
    %lt3A_500 = arith.constant 0 : i32
    %lt3A_501 = arith.cmpi slt, %select_n3A_491, %lt3A_500 : i32
    %ne3A_502 = vector.broadcast %lt3A_501 : i1 to vector<1x128xi1>
    %ne3A_503 = vector.broadcast %ne3A_502 : vector<1x128xi1> to vector<1x128xi1>
    %ne3A_504 = arith.xori %lt3A_499, %ne3A_503 : vector<1x128xi1>
    %and3A_505 = arith.andi %ne3A_504, %ne3A_496 : vector<1x128xi1>
    %add3A_506 = vector.broadcast %select_n3A_491 : i32 to vector<1x128xi32>
    %add3A_507 = arith.addi %rem3A_493, %add3A_506 : vector<1x128xi32>
    %select_n3A_508 = arith.select %and3A_505, %add3A_507, %rem3A_493 : vector<1x128xi1>, vector<1x128xi32>
    %convert_element_type3A_509 = arith.sitofp %select_n3A_508 : vector<1x128xi32> to vector<1x128xf32>
    %jit3A_510 = arith.constant 0x7F800000 : f32
    %broadcast_in_dim3A_511 = vector.broadcast %jit3A_510 : f32 to vector<1x128xf32>
    %select_n3A_512 = arith.select %lt3A_454, %convert_element_type3A_509, %broadcast_in_dim3A_511 : vector<1x128xi1>, vector<1x128xf32>
    %iota3A_513 = tpu.iota {dimensions = array<i32: 0>} : vector<128x1xi32>
    %get3A_514 = arith.constant 0 : index
    %get3A_515 = arith.constant 0 : index
    %get3A_516 = arith.constant 0 : index
    %get3A_517 = vector.load %arg1[%get3A_514, %get3A_515, %get3A_516] : memref<1x1024x1xi32, #tpu.memory_space<vmem>>, vector<1x128x1xi32>
    %get3A_518 = vector.shape_cast %get3A_517 : vector<1x128x1xi32> to vector<128x1xi32>
    %jit3A_519 = arith.constant 224 : i32
    %div3A_520 = vector.broadcast %jit3A_519 : i32 to vector<128x1xi32>
    %div3A_521 = arith.divsi %get3A_518, %div3A_520 : vector<128x1xi32>
    %sign3A_522 = arith.constant 0 : i32
    %sign3A_523 = vector.broadcast %sign3A_522 : i32 to vector<128x1xi32>
    %sign3A_524 = arith.cmpi sgt, %get3A_518, %sign3A_523 : vector<128x1xi32>
    %sign3A_525 = arith.extui %sign3A_524 : vector<128x1xi1> to vector<128x1xi32>
    %sign3A_526 = arith.constant 0 : i32
    %sign3A_527 = vector.broadcast %sign3A_526 : i32 to vector<128x1xi32>
    %sign3A_528 = arith.cmpi slt, %get3A_518, %sign3A_527 : vector<128x1xi32>
    %sign3A_529 = arith.extui %sign3A_528 : vector<128x1xi1> to vector<128x1xi32>
    %sign3A_530 = arith.subi %sign3A_525, %sign3A_529 : vector<128x1xi32>
    %sign3A_531 = arith.constant 0 : i32
    %sign3A_532 = arith.cmpi sgt, %jit3A_519, %sign3A_531 : i32
    %sign3A_533 = arith.extui %sign3A_532 : i1 to i32
    %sign3A_534 = arith.constant 0 : i32
    %sign3A_535 = arith.cmpi slt, %jit3A_519, %sign3A_534 : i32
    %sign3A_536 = arith.extui %sign3A_535 : i1 to i32
    %sign3A_537 = arith.subi %sign3A_533, %sign3A_536 : i32
    %ne3A_538 = vector.broadcast %sign3A_537 : i32 to vector<128x1xi32>
    %ne3A_539 = arith.cmpi ne, %sign3A_530, %ne3A_538 : vector<128x1xi32>
    %rem3A_540 = vector.broadcast %jit3A_519 : i32 to vector<128x1xi32>
    %rem3A_541 = arith.remsi %get3A_518, %rem3A_540 : vector<128x1xi32>
    %ne3A_542 = arith.constant 0 : i32
    %ne3A_543 = vector.broadcast %ne3A_542 : i32 to vector<128x1xi32>
    %ne3A_544 = arith.cmpi ne, %rem3A_541, %ne3A_543 : vector<128x1xi32>
    %and3A_545 = arith.andi %ne3A_539, %ne3A_544 : vector<128x1xi1>
    %sub3A_546 = arith.constant 1 : i32
    %sub3A_547 = vector.broadcast %sub3A_546 : i32 to vector<128x1xi32>
    %sub3A_548 = arith.subi %div3A_521, %sub3A_547 : vector<128x1xi32>
    %select_n3A_549 = arith.select %and3A_545, %sub3A_548, %div3A_521 : vector<128x1xi1>, vector<128x1xi32>
    %convert_element_type3A_550 = arith.sitofp %select_n3A_549 : vector<128x1xi32> to vector<128x1xf32>
    %jit3A_551 = arith.constant 224 : i32
    %eq3A_552 = arith.constant 0 : i32
    %eq3A_553 = arith.cmpi eq, %jit3A_551, %eq3A_552 : i32
    %jit3A_554 = arith.constant 1 : i32
    %select_n3A_555 = arith.select %eq3A_553, %jit3A_554, %jit3A_551 : i32
    %rem3A_556 = vector.broadcast %select_n3A_555 : i32 to vector<128x1xi32>
    %rem3A_557 = arith.remsi %get3A_518, %rem3A_556 : vector<128x1xi32>
    %ne3A_558 = arith.constant 0 : i32
    %ne3A_559 = vector.broadcast %ne3A_558 : i32 to vector<128x1xi32>
    %ne3A_560 = arith.cmpi ne, %rem3A_557, %ne3A_559 : vector<128x1xi32>
    %lt3A_561 = arith.constant 0 : i32
    %lt3A_562 = vector.broadcast %lt3A_561 : i32 to vector<128x1xi32>
    %lt3A_563 = arith.cmpi slt, %rem3A_557, %lt3A_562 : vector<128x1xi32>
    %lt3A_564 = arith.constant 0 : i32
    %lt3A_565 = arith.cmpi slt, %select_n3A_555, %lt3A_564 : i32
    %ne3A_566 = vector.broadcast %lt3A_565 : i1 to vector<128x1xi1>
    %ne3A_567 = vector.broadcast %ne3A_566 : vector<128x1xi1> to vector<128x1xi1>
    %ne3A_568 = arith.xori %lt3A_563, %ne3A_567 : vector<128x1xi1>
    %and3A_569 = arith.andi %ne3A_568, %ne3A_560 : vector<128x1xi1>
    %add3A_570 = vector.broadcast %select_n3A_555 : i32 to vector<128x1xi32>
    %add3A_571 = arith.addi %rem3A_557, %add3A_570 : vector<128x1xi32>
    %select_n3A_572 = arith.select %and3A_569, %add3A_571, %rem3A_557 : vector<128x1xi1>, vector<128x1xi32>
    %convert_element_type3A_573 = arith.sitofp %select_n3A_572 : vector<128x1xi32> to vector<128x1xf32>
    %broadcast_in_dim3A_574 = arith.constant 0x7F800000 : f32
    %broadcast_in_dim3A_575 = vector.broadcast %broadcast_in_dim3A_574 : f32 to vector<128x128xf32>
    %sub3A_576 = vector.broadcast %convert_element_type3A_550 : vector<128x1xf32> to vector<128x128xf32>
    %sub3A_577 = vector.broadcast %convert_element_type3A_39 : vector<1x128xf32> to vector<128x128xf32>
    %sub3A_578 = arith.subf %sub3A_576, %sub3A_577 : vector<128x128xf32>
    %sub3A_579 = vector.broadcast %convert_element_type3A_573 : vector<128x1xf32> to vector<128x128xf32>
    %sub3A_580 = vector.broadcast %select_n3A_64 : vector<1x128xf32> to vector<128x128xf32>
    %sub3A_581 = arith.subf %sub3A_579, %sub3A_580 : vector<128x128xf32>
    %mul3A = arith.mulf %sub3A_578, %sub3A_578 : vector<128x128xf32>
    %mul3A_582 = arith.mulf %sub3A_581, %sub3A_581 : vector<128x128xf32>
    %add3A_583 = arith.addf %mul3A, %mul3A_582 : vector<128x128xf32>
    %min3A_584 = arith.minimumf %broadcast_in_dim3A_575, %add3A_583 : vector<128x128xf32>
    %sub3A_585 = vector.broadcast %convert_element_type3A_550 : vector<128x1xf32> to vector<128x128xf32>
    %sub3A_586 = vector.broadcast %convert_element_type3A_102 : vector<1x128xf32> to vector<128x128xf32>
    %sub3A_587 = arith.subf %sub3A_585, %sub3A_586 : vector<128x128xf32>
    %sub3A_588 = vector.broadcast %convert_element_type3A_573 : vector<128x1xf32> to vector<128x128xf32>
    %sub3A_589 = vector.broadcast %select_n3A_128 : vector<1x128xf32> to vector<128x128xf32>
    %sub3A_590 = arith.subf %sub3A_588, %sub3A_589 : vector<128x128xf32>
    %mul3A_591 = arith.mulf %sub3A_587, %sub3A_587 : vector<128x128xf32>
    %mul3A_592 = arith.mulf %sub3A_590, %sub3A_590 : vector<128x128xf32>
    %add3A_593 = arith.addf %mul3A_591, %mul3A_592 : vector<128x128xf32>
    %min3A_594 = arith.minimumf %min3A_584, %add3A_593 : vector<128x128xf32>
    %sub3A_595 = vector.broadcast %convert_element_type3A_550 : vector<128x1xf32> to vector<128x128xf32>
    %sub3A_596 = vector.broadcast %convert_element_type3A_166 : vector<1x128xf32> to vector<128x128xf32>
    %sub3A_597 = arith.subf %sub3A_595, %sub3A_596 : vector<128x128xf32>
    %sub3A_598 = vector.broadcast %convert_element_type3A_573 : vector<128x1xf32> to vector<128x128xf32>
    %sub3A_599 = vector.broadcast %select_n3A_192 : vector<1x128xf32> to vector<128x128xf32>
    %sub3A_600 = arith.subf %sub3A_598, %sub3A_599 : vector<128x128xf32>
    %mul3A_601 = arith.mulf %sub3A_597, %sub3A_597 : vector<128x128xf32>
    %mul3A_602 = arith.mulf %sub3A_600, %sub3A_600 : vector<128x128xf32>
    %add3A_603 = arith.addf %mul3A_601, %mul3A_602 : vector<128x128xf32>
    %min3A_604 = arith.minimumf %min3A_594, %add3A_603 : vector<128x128xf32>
    %sub3A_605 = vector.broadcast %convert_element_type3A_550 : vector<128x1xf32> to vector<128x128xf32>
    %sub3A_606 = vector.broadcast %convert_element_type3A_230 : vector<1x128xf32> to vector<128x128xf32>
    %sub3A_607 = arith.subf %sub3A_605, %sub3A_606 : vector<128x128xf32>
    %sub3A_608 = vector.broadcast %convert_element_type3A_573 : vector<128x1xf32> to vector<128x128xf32>
    %sub3A_609 = vector.broadcast %select_n3A_256 : vector<1x128xf32> to vector<128x128xf32>
    %sub3A_610 = arith.subf %sub3A_608, %sub3A_609 : vector<128x128xf32>
    %mul3A_611 = arith.mulf %sub3A_607, %sub3A_607 : vector<128x128xf32>
    %mul3A_612 = arith.mulf %sub3A_610, %sub3A_610 : vector<128x128xf32>
    %add3A_613 = arith.addf %mul3A_611, %mul3A_612 : vector<128x128xf32>
    %min3A_614 = arith.minimumf %min3A_604, %add3A_613 : vector<128x128xf32>
    %sub3A_615 = vector.broadcast %convert_element_type3A_550 : vector<128x1xf32> to vector<128x128xf32>
    %sub3A_616 = vector.broadcast %convert_element_type3A_294 : vector<1x128xf32> to vector<128x128xf32>
    %sub3A_617 = arith.subf %sub3A_615, %sub3A_616 : vector<128x128xf32>
    %sub3A_618 = vector.broadcast %convert_element_type3A_573 : vector<128x1xf32> to vector<128x128xf32>
    %sub3A_619 = vector.broadcast %select_n3A_320 : vector<1x128xf32> to vector<128x128xf32>
    %sub3A_620 = arith.subf %sub3A_618, %sub3A_619 : vector<128x128xf32>
    %mul3A_621 = arith.mulf %sub3A_617, %sub3A_617 : vector<128x128xf32>
    %mul3A_622 = arith.mulf %sub3A_620, %sub3A_620 : vector<128x128xf32>
    %add3A_623 = arith.addf %mul3A_621, %mul3A_622 : vector<128x128xf32>
    %min3A_624 = arith.minimumf %min3A_614, %add3A_623 : vector<128x128xf32>
    %sub3A_625 = vector.broadcast %convert_element_type3A_550 : vector<128x1xf32> to vector<128x128xf32>
    %sub3A_626 = vector.broadcast %convert_element_type3A_358 : vector<1x128xf32> to vector<128x128xf32>
    %sub3A_627 = arith.subf %sub3A_625, %sub3A_626 : vector<128x128xf32>
    %sub3A_628 = vector.broadcast %convert_element_type3A_573 : vector<128x1xf32> to vector<128x128xf32>
    %sub3A_629 = vector.broadcast %select_n3A_384 : vector<1x128xf32> to vector<128x128xf32>
    %sub3A_630 = arith.subf %sub3A_628, %sub3A_629 : vector<128x128xf32>
    %mul3A_631 = arith.mulf %sub3A_627, %sub3A_627 : vector<128x128xf32>
    %mul3A_632 = arith.mulf %sub3A_630, %sub3A_630 : vector<128x128xf32>
    %add3A_633 = arith.addf %mul3A_631, %mul3A_632 : vector<128x128xf32>
    %min3A_634 = arith.minimumf %min3A_624, %add3A_633 : vector<128x128xf32>
    %sub3A_635 = vector.broadcast %convert_element_type3A_550 : vector<128x1xf32> to vector<128x128xf32>
    %sub3A_636 = vector.broadcast %convert_element_type3A_422 : vector<1x128xf32> to vector<128x128xf32>
    %sub3A_637 = arith.subf %sub3A_635, %sub3A_636 : vector<128x128xf32>
    %sub3A_638 = vector.broadcast %convert_element_type3A_573 : vector<128x1xf32> to vector<128x128xf32>
    %sub3A_639 = vector.broadcast %select_n3A_448 : vector<1x128xf32> to vector<128x128xf32>
    %sub3A_640 = arith.subf %sub3A_638, %sub3A_639 : vector<128x128xf32>
    %mul3A_641 = arith.mulf %sub3A_637, %sub3A_637 : vector<128x128xf32>
    %mul3A_642 = arith.mulf %sub3A_640, %sub3A_640 : vector<128x128xf32>
    %add3A_643 = arith.addf %mul3A_641, %mul3A_642 : vector<128x128xf32>
    %min3A_644 = arith.minimumf %min3A_634, %add3A_643 : vector<128x128xf32>
    %sub3A_645 = vector.broadcast %convert_element_type3A_550 : vector<128x1xf32> to vector<128x128xf32>
    %sub3A_646 = vector.broadcast %convert_element_type3A_486 : vector<1x128xf32> to vector<128x128xf32>
    %sub3A_647 = arith.subf %sub3A_645, %sub3A_646 : vector<128x128xf32>
    %sub3A_648 = vector.broadcast %convert_element_type3A_573 : vector<128x1xf32> to vector<128x128xf32>
    %sub3A_649 = vector.broadcast %select_n3A_512 : vector<1x128xf32> to vector<128x128xf32>
    %sub3A_650 = arith.subf %sub3A_648, %sub3A_649 : vector<128x128xf32>
    %mul3A_651 = arith.mulf %sub3A_647, %sub3A_647 : vector<128x128xf32>
    %mul3A_652 = arith.mulf %sub3A_650, %sub3A_650 : vector<128x128xf32>
    %add3A_653 = arith.addf %mul3A_651, %mul3A_652 : vector<128x128xf32>
    %min3A_654 = arith.minimumf %min3A_644, %add3A_653 : vector<128x128xf32>
    %reduce_min3A = arith.constant dense<0x7F800000> : vector<128xf32>
    %reduce_min3A_655 = vector.multi_reduction <minimumf>, %min3A_654, %reduce_min3A [1] : vector<128x128xf32> to vector<128xf32>
    %broadcast_in_dim3A_656 = vector.shape_cast %reduce_min3A_655 : vector<128xf32> to vector<128x1xf32>
    %sqrt3A = math.sqrt %broadcast_in_dim3A_656 : vector<128x1xf32>
    %add3A_657 = arith.constant 0 : i32
    %add3A_658 = vector.broadcast %add3A_657 : i32 to vector<128x1xi32>
    %add3A_659 = arith.addi %add3A_658, %iota3A_513 : vector<128x1xi32>
    %lt3A_660 = vector.broadcast %min3A_5 : i32 to vector<128x1xi32>
    %lt3A_661 = arith.cmpi slt, %add3A_659, %lt3A_660 : vector<128x1xi32>
    %jit3A_662 = arith.constant 0.000000e+00 : f32
    %broadcast_in_dim3A_663 = vector.broadcast %jit3A_662 : f32 to vector<128x1xf32>
    %select_n3A_664 = arith.select %lt3A_661, %sqrt3A, %broadcast_in_dim3A_663 : vector<128x1xi1>, vector<128x1xf32>
    %reduce_sum3A = vector.shape_cast %select_n3A_664 : vector<128x1xf32> to vector<1x128x1xf32>
    %reduce_sum3A_665 = arith.constant dense<0.000000e+00> : vector<1xf32>
    %reduce_sum3A_666 = vector.multi_reduction <add>, %reduce_sum3A, %reduce_sum3A_665 [1, 2] : vector<1x128x1xf32> to vector<1xf32>
    %reduce_sum3A_667 = vector.shape_cast %reduce_sum3A_666 : vector<1xf32> to vector<1x1x1xf32>
    %reduce_sum3A_668 = vector.extract %reduce_sum3A_667[0, 0, 0] : f32 from vector<1x1x1xf32>
    %add3A_669 = arith.constant 0.000000e+00 : f32
    %add3A_670 = arith.addf %add3A_669, %reduce_sum3A_668 : f32
    %get3A_671 = arith.constant 0 : index
    %get3A_672 = arith.constant 128 : index
    %get3A_673 = arith.constant 0 : index
    %get3A_674 = vector.load %arg1[%get3A_671, %get3A_672, %get3A_673] : memref<1x1024x1xi32, #tpu.memory_space<vmem>>, vector<1x128x1xi32>
    %get3A_675 = vector.shape_cast %get3A_674 : vector<1x128x1xi32> to vector<128x1xi32>
    %jit3A_676 = arith.constant 224 : i32
    %div3A_677 = vector.broadcast %jit3A_676 : i32 to vector<128x1xi32>
    %div3A_678 = arith.divsi %get3A_675, %div3A_677 : vector<128x1xi32>
    %sign3A_679 = arith.constant 0 : i32
    %sign3A_680 = vector.broadcast %sign3A_679 : i32 to vector<128x1xi32>
    %sign3A_681 = arith.cmpi sgt, %get3A_675, %sign3A_680 : vector<128x1xi32>
    %sign3A_682 = arith.extui %sign3A_681 : vector<128x1xi1> to vector<128x1xi32>
    %sign3A_683 = arith.constant 0 : i32
    %sign3A_684 = vector.broadcast %sign3A_683 : i32 to vector<128x1xi32>
    %sign3A_685 = arith.cmpi slt, %get3A_675, %sign3A_684 : vector<128x1xi32>
    %sign3A_686 = arith.extui %sign3A_685 : vector<128x1xi1> to vector<128x1xi32>
    %sign3A_687 = arith.subi %sign3A_682, %sign3A_686 : vector<128x1xi32>
    %sign3A_688 = arith.constant 0 : i32
    %sign3A_689 = arith.cmpi sgt, %jit3A_676, %sign3A_688 : i32
    %sign3A_690 = arith.extui %sign3A_689 : i1 to i32
    %sign3A_691 = arith.constant 0 : i32
    %sign3A_692 = arith.cmpi slt, %jit3A_676, %sign3A_691 : i32
    %sign3A_693 = arith.extui %sign3A_692 : i1 to i32
    %sign3A_694 = arith.subi %sign3A_690, %sign3A_693 : i32
    %ne3A_695 = vector.broadcast %sign3A_694 : i32 to vector<128x1xi32>
    %ne3A_696 = arith.cmpi ne, %sign3A_687, %ne3A_695 : vector<128x1xi32>
    %rem3A_697 = vector.broadcast %jit3A_676 : i32 to vector<128x1xi32>
    %rem3A_698 = arith.remsi %get3A_675, %rem3A_697 : vector<128x1xi32>
    %ne3A_699 = arith.constant 0 : i32
    %ne3A_700 = vector.broadcast %ne3A_699 : i32 to vector<128x1xi32>
    %ne3A_701 = arith.cmpi ne, %rem3A_698, %ne3A_700 : vector<128x1xi32>
    %and3A_702 = arith.andi %ne3A_696, %ne3A_701 : vector<128x1xi1>
    %sub3A_703 = arith.constant 1 : i32
    %sub3A_704 = vector.broadcast %sub3A_703 : i32 to vector<128x1xi32>
    %sub3A_705 = arith.subi %div3A_678, %sub3A_704 : vector<128x1xi32>
    %select_n3A_706 = arith.select %and3A_702, %sub3A_705, %div3A_678 : vector<128x1xi1>, vector<128x1xi32>
    %convert_element_type3A_707 = arith.sitofp %select_n3A_706 : vector<128x1xi32> to vector<128x1xf32>
    %jit3A_708 = arith.constant 224 : i32
    %eq3A_709 = arith.constant 0 : i32
    %eq3A_710 = arith.cmpi eq, %jit3A_708, %eq3A_709 : i32
    %jit3A_711 = arith.constant 1 : i32
    %select_n3A_712 = arith.select %eq3A_710, %jit3A_711, %jit3A_708 : i32
    %rem3A_713 = vector.broadcast %select_n3A_712 : i32 to vector<128x1xi32>
    %rem3A_714 = arith.remsi %get3A_675, %rem3A_713 : vector<128x1xi32>
    %ne3A_715 = arith.constant 0 : i32
    %ne3A_716 = vector.broadcast %ne3A_715 : i32 to vector<128x1xi32>
    %ne3A_717 = arith.cmpi ne, %rem3A_714, %ne3A_716 : vector<128x1xi32>
    %lt3A_718 = arith.constant 0 : i32
    %lt3A_719 = vector.broadcast %lt3A_718 : i32 to vector<128x1xi32>
    %lt3A_720 = arith.cmpi slt, %rem3A_714, %lt3A_719 : vector<128x1xi32>
    %lt3A_721 = arith.constant 0 : i32
    %lt3A_722 = arith.cmpi slt, %select_n3A_712, %lt3A_721 : i32
    %ne3A_723 = vector.broadcast %lt3A_722 : i1 to vector<128x1xi1>
    %ne3A_724 = vector.broadcast %ne3A_723 : vector<128x1xi1> to vector<128x1xi1>
    %ne3A_725 = arith.xori %lt3A_720, %ne3A_724 : vector<128x1xi1>
    %and3A_726 = arith.andi %ne3A_725, %ne3A_717 : vector<128x1xi1>
    %add3A_727 = vector.broadcast %select_n3A_712 : i32 to vector<128x1xi32>
    %add3A_728 = arith.addi %rem3A_714, %add3A_727 : vector<128x1xi32>
    %select_n3A_729 = arith.select %and3A_726, %add3A_728, %rem3A_714 : vector<128x1xi1>, vector<128x1xi32>
    %convert_element_type3A_730 = arith.sitofp %select_n3A_729 : vector<128x1xi32> to vector<128x1xf32>
    %broadcast_in_dim3A_731 = arith.constant 0x7F800000 : f32
    %broadcast_in_dim3A_732 = vector.broadcast %broadcast_in_dim3A_731 : f32 to vector<128x128xf32>
    %sub3A_733 = vector.broadcast %convert_element_type3A_707 : vector<128x1xf32> to vector<128x128xf32>
    %sub3A_734 = vector.broadcast %convert_element_type3A_39 : vector<1x128xf32> to vector<128x128xf32>
    %sub3A_735 = arith.subf %sub3A_733, %sub3A_734 : vector<128x128xf32>
    %sub3A_736 = vector.broadcast %convert_element_type3A_730 : vector<128x1xf32> to vector<128x128xf32>
    %sub3A_737 = vector.broadcast %select_n3A_64 : vector<1x128xf32> to vector<128x128xf32>
    %sub3A_738 = arith.subf %sub3A_736, %sub3A_737 : vector<128x128xf32>
    %mul3A_739 = arith.mulf %sub3A_735, %sub3A_735 : vector<128x128xf32>
    %mul3A_740 = arith.mulf %sub3A_738, %sub3A_738 : vector<128x128xf32>
    %add3A_741 = arith.addf %mul3A_739, %mul3A_740 : vector<128x128xf32>
    %min3A_742 = arith.minimumf %broadcast_in_dim3A_732, %add3A_741 : vector<128x128xf32>
    %sub3A_743 = vector.broadcast %convert_element_type3A_707 : vector<128x1xf32> to vector<128x128xf32>
    %sub3A_744 = vector.broadcast %convert_element_type3A_102 : vector<1x128xf32> to vector<128x128xf32>
    %sub3A_745 = arith.subf %sub3A_743, %sub3A_744 : vector<128x128xf32>
    %sub3A_746 = vector.broadcast %convert_element_type3A_730 : vector<128x1xf32> to vector<128x128xf32>
    %sub3A_747 = vector.broadcast %select_n3A_128 : vector<1x128xf32> to vector<128x128xf32>
    %sub3A_748 = arith.subf %sub3A_746, %sub3A_747 : vector<128x128xf32>
    %mul3A_749 = arith.mulf %sub3A_745, %sub3A_745 : vector<128x128xf32>
    %mul3A_750 = arith.mulf %sub3A_748, %sub3A_748 : vector<128x128xf32>
    %add3A_751 = arith.addf %mul3A_749, %mul3A_750 : vector<128x128xf32>
    %min3A_752 = arith.minimumf %min3A_742, %add3A_751 : vector<128x128xf32>
    %sub3A_753 = vector.broadcast %convert_element_type3A_707 : vector<128x1xf32> to vector<128x128xf32>
    %sub3A_754 = vector.broadcast %convert_element_type3A_166 : vector<1x128xf32> to vector<128x128xf32>
    %sub3A_755 = arith.subf %sub3A_753, %sub3A_754 : vector<128x128xf32>
    %sub3A_756 = vector.broadcast %convert_element_type3A_730 : vector<128x1xf32> to vector<128x128xf32>
    %sub3A_757 = vector.broadcast %select_n3A_192 : vector<1x128xf32> to vector<128x128xf32>
    %sub3A_758 = arith.subf %sub3A_756, %sub3A_757 : vector<128x128xf32>
    %mul3A_759 = arith.mulf %sub3A_755, %sub3A_755 : vector<128x128xf32>
    %mul3A_760 = arith.mulf %sub3A_758, %sub3A_758 : vector<128x128xf32>
    %add3A_761 = arith.addf %mul3A_759, %mul3A_760 : vector<128x128xf32>
    %min3A_762 = arith.minimumf %min3A_752, %add3A_761 : vector<128x128xf32>
    %sub3A_763 = vector.broadcast %convert_element_type3A_707 : vector<128x1xf32> to vector<128x128xf32>
    %sub3A_764 = vector.broadcast %convert_element_type3A_230 : vector<1x128xf32> to vector<128x128xf32>
    %sub3A_765 = arith.subf %sub3A_763, %sub3A_764 : vector<128x128xf32>
    %sub3A_766 = vector.broadcast %convert_element_type3A_730 : vector<128x1xf32> to vector<128x128xf32>
    %sub3A_767 = vector.broadcast %select_n3A_256 : vector<1x128xf32> to vector<128x128xf32>
    %sub3A_768 = arith.subf %sub3A_766, %sub3A_767 : vector<128x128xf32>
    %mul3A_769 = arith.mulf %sub3A_765, %sub3A_765 : vector<128x128xf32>
    %mul3A_770 = arith.mulf %sub3A_768, %sub3A_768 : vector<128x128xf32>
    %add3A_771 = arith.addf %mul3A_769, %mul3A_770 : vector<128x128xf32>
    %min3A_772 = arith.minimumf %min3A_762, %add3A_771 : vector<128x128xf32>
    %sub3A_773 = vector.broadcast %convert_element_type3A_707 : vector<128x1xf32> to vector<128x128xf32>
    %sub3A_774 = vector.broadcast %convert_element_type3A_294 : vector<1x128xf32> to vector<128x128xf32>
    %sub3A_775 = arith.subf %sub3A_773, %sub3A_774 : vector<128x128xf32>
    %sub3A_776 = vector.broadcast %convert_element_type3A_730 : vector<128x1xf32> to vector<128x128xf32>
    %sub3A_777 = vector.broadcast %select_n3A_320 : vector<1x128xf32> to vector<128x128xf32>
    %sub3A_778 = arith.subf %sub3A_776, %sub3A_777 : vector<128x128xf32>
    %mul3A_779 = arith.mulf %sub3A_775, %sub3A_775 : vector<128x128xf32>
    %mul3A_780 = arith.mulf %sub3A_778, %sub3A_778 : vector<128x128xf32>
    %add3A_781 = arith.addf %mul3A_779, %mul3A_780 : vector<128x128xf32>
    %min3A_782 = arith.minimumf %min3A_772, %add3A_781 : vector<128x128xf32>
    %sub3A_783 = vector.broadcast %convert_element_type3A_707 : vector<128x1xf32> to vector<128x128xf32>
    %sub3A_784 = vector.broadcast %convert_element_type3A_358 : vector<1x128xf32> to vector<128x128xf32>
    %sub3A_785 = arith.subf %sub3A_783, %sub3A_784 : vector<128x128xf32>
    %sub3A_786 = vector.broadcast %convert_element_type3A_730 : vector<128x1xf32> to vector<128x128xf32>
    %sub3A_787 = vector.broadcast %select_n3A_384 : vector<1x128xf32> to vector<128x128xf32>
    %sub3A_788 = arith.subf %sub3A_786, %sub3A_787 : vector<128x128xf32>
    %mul3A_789 = arith.mulf %sub3A_785, %sub3A_785 : vector<128x128xf32>
    %mul3A_790 = arith.mulf %sub3A_788, %sub3A_788 : vector<128x128xf32>
    %add3A_791 = arith.addf %mul3A_789, %mul3A_790 : vector<128x128xf32>
    %min3A_792 = arith.minimumf %min3A_782, %add3A_791 : vector<128x128xf32>
    %sub3A_793 = vector.broadcast %convert_element_type3A_707 : vector<128x1xf32> to vector<128x128xf32>
    %sub3A_794 = vector.broadcast %convert_element_type3A_422 : vector<1x128xf32> to vector<128x128xf32>
    %sub3A_795 = arith.subf %sub3A_793, %sub3A_794 : vector<128x128xf32>
    %sub3A_796 = vector.broadcast %convert_element_type3A_730 : vector<128x1xf32> to vector<128x128xf32>
    %sub3A_797 = vector.broadcast %select_n3A_448 : vector<1x128xf32> to vector<128x128xf32>
    %sub3A_798 = arith.subf %sub3A_796, %sub3A_797 : vector<128x128xf32>
    %mul3A_799 = arith.mulf %sub3A_795, %sub3A_795 : vector<128x128xf32>
    %mul3A_800 = arith.mulf %sub3A_798, %sub3A_798 : vector<128x128xf32>
    %add3A_801 = arith.addf %mul3A_799, %mul3A_800 : vector<128x128xf32>
    %min3A_802 = arith.minimumf %min3A_792, %add3A_801 : vector<128x128xf32>
    %sub3A_803 = vector.broadcast %convert_element_type3A_707 : vector<128x1xf32> to vector<128x128xf32>
    %sub3A_804 = vector.broadcast %convert_element_type3A_486 : vector<1x128xf32> to vector<128x128xf32>
    %sub3A_805 = arith.subf %sub3A_803, %sub3A_804 : vector<128x128xf32>
    %sub3A_806 = vector.broadcast %convert_element_type3A_730 : vector<128x1xf32> to vector<128x128xf32>
    %sub3A_807 = vector.broadcast %select_n3A_512 : vector<1x128xf32> to vector<128x128xf32>
    %sub3A_808 = arith.subf %sub3A_806, %sub3A_807 : vector<128x128xf32>
    %mul3A_809 = arith.mulf %sub3A_805, %sub3A_805 : vector<128x128xf32>
    %mul3A_810 = arith.mulf %sub3A_808, %sub3A_808 : vector<128x128xf32>
    %add3A_811 = arith.addf %mul3A_809, %mul3A_810 : vector<128x128xf32>
    %min3A_812 = arith.minimumf %min3A_802, %add3A_811 : vector<128x128xf32>
    %reduce_min3A_813 = arith.constant dense<0x7F800000> : vector<128xf32>
    %reduce_min3A_814 = vector.multi_reduction <minimumf>, %min3A_812, %reduce_min3A_813 [1] : vector<128x128xf32> to vector<128xf32>
    %broadcast_in_dim3A_815 = vector.shape_cast %reduce_min3A_814 : vector<128xf32> to vector<128x1xf32>
    %sqrt3A_816 = math.sqrt %broadcast_in_dim3A_815 : vector<128x1xf32>
    %add3A_817 = arith.constant 128 : i32
    %add3A_818 = vector.broadcast %add3A_817 : i32 to vector<128x1xi32>
    %add3A_819 = arith.addi %add3A_818, %iota3A_513 : vector<128x1xi32>
    %lt3A_820 = vector.broadcast %min3A_5 : i32 to vector<128x1xi32>
    %lt3A_821 = arith.cmpi slt, %add3A_819, %lt3A_820 : vector<128x1xi32>
    %jit3A_822 = arith.constant 0.000000e+00 : f32
    %broadcast_in_dim3A_823 = vector.broadcast %jit3A_822 : f32 to vector<128x1xf32>
    %select_n3A_824 = arith.select %lt3A_821, %sqrt3A_816, %broadcast_in_dim3A_823 : vector<128x1xi1>, vector<128x1xf32>
    %reduce_sum3A_825 = vector.shape_cast %select_n3A_824 : vector<128x1xf32> to vector<1x128x1xf32>
    %reduce_sum3A_826 = arith.constant dense<0.000000e+00> : vector<1xf32>
    %reduce_sum3A_827 = vector.multi_reduction <add>, %reduce_sum3A_825, %reduce_sum3A_826 [1, 2] : vector<1x128x1xf32> to vector<1xf32>
    %reduce_sum3A_828 = vector.shape_cast %reduce_sum3A_827 : vector<1xf32> to vector<1x1x1xf32>
    %reduce_sum3A_829 = vector.extract %reduce_sum3A_828[0, 0, 0] : f32 from vector<1x1x1xf32>
    %add3A_830 = arith.addf %add3A_670, %reduce_sum3A_829 : f32
    %get3A_831 = arith.constant 0 : index
    %get3A_832 = arith.constant 256 : index
    %get3A_833 = arith.constant 0 : index
    %get3A_834 = vector.load %arg1[%get3A_831, %get3A_832, %get3A_833] : memref<1x1024x1xi32, #tpu.memory_space<vmem>>, vector<1x128x1xi32>
    %get3A_835 = vector.shape_cast %get3A_834 : vector<1x128x1xi32> to vector<128x1xi32>
    %jit3A_836 = arith.constant 224 : i32
    %div3A_837 = vector.broadcast %jit3A_836 : i32 to vector<128x1xi32>
    %div3A_838 = arith.divsi %get3A_835, %div3A_837 : vector<128x1xi32>
    %sign3A_839 = arith.constant 0 : i32
    %sign3A_840 = vector.broadcast %sign3A_839 : i32 to vector<128x1xi32>
    %sign3A_841 = arith.cmpi sgt, %get3A_835, %sign3A_840 : vector<128x1xi32>
    %sign3A_842 = arith.extui %sign3A_841 : vector<128x1xi1> to vector<128x1xi32>
    %sign3A_843 = arith.constant 0 : i32
    %sign3A_844 = vector.broadcast %sign3A_843 : i32 to vector<128x1xi32>
    %sign3A_845 = arith.cmpi slt, %get3A_835, %sign3A_844 : vector<128x1xi32>
    %sign3A_846 = arith.extui %sign3A_845 : vector<128x1xi1> to vector<128x1xi32>
    %sign3A_847 = arith.subi %sign3A_842, %sign3A_846 : vector<128x1xi32>
    %sign3A_848 = arith.constant 0 : i32
    %sign3A_849 = arith.cmpi sgt, %jit3A_836, %sign3A_848 : i32
    %sign3A_850 = arith.extui %sign3A_849 : i1 to i32
    %sign3A_851 = arith.constant 0 : i32
    %sign3A_852 = arith.cmpi slt, %jit3A_836, %sign3A_851 : i32
    %sign3A_853 = arith.extui %sign3A_852 : i1 to i32
    %sign3A_854 = arith.subi %sign3A_850, %sign3A_853 : i32
    %ne3A_855 = vector.broadcast %sign3A_854 : i32 to vector<128x1xi32>
    %ne3A_856 = arith.cmpi ne, %sign3A_847, %ne3A_855 : vector<128x1xi32>
    %rem3A_857 = vector.broadcast %jit3A_836 : i32 to vector<128x1xi32>
    %rem3A_858 = arith.remsi %get3A_835, %rem3A_857 : vector<128x1xi32>
    %ne3A_859 = arith.constant 0 : i32
    %ne3A_860 = vector.broadcast %ne3A_859 : i32 to vector<128x1xi32>
    %ne3A_861 = arith.cmpi ne, %rem3A_858, %ne3A_860 : vector<128x1xi32>
    %and3A_862 = arith.andi %ne3A_856, %ne3A_861 : vector<128x1xi1>
    %sub3A_863 = arith.constant 1 : i32
    %sub3A_864 = vector.broadcast %sub3A_863 : i32 to vector<128x1xi32>
    %sub3A_865 = arith.subi %div3A_838, %sub3A_864 : vector<128x1xi32>
    %select_n3A_866 = arith.select %and3A_862, %sub3A_865, %div3A_838 : vector<128x1xi1>, vector<128x1xi32>
    %convert_element_type3A_867 = arith.sitofp %select_n3A_866 : vector<128x1xi32> to vector<128x1xf32>
    %jit3A_868 = arith.constant 224 : i32
    %eq3A_869 = arith.constant 0 : i32
    %eq3A_870 = arith.cmpi eq, %jit3A_868, %eq3A_869 : i32
    %jit3A_871 = arith.constant 1 : i32
    %select_n3A_872 = arith.select %eq3A_870, %jit3A_871, %jit3A_868 : i32
    %rem3A_873 = vector.broadcast %select_n3A_872 : i32 to vector<128x1xi32>
    %rem3A_874 = arith.remsi %get3A_835, %rem3A_873 : vector<128x1xi32>
    %ne3A_875 = arith.constant 0 : i32
    %ne3A_876 = vector.broadcast %ne3A_875 : i32 to vector<128x1xi32>
    %ne3A_877 = arith.cmpi ne, %rem3A_874, %ne3A_876 : vector<128x1xi32>
    %lt3A_878 = arith.constant 0 : i32
    %lt3A_879 = vector.broadcast %lt3A_878 : i32 to vector<128x1xi32>
    %lt3A_880 = arith.cmpi slt, %rem3A_874, %lt3A_879 : vector<128x1xi32>
    %lt3A_881 = arith.constant 0 : i32
    %lt3A_882 = arith.cmpi slt, %select_n3A_872, %lt3A_881 : i32
    %ne3A_883 = vector.broadcast %lt3A_882 : i1 to vector<128x1xi1>
    %ne3A_884 = vector.broadcast %ne3A_883 : vector<128x1xi1> to vector<128x1xi1>
    %ne3A_885 = arith.xori %lt3A_880, %ne3A_884 : vector<128x1xi1>
    %and3A_886 = arith.andi %ne3A_885, %ne3A_877 : vector<128x1xi1>
    %add3A_887 = vector.broadcast %select_n3A_872 : i32 to vector<128x1xi32>
    %add3A_888 = arith.addi %rem3A_874, %add3A_887 : vector<128x1xi32>
    %select_n3A_889 = arith.select %and3A_886, %add3A_888, %rem3A_874 : vector<128x1xi1>, vector<128x1xi32>
    %convert_element_type3A_890 = arith.sitofp %select_n3A_889 : vector<128x1xi32> to vector<128x1xf32>
    %broadcast_in_dim3A_891 = arith.constant 0x7F800000 : f32
    %broadcast_in_dim3A_892 = vector.broadcast %broadcast_in_dim3A_891 : f32 to vector<128x128xf32>
    %sub3A_893 = vector.broadcast %convert_element_type3A_867 : vector<128x1xf32> to vector<128x128xf32>
    %sub3A_894 = vector.broadcast %convert_element_type3A_39 : vector<1x128xf32> to vector<128x128xf32>
    %sub3A_895 = arith.subf %sub3A_893, %sub3A_894 : vector<128x128xf32>
    %sub3A_896 = vector.broadcast %convert_element_type3A_890 : vector<128x1xf32> to vector<128x128xf32>
    %sub3A_897 = vector.broadcast %select_n3A_64 : vector<1x128xf32> to vector<128x128xf32>
    %sub3A_898 = arith.subf %sub3A_896, %sub3A_897 : vector<128x128xf32>
    %mul3A_899 = arith.mulf %sub3A_895, %sub3A_895 : vector<128x128xf32>
    %mul3A_900 = arith.mulf %sub3A_898, %sub3A_898 : vector<128x128xf32>
    %add3A_901 = arith.addf %mul3A_899, %mul3A_900 : vector<128x128xf32>
    %min3A_902 = arith.minimumf %broadcast_in_dim3A_892, %add3A_901 : vector<128x128xf32>
    %sub3A_903 = vector.broadcast %convert_element_type3A_867 : vector<128x1xf32> to vector<128x128xf32>
    %sub3A_904 = vector.broadcast %convert_element_type3A_102 : vector<1x128xf32> to vector<128x128xf32>
    %sub3A_905 = arith.subf %sub3A_903, %sub3A_904 : vector<128x128xf32>
    %sub3A_906 = vector.broadcast %convert_element_type3A_890 : vector<128x1xf32> to vector<128x128xf32>
    %sub3A_907 = vector.broadcast %select_n3A_128 : vector<1x128xf32> to vector<128x128xf32>
    %sub3A_908 = arith.subf %sub3A_906, %sub3A_907 : vector<128x128xf32>
    %mul3A_909 = arith.mulf %sub3A_905, %sub3A_905 : vector<128x128xf32>
    %mul3A_910 = arith.mulf %sub3A_908, %sub3A_908 : vector<128x128xf32>
    %add3A_911 = arith.addf %mul3A_909, %mul3A_910 : vector<128x128xf32>
    %min3A_912 = arith.minimumf %min3A_902, %add3A_911 : vector<128x128xf32>
    %sub3A_913 = vector.broadcast %convert_element_type3A_867 : vector<128x1xf32> to vector<128x128xf32>
    %sub3A_914 = vector.broadcast %convert_element_type3A_166 : vector<1x128xf32> to vector<128x128xf32>
    %sub3A_915 = arith.subf %sub3A_913, %sub3A_914 : vector<128x128xf32>
    %sub3A_916 = vector.broadcast %convert_element_type3A_890 : vector<128x1xf32> to vector<128x128xf32>
    %sub3A_917 = vector.broadcast %select_n3A_192 : vector<1x128xf32> to vector<128x128xf32>
    %sub3A_918 = arith.subf %sub3A_916, %sub3A_917 : vector<128x128xf32>
    %mul3A_919 = arith.mulf %sub3A_915, %sub3A_915 : vector<128x128xf32>
    %mul3A_920 = arith.mulf %sub3A_918, %sub3A_918 : vector<128x128xf32>
    %add3A_921 = arith.addf %mul3A_919, %mul3A_920 : vector<128x128xf32>
    %min3A_922 = arith.minimumf %min3A_912, %add3A_921 : vector<128x128xf32>
    %sub3A_923 = vector.broadcast %convert_element_type3A_867 : vector<128x1xf32> to vector<128x128xf32>
    %sub3A_924 = vector.broadcast %convert_element_type3A_230 : vector<1x128xf32> to vector<128x128xf32>
    %sub3A_925 = arith.subf %sub3A_923, %sub3A_924 : vector<128x128xf32>
    %sub3A_926 = vector.broadcast %convert_element_type3A_890 : vector<128x1xf32> to vector<128x128xf32>
    %sub3A_927 = vector.broadcast %select_n3A_256 : vector<1x128xf32> to vector<128x128xf32>
    %sub3A_928 = arith.subf %sub3A_926, %sub3A_927 : vector<128x128xf32>
    %mul3A_929 = arith.mulf %sub3A_925, %sub3A_925 : vector<128x128xf32>
    %mul3A_930 = arith.mulf %sub3A_928, %sub3A_928 : vector<128x128xf32>
    %add3A_931 = arith.addf %mul3A_929, %mul3A_930 : vector<128x128xf32>
    %min3A_932 = arith.minimumf %min3A_922, %add3A_931 : vector<128x128xf32>
    %sub3A_933 = vector.broadcast %convert_element_type3A_867 : vector<128x1xf32> to vector<128x128xf32>
    %sub3A_934 = vector.broadcast %convert_element_type3A_294 : vector<1x128xf32> to vector<128x128xf32>
    %sub3A_935 = arith.subf %sub3A_933, %sub3A_934 : vector<128x128xf32>
    %sub3A_936 = vector.broadcast %convert_element_type3A_890 : vector<128x1xf32> to vector<128x128xf32>
    %sub3A_937 = vector.broadcast %select_n3A_320 : vector<1x128xf32> to vector<128x128xf32>
    %sub3A_938 = arith.subf %sub3A_936, %sub3A_937 : vector<128x128xf32>
    %mul3A_939 = arith.mulf %sub3A_935, %sub3A_935 : vector<128x128xf32>
    %mul3A_940 = arith.mulf %sub3A_938, %sub3A_938 : vector<128x128xf32>
    %add3A_941 = arith.addf %mul3A_939, %mul3A_940 : vector<128x128xf32>
    %min3A_942 = arith.minimumf %min3A_932, %add3A_941 : vector<128x128xf32>
    %sub3A_943 = vector.broadcast %convert_element_type3A_867 : vector<128x1xf32> to vector<128x128xf32>
    %sub3A_944 = vector.broadcast %convert_element_type3A_358 : vector<1x128xf32> to vector<128x128xf32>
    %sub3A_945 = arith.subf %sub3A_943, %sub3A_944 : vector<128x128xf32>
    %sub3A_946 = vector.broadcast %convert_element_type3A_890 : vector<128x1xf32> to vector<128x128xf32>
    %sub3A_947 = vector.broadcast %select_n3A_384 : vector<1x128xf32> to vector<128x128xf32>
    %sub3A_948 = arith.subf %sub3A_946, %sub3A_947 : vector<128x128xf32>
    %mul3A_949 = arith.mulf %sub3A_945, %sub3A_945 : vector<128x128xf32>
    %mul3A_950 = arith.mulf %sub3A_948, %sub3A_948 : vector<128x128xf32>
    %add3A_951 = arith.addf %mul3A_949, %mul3A_950 : vector<128x128xf32>
    %min3A_952 = arith.minimumf %min3A_942, %add3A_951 : vector<128x128xf32>
    %sub3A_953 = vector.broadcast %convert_element_type3A_867 : vector<128x1xf32> to vector<128x128xf32>
    %sub3A_954 = vector.broadcast %convert_element_type3A_422 : vector<1x128xf32> to vector<128x128xf32>
    %sub3A_955 = arith.subf %sub3A_953, %sub3A_954 : vector<128x128xf32>
    %sub3A_956 = vector.broadcast %convert_element_type3A_890 : vector<128x1xf32> to vector<128x128xf32>
    %sub3A_957 = vector.broadcast %select_n3A_448 : vector<1x128xf32> to vector<128x128xf32>
    %sub3A_958 = arith.subf %sub3A_956, %sub3A_957 : vector<128x128xf32>
    %mul3A_959 = arith.mulf %sub3A_955, %sub3A_955 : vector<128x128xf32>
    %mul3A_960 = arith.mulf %sub3A_958, %sub3A_958 : vector<128x128xf32>
    %add3A_961 = arith.addf %mul3A_959, %mul3A_960 : vector<128x128xf32>
    %min3A_962 = arith.minimumf %min3A_952, %add3A_961 : vector<128x128xf32>
    %sub3A_963 = vector.broadcast %convert_element_type3A_867 : vector<128x1xf32> to vector<128x128xf32>
    %sub3A_964 = vector.broadcast %convert_element_type3A_486 : vector<1x128xf32> to vector<128x128xf32>
    %sub3A_965 = arith.subf %sub3A_963, %sub3A_964 : vector<128x128xf32>
    %sub3A_966 = vector.broadcast %convert_element_type3A_890 : vector<128x1xf32> to vector<128x128xf32>
    %sub3A_967 = vector.broadcast %select_n3A_512 : vector<1x128xf32> to vector<128x128xf32>
    %sub3A_968 = arith.subf %sub3A_966, %sub3A_967 : vector<128x128xf32>
    %mul3A_969 = arith.mulf %sub3A_965, %sub3A_965 : vector<128x128xf32>
    %mul3A_970 = arith.mulf %sub3A_968, %sub3A_968 : vector<128x128xf32>
    %add3A_971 = arith.addf %mul3A_969, %mul3A_970 : vector<128x128xf32>
    %min3A_972 = arith.minimumf %min3A_962, %add3A_971 : vector<128x128xf32>
    %reduce_min3A_973 = arith.constant dense<0x7F800000> : vector<128xf32>
    %reduce_min3A_974 = vector.multi_reduction <minimumf>, %min3A_972, %reduce_min3A_973 [1] : vector<128x128xf32> to vector<128xf32>
    %broadcast_in_dim3A_975 = vector.shape_cast %reduce_min3A_974 : vector<128xf32> to vector<128x1xf32>
    %sqrt3A_976 = math.sqrt %broadcast_in_dim3A_975 : vector<128x1xf32>
    %add3A_977 = arith.constant 256 : i32
    %add3A_978 = vector.broadcast %add3A_977 : i32 to vector<128x1xi32>
    %add3A_979 = arith.addi %add3A_978, %iota3A_513 : vector<128x1xi32>
    %lt3A_980 = vector.broadcast %min3A_5 : i32 to vector<128x1xi32>
    %lt3A_981 = arith.cmpi slt, %add3A_979, %lt3A_980 : vector<128x1xi32>
    %jit3A_982 = arith.constant 0.000000e+00 : f32
    %broadcast_in_dim3A_983 = vector.broadcast %jit3A_982 : f32 to vector<128x1xf32>
    %select_n3A_984 = arith.select %lt3A_981, %sqrt3A_976, %broadcast_in_dim3A_983 : vector<128x1xi1>, vector<128x1xf32>
    %reduce_sum3A_985 = vector.shape_cast %select_n3A_984 : vector<128x1xf32> to vector<1x128x1xf32>
    %reduce_sum3A_986 = arith.constant dense<0.000000e+00> : vector<1xf32>
    %reduce_sum3A_987 = vector.multi_reduction <add>, %reduce_sum3A_985, %reduce_sum3A_986 [1, 2] : vector<1x128x1xf32> to vector<1xf32>
    %reduce_sum3A_988 = vector.shape_cast %reduce_sum3A_987 : vector<1xf32> to vector<1x1x1xf32>
    %reduce_sum3A_989 = vector.extract %reduce_sum3A_988[0, 0, 0] : f32 from vector<1x1x1xf32>
    %add3A_990 = arith.addf %add3A_830, %reduce_sum3A_989 : f32
    %get3A_991 = arith.constant 0 : index
    %get3A_992 = arith.constant 384 : index
    %get3A_993 = arith.constant 0 : index
    %get3A_994 = vector.load %arg1[%get3A_991, %get3A_992, %get3A_993] : memref<1x1024x1xi32, #tpu.memory_space<vmem>>, vector<1x128x1xi32>
    %get3A_995 = vector.shape_cast %get3A_994 : vector<1x128x1xi32> to vector<128x1xi32>
    %jit3A_996 = arith.constant 224 : i32
    %div3A_997 = vector.broadcast %jit3A_996 : i32 to vector<128x1xi32>
    %div3A_998 = arith.divsi %get3A_995, %div3A_997 : vector<128x1xi32>
    %sign3A_999 = arith.constant 0 : i32
    %sign3A_1000 = vector.broadcast %sign3A_999 : i32 to vector<128x1xi32>
    %sign3A_1001 = arith.cmpi sgt, %get3A_995, %sign3A_1000 : vector<128x1xi32>
    %sign3A_1002 = arith.extui %sign3A_1001 : vector<128x1xi1> to vector<128x1xi32>
    %sign3A_1003 = arith.constant 0 : i32
    %sign3A_1004 = vector.broadcast %sign3A_1003 : i32 to vector<128x1xi32>
    %sign3A_1005 = arith.cmpi slt, %get3A_995, %sign3A_1004 : vector<128x1xi32>
    %sign3A_1006 = arith.extui %sign3A_1005 : vector<128x1xi1> to vector<128x1xi32>
    %sign3A_1007 = arith.subi %sign3A_1002, %sign3A_1006 : vector<128x1xi32>
    %sign3A_1008 = arith.constant 0 : i32
    %sign3A_1009 = arith.cmpi sgt, %jit3A_996, %sign3A_1008 : i32
    %sign3A_1010 = arith.extui %sign3A_1009 : i1 to i32
    %sign3A_1011 = arith.constant 0 : i32
    %sign3A_1012 = arith.cmpi slt, %jit3A_996, %sign3A_1011 : i32
    %sign3A_1013 = arith.extui %sign3A_1012 : i1 to i32
    %sign3A_1014 = arith.subi %sign3A_1010, %sign3A_1013 : i32
    %ne3A_1015 = vector.broadcast %sign3A_1014 : i32 to vector<128x1xi32>
    %ne3A_1016 = arith.cmpi ne, %sign3A_1007, %ne3A_1015 : vector<128x1xi32>
    %rem3A_1017 = vector.broadcast %jit3A_996 : i32 to vector<128x1xi32>
    %rem3A_1018 = arith.remsi %get3A_995, %rem3A_1017 : vector<128x1xi32>
    %ne3A_1019 = arith.constant 0 : i32
    %ne3A_1020 = vector.broadcast %ne3A_1019 : i32 to vector<128x1xi32>
    %ne3A_1021 = arith.cmpi ne, %rem3A_1018, %ne3A_1020 : vector<128x1xi32>
    %and3A_1022 = arith.andi %ne3A_1016, %ne3A_1021 : vector<128x1xi1>
    %sub3A_1023 = arith.constant 1 : i32
    %sub3A_1024 = vector.broadcast %sub3A_1023 : i32 to vector<128x1xi32>
    %sub3A_1025 = arith.subi %div3A_998, %sub3A_1024 : vector<128x1xi32>
    %select_n3A_1026 = arith.select %and3A_1022, %sub3A_1025, %div3A_998 : vector<128x1xi1>, vector<128x1xi32>
    %convert_element_type3A_1027 = arith.sitofp %select_n3A_1026 : vector<128x1xi32> to vector<128x1xf32>
    %jit3A_1028 = arith.constant 224 : i32
    %eq3A_1029 = arith.constant 0 : i32
    %eq3A_1030 = arith.cmpi eq, %jit3A_1028, %eq3A_1029 : i32
    %jit3A_1031 = arith.constant 1 : i32
    %select_n3A_1032 = arith.select %eq3A_1030, %jit3A_1031, %jit3A_1028 : i32
    %rem3A_1033 = vector.broadcast %select_n3A_1032 : i32 to vector<128x1xi32>
    %rem3A_1034 = arith.remsi %get3A_995, %rem3A_1033 : vector<128x1xi32>
    %ne3A_1035 = arith.constant 0 : i32
    %ne3A_1036 = vector.broadcast %ne3A_1035 : i32 to vector<128x1xi32>
    %ne3A_1037 = arith.cmpi ne, %rem3A_1034, %ne3A_1036 : vector<128x1xi32>
    %lt3A_1038 = arith.constant 0 : i32
    %lt3A_1039 = vector.broadcast %lt3A_1038 : i32 to vector<128x1xi32>
    %lt3A_1040 = arith.cmpi slt, %rem3A_1034, %lt3A_1039 : vector<128x1xi32>
    %lt3A_1041 = arith.constant 0 : i32
    %lt3A_1042 = arith.cmpi slt, %select_n3A_1032, %lt3A_1041 : i32
    %ne3A_1043 = vector.broadcast %lt3A_1042 : i1 to vector<128x1xi1>
    %ne3A_1044 = vector.broadcast %ne3A_1043 : vector<128x1xi1> to vector<128x1xi1>
    %ne3A_1045 = arith.xori %lt3A_1040, %ne3A_1044 : vector<128x1xi1>
    %and3A_1046 = arith.andi %ne3A_1045, %ne3A_1037 : vector<128x1xi1>
    %add3A_1047 = vector.broadcast %select_n3A_1032 : i32 to vector<128x1xi32>
    %add3A_1048 = arith.addi %rem3A_1034, %add3A_1047 : vector<128x1xi32>
    %select_n3A_1049 = arith.select %and3A_1046, %add3A_1048, %rem3A_1034 : vector<128x1xi1>, vector<128x1xi32>
    %convert_element_type3A_1050 = arith.sitofp %select_n3A_1049 : vector<128x1xi32> to vector<128x1xf32>
    %broadcast_in_dim3A_1051 = arith.constant 0x7F800000 : f32
    %broadcast_in_dim3A_1052 = vector.broadcast %broadcast_in_dim3A_1051 : f32 to vector<128x128xf32>
    %sub3A_1053 = vector.broadcast %convert_element_type3A_1027 : vector<128x1xf32> to vector<128x128xf32>
    %sub3A_1054 = vector.broadcast %convert_element_type3A_39 : vector<1x128xf32> to vector<128x128xf32>
    %sub3A_1055 = arith.subf %sub3A_1053, %sub3A_1054 : vector<128x128xf32>
    %sub3A_1056 = vector.broadcast %convert_element_type3A_1050 : vector<128x1xf32> to vector<128x128xf32>
    %sub3A_1057 = vector.broadcast %select_n3A_64 : vector<1x128xf32> to vector<128x128xf32>
    %sub3A_1058 = arith.subf %sub3A_1056, %sub3A_1057 : vector<128x128xf32>
    %mul3A_1059 = arith.mulf %sub3A_1055, %sub3A_1055 : vector<128x128xf32>
    %mul3A_1060 = arith.mulf %sub3A_1058, %sub3A_1058 : vector<128x128xf32>
    %add3A_1061 = arith.addf %mul3A_1059, %mul3A_1060 : vector<128x128xf32>
    %min3A_1062 = arith.minimumf %broadcast_in_dim3A_1052, %add3A_1061 : vector<128x128xf32>
    %sub3A_1063 = vector.broadcast %convert_element_type3A_1027 : vector<128x1xf32> to vector<128x128xf32>
    %sub3A_1064 = vector.broadcast %convert_element_type3A_102 : vector<1x128xf32> to vector<128x128xf32>
    %sub3A_1065 = arith.subf %sub3A_1063, %sub3A_1064 : vector<128x128xf32>
    %sub3A_1066 = vector.broadcast %convert_element_type3A_1050 : vector<128x1xf32> to vector<128x128xf32>
    %sub3A_1067 = vector.broadcast %select_n3A_128 : vector<1x128xf32> to vector<128x128xf32>
    %sub3A_1068 = arith.subf %sub3A_1066, %sub3A_1067 : vector<128x128xf32>
    %mul3A_1069 = arith.mulf %sub3A_1065, %sub3A_1065 : vector<128x128xf32>
    %mul3A_1070 = arith.mulf %sub3A_1068, %sub3A_1068 : vector<128x128xf32>
    %add3A_1071 = arith.addf %mul3A_1069, %mul3A_1070 : vector<128x128xf32>
    %min3A_1072 = arith.minimumf %min3A_1062, %add3A_1071 : vector<128x128xf32>
    %sub3A_1073 = vector.broadcast %convert_element_type3A_1027 : vector<128x1xf32> to vector<128x128xf32>
    %sub3A_1074 = vector.broadcast %convert_element_type3A_166 : vector<1x128xf32> to vector<128x128xf32>
    %sub3A_1075 = arith.subf %sub3A_1073, %sub3A_1074 : vector<128x128xf32>
    %sub3A_1076 = vector.broadcast %convert_element_type3A_1050 : vector<128x1xf32> to vector<128x128xf32>
    %sub3A_1077 = vector.broadcast %select_n3A_192 : vector<1x128xf32> to vector<128x128xf32>
    %sub3A_1078 = arith.subf %sub3A_1076, %sub3A_1077 : vector<128x128xf32>
    %mul3A_1079 = arith.mulf %sub3A_1075, %sub3A_1075 : vector<128x128xf32>
    %mul3A_1080 = arith.mulf %sub3A_1078, %sub3A_1078 : vector<128x128xf32>
    %add3A_1081 = arith.addf %mul3A_1079, %mul3A_1080 : vector<128x128xf32>
    %min3A_1082 = arith.minimumf %min3A_1072, %add3A_1081 : vector<128x128xf32>
    %sub3A_1083 = vector.broadcast %convert_element_type3A_1027 : vector<128x1xf32> to vector<128x128xf32>
    %sub3A_1084 = vector.broadcast %convert_element_type3A_230 : vector<1x128xf32> to vector<128x128xf32>
    %sub3A_1085 = arith.subf %sub3A_1083, %sub3A_1084 : vector<128x128xf32>
    %sub3A_1086 = vector.broadcast %convert_element_type3A_1050 : vector<128x1xf32> to vector<128x128xf32>
    %sub3A_1087 = vector.broadcast %select_n3A_256 : vector<1x128xf32> to vector<128x128xf32>
    %sub3A_1088 = arith.subf %sub3A_1086, %sub3A_1087 : vector<128x128xf32>
    %mul3A_1089 = arith.mulf %sub3A_1085, %sub3A_1085 : vector<128x128xf32>
    %mul3A_1090 = arith.mulf %sub3A_1088, %sub3A_1088 : vector<128x128xf32>
    %add3A_1091 = arith.addf %mul3A_1089, %mul3A_1090 : vector<128x128xf32>
    %min3A_1092 = arith.minimumf %min3A_1082, %add3A_1091 : vector<128x128xf32>
    %sub3A_1093 = vector.broadcast %convert_element_type3A_1027 : vector<128x1xf32> to vector<128x128xf32>
    %sub3A_1094 = vector.broadcast %convert_element_type3A_294 : vector<1x128xf32> to vector<128x128xf32>
    %sub3A_1095 = arith.subf %sub3A_1093, %sub3A_1094 : vector<128x128xf32>
    %sub3A_1096 = vector.broadcast %convert_element_type3A_1050 : vector<128x1xf32> to vector<128x128xf32>
    %sub3A_1097 = vector.broadcast %select_n3A_320 : vector<1x128xf32> to vector<128x128xf32>
    %sub3A_1098 = arith.subf %sub3A_1096, %sub3A_1097 : vector<128x128xf32>
    %mul3A_1099 = arith.mulf %sub3A_1095, %sub3A_1095 : vector<128x128xf32>
    %mul3A_1100 = arith.mulf %sub3A_1098, %sub3A_1098 : vector<128x128xf32>
    %add3A_1101 = arith.addf %mul3A_1099, %mul3A_1100 : vector<128x128xf32>
    %min3A_1102 = arith.minimumf %min3A_1092, %add3A_1101 : vector<128x128xf32>
    %sub3A_1103 = vector.broadcast %convert_element_type3A_1027 : vector<128x1xf32> to vector<128x128xf32>
    %sub3A_1104 = vector.broadcast %convert_element_type3A_358 : vector<1x128xf32> to vector<128x128xf32>
    %sub3A_1105 = arith.subf %sub3A_1103, %sub3A_1104 : vector<128x128xf32>
    %sub3A_1106 = vector.broadcast %convert_element_type3A_1050 : vector<128x1xf32> to vector<128x128xf32>
    %sub3A_1107 = vector.broadcast %select_n3A_384 : vector<1x128xf32> to vector<128x128xf32>
    %sub3A_1108 = arith.subf %sub3A_1106, %sub3A_1107 : vector<128x128xf32>
    %mul3A_1109 = arith.mulf %sub3A_1105, %sub3A_1105 : vector<128x128xf32>
    %mul3A_1110 = arith.mulf %sub3A_1108, %sub3A_1108 : vector<128x128xf32>
    %add3A_1111 = arith.addf %mul3A_1109, %mul3A_1110 : vector<128x128xf32>
    %min3A_1112 = arith.minimumf %min3A_1102, %add3A_1111 : vector<128x128xf32>
    %sub3A_1113 = vector.broadcast %convert_element_type3A_1027 : vector<128x1xf32> to vector<128x128xf32>
    %sub3A_1114 = vector.broadcast %convert_element_type3A_422 : vector<1x128xf32> to vector<128x128xf32>
    %sub3A_1115 = arith.subf %sub3A_1113, %sub3A_1114 : vector<128x128xf32>
    %sub3A_1116 = vector.broadcast %convert_element_type3A_1050 : vector<128x1xf32> to vector<128x128xf32>
    %sub3A_1117 = vector.broadcast %select_n3A_448 : vector<1x128xf32> to vector<128x128xf32>
    %sub3A_1118 = arith.subf %sub3A_1116, %sub3A_1117 : vector<128x128xf32>
    %mul3A_1119 = arith.mulf %sub3A_1115, %sub3A_1115 : vector<128x128xf32>
    %mul3A_1120 = arith.mulf %sub3A_1118, %sub3A_1118 : vector<128x128xf32>
    %add3A_1121 = arith.addf %mul3A_1119, %mul3A_1120 : vector<128x128xf32>
    %min3A_1122 = arith.minimumf %min3A_1112, %add3A_1121 : vector<128x128xf32>
    %sub3A_1123 = vector.broadcast %convert_element_type3A_1027 : vector<128x1xf32> to vector<128x128xf32>
    %sub3A_1124 = vector.broadcast %convert_element_type3A_486 : vector<1x128xf32> to vector<128x128xf32>
    %sub3A_1125 = arith.subf %sub3A_1123, %sub3A_1124 : vector<128x128xf32>
    %sub3A_1126 = vector.broadcast %convert_element_type3A_1050 : vector<128x1xf32> to vector<128x128xf32>
    %sub3A_1127 = vector.broadcast %select_n3A_512 : vector<1x128xf32> to vector<128x128xf32>
    %sub3A_1128 = arith.subf %sub3A_1126, %sub3A_1127 : vector<128x128xf32>
    %mul3A_1129 = arith.mulf %sub3A_1125, %sub3A_1125 : vector<128x128xf32>
    %mul3A_1130 = arith.mulf %sub3A_1128, %sub3A_1128 : vector<128x128xf32>
    %add3A_1131 = arith.addf %mul3A_1129, %mul3A_1130 : vector<128x128xf32>
    %min3A_1132 = arith.minimumf %min3A_1122, %add3A_1131 : vector<128x128xf32>
    %reduce_min3A_1133 = arith.constant dense<0x7F800000> : vector<128xf32>
    %reduce_min3A_1134 = vector.multi_reduction <minimumf>, %min3A_1132, %reduce_min3A_1133 [1] : vector<128x128xf32> to vector<128xf32>
    %broadcast_in_dim3A_1135 = vector.shape_cast %reduce_min3A_1134 : vector<128xf32> to vector<128x1xf32>
    %sqrt3A_1136 = math.sqrt %broadcast_in_dim3A_1135 : vector<128x1xf32>
    %add3A_1137 = arith.constant 384 : i32
    %add3A_1138 = vector.broadcast %add3A_1137 : i32 to vector<128x1xi32>
    %add3A_1139 = arith.addi %add3A_1138, %iota3A_513 : vector<128x1xi32>
    %lt3A_1140 = vector.broadcast %min3A_5 : i32 to vector<128x1xi32>
    %lt3A_1141 = arith.cmpi slt, %add3A_1139, %lt3A_1140 : vector<128x1xi32>
    %jit3A_1142 = arith.constant 0.000000e+00 : f32
    %broadcast_in_dim3A_1143 = vector.broadcast %jit3A_1142 : f32 to vector<128x1xf32>
    %select_n3A_1144 = arith.select %lt3A_1141, %sqrt3A_1136, %broadcast_in_dim3A_1143 : vector<128x1xi1>, vector<128x1xf32>
    %reduce_sum3A_1145 = vector.shape_cast %select_n3A_1144 : vector<128x1xf32> to vector<1x128x1xf32>
    %reduce_sum3A_1146 = arith.constant dense<0.000000e+00> : vector<1xf32>
    %reduce_sum3A_1147 = vector.multi_reduction <add>, %reduce_sum3A_1145, %reduce_sum3A_1146 [1, 2] : vector<1x128x1xf32> to vector<1xf32>
    %reduce_sum3A_1148 = vector.shape_cast %reduce_sum3A_1147 : vector<1xf32> to vector<1x1x1xf32>
    %reduce_sum3A_1149 = vector.extract %reduce_sum3A_1148[0, 0, 0] : f32 from vector<1x1x1xf32>
    %add3A_1150 = arith.addf %add3A_990, %reduce_sum3A_1149 : f32
    %get3A_1151 = arith.constant 0 : index
    %get3A_1152 = arith.constant 512 : index
    %get3A_1153 = arith.constant 0 : index
    %get3A_1154 = vector.load %arg1[%get3A_1151, %get3A_1152, %get3A_1153] : memref<1x1024x1xi32, #tpu.memory_space<vmem>>, vector<1x128x1xi32>
    %get3A_1155 = vector.shape_cast %get3A_1154 : vector<1x128x1xi32> to vector<128x1xi32>
    %jit3A_1156 = arith.constant 224 : i32
    %div3A_1157 = vector.broadcast %jit3A_1156 : i32 to vector<128x1xi32>
    %div3A_1158 = arith.divsi %get3A_1155, %div3A_1157 : vector<128x1xi32>
    %sign3A_1159 = arith.constant 0 : i32
    %sign3A_1160 = vector.broadcast %sign3A_1159 : i32 to vector<128x1xi32>
    %sign3A_1161 = arith.cmpi sgt, %get3A_1155, %sign3A_1160 : vector<128x1xi32>
    %sign3A_1162 = arith.extui %sign3A_1161 : vector<128x1xi1> to vector<128x1xi32>
    %sign3A_1163 = arith.constant 0 : i32
    %sign3A_1164 = vector.broadcast %sign3A_1163 : i32 to vector<128x1xi32>
    %sign3A_1165 = arith.cmpi slt, %get3A_1155, %sign3A_1164 : vector<128x1xi32>
    %sign3A_1166 = arith.extui %sign3A_1165 : vector<128x1xi1> to vector<128x1xi32>
    %sign3A_1167 = arith.subi %sign3A_1162, %sign3A_1166 : vector<128x1xi32>
    %sign3A_1168 = arith.constant 0 : i32
    %sign3A_1169 = arith.cmpi sgt, %jit3A_1156, %sign3A_1168 : i32
    %sign3A_1170 = arith.extui %sign3A_1169 : i1 to i32
    %sign3A_1171 = arith.constant 0 : i32
    %sign3A_1172 = arith.cmpi slt, %jit3A_1156, %sign3A_1171 : i32
    %sign3A_1173 = arith.extui %sign3A_1172 : i1 to i32
    %sign3A_1174 = arith.subi %sign3A_1170, %sign3A_1173 : i32
    %ne3A_1175 = vector.broadcast %sign3A_1174 : i32 to vector<128x1xi32>
    %ne3A_1176 = arith.cmpi ne, %sign3A_1167, %ne3A_1175 : vector<128x1xi32>
    %rem3A_1177 = vector.broadcast %jit3A_1156 : i32 to vector<128x1xi32>
    %rem3A_1178 = arith.remsi %get3A_1155, %rem3A_1177 : vector<128x1xi32>
    %ne3A_1179 = arith.constant 0 : i32
    %ne3A_1180 = vector.broadcast %ne3A_1179 : i32 to vector<128x1xi32>
    %ne3A_1181 = arith.cmpi ne, %rem3A_1178, %ne3A_1180 : vector<128x1xi32>
    %and3A_1182 = arith.andi %ne3A_1176, %ne3A_1181 : vector<128x1xi1>
    %sub3A_1183 = arith.constant 1 : i32
    %sub3A_1184 = vector.broadcast %sub3A_1183 : i32 to vector<128x1xi32>
    %sub3A_1185 = arith.subi %div3A_1158, %sub3A_1184 : vector<128x1xi32>
    %select_n3A_1186 = arith.select %and3A_1182, %sub3A_1185, %div3A_1158 : vector<128x1xi1>, vector<128x1xi32>
    %convert_element_type3A_1187 = arith.sitofp %select_n3A_1186 : vector<128x1xi32> to vector<128x1xf32>
    %jit3A_1188 = arith.constant 224 : i32
    %eq3A_1189 = arith.constant 0 : i32
    %eq3A_1190 = arith.cmpi eq, %jit3A_1188, %eq3A_1189 : i32
    %jit3A_1191 = arith.constant 1 : i32
    %select_n3A_1192 = arith.select %eq3A_1190, %jit3A_1191, %jit3A_1188 : i32
    %rem3A_1193 = vector.broadcast %select_n3A_1192 : i32 to vector<128x1xi32>
    %rem3A_1194 = arith.remsi %get3A_1155, %rem3A_1193 : vector<128x1xi32>
    %ne3A_1195 = arith.constant 0 : i32
    %ne3A_1196 = vector.broadcast %ne3A_1195 : i32 to vector<128x1xi32>
    %ne3A_1197 = arith.cmpi ne, %rem3A_1194, %ne3A_1196 : vector<128x1xi32>
    %lt3A_1198 = arith.constant 0 : i32
    %lt3A_1199 = vector.broadcast %lt3A_1198 : i32 to vector<128x1xi32>
    %lt3A_1200 = arith.cmpi slt, %rem3A_1194, %lt3A_1199 : vector<128x1xi32>
    %lt3A_1201 = arith.constant 0 : i32
    %lt3A_1202 = arith.cmpi slt, %select_n3A_1192, %lt3A_1201 : i32
    %ne3A_1203 = vector.broadcast %lt3A_1202 : i1 to vector<128x1xi1>
    %ne3A_1204 = vector.broadcast %ne3A_1203 : vector<128x1xi1> to vector<128x1xi1>
    %ne3A_1205 = arith.xori %lt3A_1200, %ne3A_1204 : vector<128x1xi1>
    %and3A_1206 = arith.andi %ne3A_1205, %ne3A_1197 : vector<128x1xi1>
    %add3A_1207 = vector.broadcast %select_n3A_1192 : i32 to vector<128x1xi32>
    %add3A_1208 = arith.addi %rem3A_1194, %add3A_1207 : vector<128x1xi32>
    %select_n3A_1209 = arith.select %and3A_1206, %add3A_1208, %rem3A_1194 : vector<128x1xi1>, vector<128x1xi32>
    %convert_element_type3A_1210 = arith.sitofp %select_n3A_1209 : vector<128x1xi32> to vector<128x1xf32>
    %broadcast_in_dim3A_1211 = arith.constant 0x7F800000 : f32
    %broadcast_in_dim3A_1212 = vector.broadcast %broadcast_in_dim3A_1211 : f32 to vector<128x128xf32>
    %sub3A_1213 = vector.broadcast %convert_element_type3A_1187 : vector<128x1xf32> to vector<128x128xf32>
    %sub3A_1214 = vector.broadcast %convert_element_type3A_39 : vector<1x128xf32> to vector<128x128xf32>
    %sub3A_1215 = arith.subf %sub3A_1213, %sub3A_1214 : vector<128x128xf32>
    %sub3A_1216 = vector.broadcast %convert_element_type3A_1210 : vector<128x1xf32> to vector<128x128xf32>
    %sub3A_1217 = vector.broadcast %select_n3A_64 : vector<1x128xf32> to vector<128x128xf32>
    %sub3A_1218 = arith.subf %sub3A_1216, %sub3A_1217 : vector<128x128xf32>
    %mul3A_1219 = arith.mulf %sub3A_1215, %sub3A_1215 : vector<128x128xf32>
    %mul3A_1220 = arith.mulf %sub3A_1218, %sub3A_1218 : vector<128x128xf32>
    %add3A_1221 = arith.addf %mul3A_1219, %mul3A_1220 : vector<128x128xf32>
    %min3A_1222 = arith.minimumf %broadcast_in_dim3A_1212, %add3A_1221 : vector<128x128xf32>
    %sub3A_1223 = vector.broadcast %convert_element_type3A_1187 : vector<128x1xf32> to vector<128x128xf32>
    %sub3A_1224 = vector.broadcast %convert_element_type3A_102 : vector<1x128xf32> to vector<128x128xf32>
    %sub3A_1225 = arith.subf %sub3A_1223, %sub3A_1224 : vector<128x128xf32>
    %sub3A_1226 = vector.broadcast %convert_element_type3A_1210 : vector<128x1xf32> to vector<128x128xf32>
    %sub3A_1227 = vector.broadcast %select_n3A_128 : vector<1x128xf32> to vector<128x128xf32>
    %sub3A_1228 = arith.subf %sub3A_1226, %sub3A_1227 : vector<128x128xf32>
    %mul3A_1229 = arith.mulf %sub3A_1225, %sub3A_1225 : vector<128x128xf32>
    %mul3A_1230 = arith.mulf %sub3A_1228, %sub3A_1228 : vector<128x128xf32>
    %add3A_1231 = arith.addf %mul3A_1229, %mul3A_1230 : vector<128x128xf32>
    %min3A_1232 = arith.minimumf %min3A_1222, %add3A_1231 : vector<128x128xf32>
    %sub3A_1233 = vector.broadcast %convert_element_type3A_1187 : vector<128x1xf32> to vector<128x128xf32>
    %sub3A_1234 = vector.broadcast %convert_element_type3A_166 : vector<1x128xf32> to vector<128x128xf32>
    %sub3A_1235 = arith.subf %sub3A_1233, %sub3A_1234 : vector<128x128xf32>
    %sub3A_1236 = vector.broadcast %convert_element_type3A_1210 : vector<128x1xf32> to vector<128x128xf32>
    %sub3A_1237 = vector.broadcast %select_n3A_192 : vector<1x128xf32> to vector<128x128xf32>
    %sub3A_1238 = arith.subf %sub3A_1236, %sub3A_1237 : vector<128x128xf32>
    %mul3A_1239 = arith.mulf %sub3A_1235, %sub3A_1235 : vector<128x128xf32>
    %mul3A_1240 = arith.mulf %sub3A_1238, %sub3A_1238 : vector<128x128xf32>
    %add3A_1241 = arith.addf %mul3A_1239, %mul3A_1240 : vector<128x128xf32>
    %min3A_1242 = arith.minimumf %min3A_1232, %add3A_1241 : vector<128x128xf32>
    %sub3A_1243 = vector.broadcast %convert_element_type3A_1187 : vector<128x1xf32> to vector<128x128xf32>
    %sub3A_1244 = vector.broadcast %convert_element_type3A_230 : vector<1x128xf32> to vector<128x128xf32>
    %sub3A_1245 = arith.subf %sub3A_1243, %sub3A_1244 : vector<128x128xf32>
    %sub3A_1246 = vector.broadcast %convert_element_type3A_1210 : vector<128x1xf32> to vector<128x128xf32>
    %sub3A_1247 = vector.broadcast %select_n3A_256 : vector<1x128xf32> to vector<128x128xf32>
    %sub3A_1248 = arith.subf %sub3A_1246, %sub3A_1247 : vector<128x128xf32>
    %mul3A_1249 = arith.mulf %sub3A_1245, %sub3A_1245 : vector<128x128xf32>
    %mul3A_1250 = arith.mulf %sub3A_1248, %sub3A_1248 : vector<128x128xf32>
    %add3A_1251 = arith.addf %mul3A_1249, %mul3A_1250 : vector<128x128xf32>
    %min3A_1252 = arith.minimumf %min3A_1242, %add3A_1251 : vector<128x128xf32>
    %sub3A_1253 = vector.broadcast %convert_element_type3A_1187 : vector<128x1xf32> to vector<128x128xf32>
    %sub3A_1254 = vector.broadcast %convert_element_type3A_294 : vector<1x128xf32> to vector<128x128xf32>
    %sub3A_1255 = arith.subf %sub3A_1253, %sub3A_1254 : vector<128x128xf32>
    %sub3A_1256 = vector.broadcast %convert_element_type3A_1210 : vector<128x1xf32> to vector<128x128xf32>
    %sub3A_1257 = vector.broadcast %select_n3A_320 : vector<1x128xf32> to vector<128x128xf32>
    %sub3A_1258 = arith.subf %sub3A_1256, %sub3A_1257 : vector<128x128xf32>
    %mul3A_1259 = arith.mulf %sub3A_1255, %sub3A_1255 : vector<128x128xf32>
    %mul3A_1260 = arith.mulf %sub3A_1258, %sub3A_1258 : vector<128x128xf32>
    %add3A_1261 = arith.addf %mul3A_1259, %mul3A_1260 : vector<128x128xf32>
    %min3A_1262 = arith.minimumf %min3A_1252, %add3A_1261 : vector<128x128xf32>
    %sub3A_1263 = vector.broadcast %convert_element_type3A_1187 : vector<128x1xf32> to vector<128x128xf32>
    %sub3A_1264 = vector.broadcast %convert_element_type3A_358 : vector<1x128xf32> to vector<128x128xf32>
    %sub3A_1265 = arith.subf %sub3A_1263, %sub3A_1264 : vector<128x128xf32>
    %sub3A_1266 = vector.broadcast %convert_element_type3A_1210 : vector<128x1xf32> to vector<128x128xf32>
    %sub3A_1267 = vector.broadcast %select_n3A_384 : vector<1x128xf32> to vector<128x128xf32>
    %sub3A_1268 = arith.subf %sub3A_1266, %sub3A_1267 : vector<128x128xf32>
    %mul3A_1269 = arith.mulf %sub3A_1265, %sub3A_1265 : vector<128x128xf32>
    %mul3A_1270 = arith.mulf %sub3A_1268, %sub3A_1268 : vector<128x128xf32>
    %add3A_1271 = arith.addf %mul3A_1269, %mul3A_1270 : vector<128x128xf32>
    %min3A_1272 = arith.minimumf %min3A_1262, %add3A_1271 : vector<128x128xf32>
    %sub3A_1273 = vector.broadcast %convert_element_type3A_1187 : vector<128x1xf32> to vector<128x128xf32>
    %sub3A_1274 = vector.broadcast %convert_element_type3A_422 : vector<1x128xf32> to vector<128x128xf32>
    %sub3A_1275 = arith.subf %sub3A_1273, %sub3A_1274 : vector<128x128xf32>
    %sub3A_1276 = vector.broadcast %convert_element_type3A_1210 : vector<128x1xf32> to vector<128x128xf32>
    %sub3A_1277 = vector.broadcast %select_n3A_448 : vector<1x128xf32> to vector<128x128xf32>
    %sub3A_1278 = arith.subf %sub3A_1276, %sub3A_1277 : vector<128x128xf32>
    %mul3A_1279 = arith.mulf %sub3A_1275, %sub3A_1275 : vector<128x128xf32>
    %mul3A_1280 = arith.mulf %sub3A_1278, %sub3A_1278 : vector<128x128xf32>
    %add3A_1281 = arith.addf %mul3A_1279, %mul3A_1280 : vector<128x128xf32>
    %min3A_1282 = arith.minimumf %min3A_1272, %add3A_1281 : vector<128x128xf32>
    %sub3A_1283 = vector.broadcast %convert_element_type3A_1187 : vector<128x1xf32> to vector<128x128xf32>
    %sub3A_1284 = vector.broadcast %convert_element_type3A_486 : vector<1x128xf32> to vector<128x128xf32>
    %sub3A_1285 = arith.subf %sub3A_1283, %sub3A_1284 : vector<128x128xf32>
    %sub3A_1286 = vector.broadcast %convert_element_type3A_1210 : vector<128x1xf32> to vector<128x128xf32>
    %sub3A_1287 = vector.broadcast %select_n3A_512 : vector<1x128xf32> to vector<128x128xf32>
    %sub3A_1288 = arith.subf %sub3A_1286, %sub3A_1287 : vector<128x128xf32>
    %mul3A_1289 = arith.mulf %sub3A_1285, %sub3A_1285 : vector<128x128xf32>
    %mul3A_1290 = arith.mulf %sub3A_1288, %sub3A_1288 : vector<128x128xf32>
    %add3A_1291 = arith.addf %mul3A_1289, %mul3A_1290 : vector<128x128xf32>
    %min3A_1292 = arith.minimumf %min3A_1282, %add3A_1291 : vector<128x128xf32>
    %reduce_min3A_1293 = arith.constant dense<0x7F800000> : vector<128xf32>
    %reduce_min3A_1294 = vector.multi_reduction <minimumf>, %min3A_1292, %reduce_min3A_1293 [1] : vector<128x128xf32> to vector<128xf32>
    %broadcast_in_dim3A_1295 = vector.shape_cast %reduce_min3A_1294 : vector<128xf32> to vector<128x1xf32>
    %sqrt3A_1296 = math.sqrt %broadcast_in_dim3A_1295 : vector<128x1xf32>
    %add3A_1297 = arith.constant 512 : i32
    %add3A_1298 = vector.broadcast %add3A_1297 : i32 to vector<128x1xi32>
    %add3A_1299 = arith.addi %add3A_1298, %iota3A_513 : vector<128x1xi32>
    %lt3A_1300 = vector.broadcast %min3A_5 : i32 to vector<128x1xi32>
    %lt3A_1301 = arith.cmpi slt, %add3A_1299, %lt3A_1300 : vector<128x1xi32>
    %jit3A_1302 = arith.constant 0.000000e+00 : f32
    %broadcast_in_dim3A_1303 = vector.broadcast %jit3A_1302 : f32 to vector<128x1xf32>
    %select_n3A_1304 = arith.select %lt3A_1301, %sqrt3A_1296, %broadcast_in_dim3A_1303 : vector<128x1xi1>, vector<128x1xf32>
    %reduce_sum3A_1305 = vector.shape_cast %select_n3A_1304 : vector<128x1xf32> to vector<1x128x1xf32>
    %reduce_sum3A_1306 = arith.constant dense<0.000000e+00> : vector<1xf32>
    %reduce_sum3A_1307 = vector.multi_reduction <add>, %reduce_sum3A_1305, %reduce_sum3A_1306 [1, 2] : vector<1x128x1xf32> to vector<1xf32>
    %reduce_sum3A_1308 = vector.shape_cast %reduce_sum3A_1307 : vector<1xf32> to vector<1x1x1xf32>
    %reduce_sum3A_1309 = vector.extract %reduce_sum3A_1308[0, 0, 0] : f32 from vector<1x1x1xf32>
    %add3A_1310 = arith.addf %add3A_1150, %reduce_sum3A_1309 : f32
    %get3A_1311 = arith.constant 0 : index
    %get3A_1312 = arith.constant 640 : index
    %get3A_1313 = arith.constant 0 : index
    %get3A_1314 = vector.load %arg1[%get3A_1311, %get3A_1312, %get3A_1313] : memref<1x1024x1xi32, #tpu.memory_space<vmem>>, vector<1x128x1xi32>
    %get3A_1315 = vector.shape_cast %get3A_1314 : vector<1x128x1xi32> to vector<128x1xi32>
    %jit3A_1316 = arith.constant 224 : i32
    %div3A_1317 = vector.broadcast %jit3A_1316 : i32 to vector<128x1xi32>
    %div3A_1318 = arith.divsi %get3A_1315, %div3A_1317 : vector<128x1xi32>
    %sign3A_1319 = arith.constant 0 : i32
    %sign3A_1320 = vector.broadcast %sign3A_1319 : i32 to vector<128x1xi32>
    %sign3A_1321 = arith.cmpi sgt, %get3A_1315, %sign3A_1320 : vector<128x1xi32>
    %sign3A_1322 = arith.extui %sign3A_1321 : vector<128x1xi1> to vector<128x1xi32>
    %sign3A_1323 = arith.constant 0 : i32
    %sign3A_1324 = vector.broadcast %sign3A_1323 : i32 to vector<128x1xi32>
    %sign3A_1325 = arith.cmpi slt, %get3A_1315, %sign3A_1324 : vector<128x1xi32>
    %sign3A_1326 = arith.extui %sign3A_1325 : vector<128x1xi1> to vector<128x1xi32>
    %sign3A_1327 = arith.subi %sign3A_1322, %sign3A_1326 : vector<128x1xi32>
    %sign3A_1328 = arith.constant 0 : i32
    %sign3A_1329 = arith.cmpi sgt, %jit3A_1316, %sign3A_1328 : i32
    %sign3A_1330 = arith.extui %sign3A_1329 : i1 to i32
    %sign3A_1331 = arith.constant 0 : i32
    %sign3A_1332 = arith.cmpi slt, %jit3A_1316, %sign3A_1331 : i32
    %sign3A_1333 = arith.extui %sign3A_1332 : i1 to i32
    %sign3A_1334 = arith.subi %sign3A_1330, %sign3A_1333 : i32
    %ne3A_1335 = vector.broadcast %sign3A_1334 : i32 to vector<128x1xi32>
    %ne3A_1336 = arith.cmpi ne, %sign3A_1327, %ne3A_1335 : vector<128x1xi32>
    %rem3A_1337 = vector.broadcast %jit3A_1316 : i32 to vector<128x1xi32>
    %rem3A_1338 = arith.remsi %get3A_1315, %rem3A_1337 : vector<128x1xi32>
    %ne3A_1339 = arith.constant 0 : i32
    %ne3A_1340 = vector.broadcast %ne3A_1339 : i32 to vector<128x1xi32>
    %ne3A_1341 = arith.cmpi ne, %rem3A_1338, %ne3A_1340 : vector<128x1xi32>
    %and3A_1342 = arith.andi %ne3A_1336, %ne3A_1341 : vector<128x1xi1>
    %sub3A_1343 = arith.constant 1 : i32
    %sub3A_1344 = vector.broadcast %sub3A_1343 : i32 to vector<128x1xi32>
    %sub3A_1345 = arith.subi %div3A_1318, %sub3A_1344 : vector<128x1xi32>
    %select_n3A_1346 = arith.select %and3A_1342, %sub3A_1345, %div3A_1318 : vector<128x1xi1>, vector<128x1xi32>
    %convert_element_type3A_1347 = arith.sitofp %select_n3A_1346 : vector<128x1xi32> to vector<128x1xf32>
    %jit3A_1348 = arith.constant 224 : i32
    %eq3A_1349 = arith.constant 0 : i32
    %eq3A_1350 = arith.cmpi eq, %jit3A_1348, %eq3A_1349 : i32
    %jit3A_1351 = arith.constant 1 : i32
    %select_n3A_1352 = arith.select %eq3A_1350, %jit3A_1351, %jit3A_1348 : i32
    %rem3A_1353 = vector.broadcast %select_n3A_1352 : i32 to vector<128x1xi32>
    %rem3A_1354 = arith.remsi %get3A_1315, %rem3A_1353 : vector<128x1xi32>
    %ne3A_1355 = arith.constant 0 : i32
    %ne3A_1356 = vector.broadcast %ne3A_1355 : i32 to vector<128x1xi32>
    %ne3A_1357 = arith.cmpi ne, %rem3A_1354, %ne3A_1356 : vector<128x1xi32>
    %lt3A_1358 = arith.constant 0 : i32
    %lt3A_1359 = vector.broadcast %lt3A_1358 : i32 to vector<128x1xi32>
    %lt3A_1360 = arith.cmpi slt, %rem3A_1354, %lt3A_1359 : vector<128x1xi32>
    %lt3A_1361 = arith.constant 0 : i32
    %lt3A_1362 = arith.cmpi slt, %select_n3A_1352, %lt3A_1361 : i32
    %ne3A_1363 = vector.broadcast %lt3A_1362 : i1 to vector<128x1xi1>
    %ne3A_1364 = vector.broadcast %ne3A_1363 : vector<128x1xi1> to vector<128x1xi1>
    %ne3A_1365 = arith.xori %lt3A_1360, %ne3A_1364 : vector<128x1xi1>
    %and3A_1366 = arith.andi %ne3A_1365, %ne3A_1357 : vector<128x1xi1>
    %add3A_1367 = vector.broadcast %select_n3A_1352 : i32 to vector<128x1xi32>
    %add3A_1368 = arith.addi %rem3A_1354, %add3A_1367 : vector<128x1xi32>
    %select_n3A_1369 = arith.select %and3A_1366, %add3A_1368, %rem3A_1354 : vector<128x1xi1>, vector<128x1xi32>
    %convert_element_type3A_1370 = arith.sitofp %select_n3A_1369 : vector<128x1xi32> to vector<128x1xf32>
    %broadcast_in_dim3A_1371 = arith.constant 0x7F800000 : f32
    %broadcast_in_dim3A_1372 = vector.broadcast %broadcast_in_dim3A_1371 : f32 to vector<128x128xf32>
    %sub3A_1373 = vector.broadcast %convert_element_type3A_1347 : vector<128x1xf32> to vector<128x128xf32>
    %sub3A_1374 = vector.broadcast %convert_element_type3A_39 : vector<1x128xf32> to vector<128x128xf32>
    %sub3A_1375 = arith.subf %sub3A_1373, %sub3A_1374 : vector<128x128xf32>
    %sub3A_1376 = vector.broadcast %convert_element_type3A_1370 : vector<128x1xf32> to vector<128x128xf32>
    %sub3A_1377 = vector.broadcast %select_n3A_64 : vector<1x128xf32> to vector<128x128xf32>
    %sub3A_1378 = arith.subf %sub3A_1376, %sub3A_1377 : vector<128x128xf32>
    %mul3A_1379 = arith.mulf %sub3A_1375, %sub3A_1375 : vector<128x128xf32>
    %mul3A_1380 = arith.mulf %sub3A_1378, %sub3A_1378 : vector<128x128xf32>
    %add3A_1381 = arith.addf %mul3A_1379, %mul3A_1380 : vector<128x128xf32>
    %min3A_1382 = arith.minimumf %broadcast_in_dim3A_1372, %add3A_1381 : vector<128x128xf32>
    %sub3A_1383 = vector.broadcast %convert_element_type3A_1347 : vector<128x1xf32> to vector<128x128xf32>
    %sub3A_1384 = vector.broadcast %convert_element_type3A_102 : vector<1x128xf32> to vector<128x128xf32>
    %sub3A_1385 = arith.subf %sub3A_1383, %sub3A_1384 : vector<128x128xf32>
    %sub3A_1386 = vector.broadcast %convert_element_type3A_1370 : vector<128x1xf32> to vector<128x128xf32>
    %sub3A_1387 = vector.broadcast %select_n3A_128 : vector<1x128xf32> to vector<128x128xf32>
    %sub3A_1388 = arith.subf %sub3A_1386, %sub3A_1387 : vector<128x128xf32>
    %mul3A_1389 = arith.mulf %sub3A_1385, %sub3A_1385 : vector<128x128xf32>
    %mul3A_1390 = arith.mulf %sub3A_1388, %sub3A_1388 : vector<128x128xf32>
    %add3A_1391 = arith.addf %mul3A_1389, %mul3A_1390 : vector<128x128xf32>
    %min3A_1392 = arith.minimumf %min3A_1382, %add3A_1391 : vector<128x128xf32>
    %sub3A_1393 = vector.broadcast %convert_element_type3A_1347 : vector<128x1xf32> to vector<128x128xf32>
    %sub3A_1394 = vector.broadcast %convert_element_type3A_166 : vector<1x128xf32> to vector<128x128xf32>
    %sub3A_1395 = arith.subf %sub3A_1393, %sub3A_1394 : vector<128x128xf32>
    %sub3A_1396 = vector.broadcast %convert_element_type3A_1370 : vector<128x1xf32> to vector<128x128xf32>
    %sub3A_1397 = vector.broadcast %select_n3A_192 : vector<1x128xf32> to vector<128x128xf32>
    %sub3A_1398 = arith.subf %sub3A_1396, %sub3A_1397 : vector<128x128xf32>
    %mul3A_1399 = arith.mulf %sub3A_1395, %sub3A_1395 : vector<128x128xf32>
    %mul3A_1400 = arith.mulf %sub3A_1398, %sub3A_1398 : vector<128x128xf32>
    %add3A_1401 = arith.addf %mul3A_1399, %mul3A_1400 : vector<128x128xf32>
    %min3A_1402 = arith.minimumf %min3A_1392, %add3A_1401 : vector<128x128xf32>
    %sub3A_1403 = vector.broadcast %convert_element_type3A_1347 : vector<128x1xf32> to vector<128x128xf32>
    %sub3A_1404 = vector.broadcast %convert_element_type3A_230 : vector<1x128xf32> to vector<128x128xf32>
    %sub3A_1405 = arith.subf %sub3A_1403, %sub3A_1404 : vector<128x128xf32>
    %sub3A_1406 = vector.broadcast %convert_element_type3A_1370 : vector<128x1xf32> to vector<128x128xf32>
    %sub3A_1407 = vector.broadcast %select_n3A_256 : vector<1x128xf32> to vector<128x128xf32>
    %sub3A_1408 = arith.subf %sub3A_1406, %sub3A_1407 : vector<128x128xf32>
    %mul3A_1409 = arith.mulf %sub3A_1405, %sub3A_1405 : vector<128x128xf32>
    %mul3A_1410 = arith.mulf %sub3A_1408, %sub3A_1408 : vector<128x128xf32>
    %add3A_1411 = arith.addf %mul3A_1409, %mul3A_1410 : vector<128x128xf32>
    %min3A_1412 = arith.minimumf %min3A_1402, %add3A_1411 : vector<128x128xf32>
    %sub3A_1413 = vector.broadcast %convert_element_type3A_1347 : vector<128x1xf32> to vector<128x128xf32>
    %sub3A_1414 = vector.broadcast %convert_element_type3A_294 : vector<1x128xf32> to vector<128x128xf32>
    %sub3A_1415 = arith.subf %sub3A_1413, %sub3A_1414 : vector<128x128xf32>
    %sub3A_1416 = vector.broadcast %convert_element_type3A_1370 : vector<128x1xf32> to vector<128x128xf32>
    %sub3A_1417 = vector.broadcast %select_n3A_320 : vector<1x128xf32> to vector<128x128xf32>
    %sub3A_1418 = arith.subf %sub3A_1416, %sub3A_1417 : vector<128x128xf32>
    %mul3A_1419 = arith.mulf %sub3A_1415, %sub3A_1415 : vector<128x128xf32>
    %mul3A_1420 = arith.mulf %sub3A_1418, %sub3A_1418 : vector<128x128xf32>
    %add3A_1421 = arith.addf %mul3A_1419, %mul3A_1420 : vector<128x128xf32>
    %min3A_1422 = arith.minimumf %min3A_1412, %add3A_1421 : vector<128x128xf32>
    %sub3A_1423 = vector.broadcast %convert_element_type3A_1347 : vector<128x1xf32> to vector<128x128xf32>
    %sub3A_1424 = vector.broadcast %convert_element_type3A_358 : vector<1x128xf32> to vector<128x128xf32>
    %sub3A_1425 = arith.subf %sub3A_1423, %sub3A_1424 : vector<128x128xf32>
    %sub3A_1426 = vector.broadcast %convert_element_type3A_1370 : vector<128x1xf32> to vector<128x128xf32>
    %sub3A_1427 = vector.broadcast %select_n3A_384 : vector<1x128xf32> to vector<128x128xf32>
    %sub3A_1428 = arith.subf %sub3A_1426, %sub3A_1427 : vector<128x128xf32>
    %mul3A_1429 = arith.mulf %sub3A_1425, %sub3A_1425 : vector<128x128xf32>
    %mul3A_1430 = arith.mulf %sub3A_1428, %sub3A_1428 : vector<128x128xf32>
    %add3A_1431 = arith.addf %mul3A_1429, %mul3A_1430 : vector<128x128xf32>
    %min3A_1432 = arith.minimumf %min3A_1422, %add3A_1431 : vector<128x128xf32>
    %sub3A_1433 = vector.broadcast %convert_element_type3A_1347 : vector<128x1xf32> to vector<128x128xf32>
    %sub3A_1434 = vector.broadcast %convert_element_type3A_422 : vector<1x128xf32> to vector<128x128xf32>
    %sub3A_1435 = arith.subf %sub3A_1433, %sub3A_1434 : vector<128x128xf32>
    %sub3A_1436 = vector.broadcast %convert_element_type3A_1370 : vector<128x1xf32> to vector<128x128xf32>
    %sub3A_1437 = vector.broadcast %select_n3A_448 : vector<1x128xf32> to vector<128x128xf32>
    %sub3A_1438 = arith.subf %sub3A_1436, %sub3A_1437 : vector<128x128xf32>
    %mul3A_1439 = arith.mulf %sub3A_1435, %sub3A_1435 : vector<128x128xf32>
    %mul3A_1440 = arith.mulf %sub3A_1438, %sub3A_1438 : vector<128x128xf32>
    %add3A_1441 = arith.addf %mul3A_1439, %mul3A_1440 : vector<128x128xf32>
    %min3A_1442 = arith.minimumf %min3A_1432, %add3A_1441 : vector<128x128xf32>
    %sub3A_1443 = vector.broadcast %convert_element_type3A_1347 : vector<128x1xf32> to vector<128x128xf32>
    %sub3A_1444 = vector.broadcast %convert_element_type3A_486 : vector<1x128xf32> to vector<128x128xf32>
    %sub3A_1445 = arith.subf %sub3A_1443, %sub3A_1444 : vector<128x128xf32>
    %sub3A_1446 = vector.broadcast %convert_element_type3A_1370 : vector<128x1xf32> to vector<128x128xf32>
    %sub3A_1447 = vector.broadcast %select_n3A_512 : vector<1x128xf32> to vector<128x128xf32>
    %sub3A_1448 = arith.subf %sub3A_1446, %sub3A_1447 : vector<128x128xf32>
    %mul3A_1449 = arith.mulf %sub3A_1445, %sub3A_1445 : vector<128x128xf32>
    %mul3A_1450 = arith.mulf %sub3A_1448, %sub3A_1448 : vector<128x128xf32>
    %add3A_1451 = arith.addf %mul3A_1449, %mul3A_1450 : vector<128x128xf32>
    %min3A_1452 = arith.minimumf %min3A_1442, %add3A_1451 : vector<128x128xf32>
    %reduce_min3A_1453 = arith.constant dense<0x7F800000> : vector<128xf32>
    %reduce_min3A_1454 = vector.multi_reduction <minimumf>, %min3A_1452, %reduce_min3A_1453 [1] : vector<128x128xf32> to vector<128xf32>
    %broadcast_in_dim3A_1455 = vector.shape_cast %reduce_min3A_1454 : vector<128xf32> to vector<128x1xf32>
    %sqrt3A_1456 = math.sqrt %broadcast_in_dim3A_1455 : vector<128x1xf32>
    %add3A_1457 = arith.constant 640 : i32
    %add3A_1458 = vector.broadcast %add3A_1457 : i32 to vector<128x1xi32>
    %add3A_1459 = arith.addi %add3A_1458, %iota3A_513 : vector<128x1xi32>
    %lt3A_1460 = vector.broadcast %min3A_5 : i32 to vector<128x1xi32>
    %lt3A_1461 = arith.cmpi slt, %add3A_1459, %lt3A_1460 : vector<128x1xi32>
    %jit3A_1462 = arith.constant 0.000000e+00 : f32
    %broadcast_in_dim3A_1463 = vector.broadcast %jit3A_1462 : f32 to vector<128x1xf32>
    %select_n3A_1464 = arith.select %lt3A_1461, %sqrt3A_1456, %broadcast_in_dim3A_1463 : vector<128x1xi1>, vector<128x1xf32>
    %reduce_sum3A_1465 = vector.shape_cast %select_n3A_1464 : vector<128x1xf32> to vector<1x128x1xf32>
    %reduce_sum3A_1466 = arith.constant dense<0.000000e+00> : vector<1xf32>
    %reduce_sum3A_1467 = vector.multi_reduction <add>, %reduce_sum3A_1465, %reduce_sum3A_1466 [1, 2] : vector<1x128x1xf32> to vector<1xf32>
    %reduce_sum3A_1468 = vector.shape_cast %reduce_sum3A_1467 : vector<1xf32> to vector<1x1x1xf32>
    %reduce_sum3A_1469 = vector.extract %reduce_sum3A_1468[0, 0, 0] : f32 from vector<1x1x1xf32>
    %add3A_1470 = arith.addf %add3A_1310, %reduce_sum3A_1469 : f32
    %get3A_1471 = arith.constant 0 : index
    %get3A_1472 = arith.constant 768 : index
    %get3A_1473 = arith.constant 0 : index
    %get3A_1474 = vector.load %arg1[%get3A_1471, %get3A_1472, %get3A_1473] : memref<1x1024x1xi32, #tpu.memory_space<vmem>>, vector<1x128x1xi32>
    %get3A_1475 = vector.shape_cast %get3A_1474 : vector<1x128x1xi32> to vector<128x1xi32>
    %jit3A_1476 = arith.constant 224 : i32
    %div3A_1477 = vector.broadcast %jit3A_1476 : i32 to vector<128x1xi32>
    %div3A_1478 = arith.divsi %get3A_1475, %div3A_1477 : vector<128x1xi32>
    %sign3A_1479 = arith.constant 0 : i32
    %sign3A_1480 = vector.broadcast %sign3A_1479 : i32 to vector<128x1xi32>
    %sign3A_1481 = arith.cmpi sgt, %get3A_1475, %sign3A_1480 : vector<128x1xi32>
    %sign3A_1482 = arith.extui %sign3A_1481 : vector<128x1xi1> to vector<128x1xi32>
    %sign3A_1483 = arith.constant 0 : i32
    %sign3A_1484 = vector.broadcast %sign3A_1483 : i32 to vector<128x1xi32>
    %sign3A_1485 = arith.cmpi slt, %get3A_1475, %sign3A_1484 : vector<128x1xi32>
    %sign3A_1486 = arith.extui %sign3A_1485 : vector<128x1xi1> to vector<128x1xi32>
    %sign3A_1487 = arith.subi %sign3A_1482, %sign3A_1486 : vector<128x1xi32>
    %sign3A_1488 = arith.constant 0 : i32
    %sign3A_1489 = arith.cmpi sgt, %jit3A_1476, %sign3A_1488 : i32
    %sign3A_1490 = arith.extui %sign3A_1489 : i1 to i32
    %sign3A_1491 = arith.constant 0 : i32
    %sign3A_1492 = arith.cmpi slt, %jit3A_1476, %sign3A_1491 : i32
    %sign3A_1493 = arith.extui %sign3A_1492 : i1 to i32
    %sign3A_1494 = arith.subi %sign3A_1490, %sign3A_1493 : i32
    %ne3A_1495 = vector.broadcast %sign3A_1494 : i32 to vector<128x1xi32>
    %ne3A_1496 = arith.cmpi ne, %sign3A_1487, %ne3A_1495 : vector<128x1xi32>
    %rem3A_1497 = vector.broadcast %jit3A_1476 : i32 to vector<128x1xi32>
    %rem3A_1498 = arith.remsi %get3A_1475, %rem3A_1497 : vector<128x1xi32>
    %ne3A_1499 = arith.constant 0 : i32
    %ne3A_1500 = vector.broadcast %ne3A_1499 : i32 to vector<128x1xi32>
    %ne3A_1501 = arith.cmpi ne, %rem3A_1498, %ne3A_1500 : vector<128x1xi32>
    %and3A_1502 = arith.andi %ne3A_1496, %ne3A_1501 : vector<128x1xi1>
    %sub3A_1503 = arith.constant 1 : i32
    %sub3A_1504 = vector.broadcast %sub3A_1503 : i32 to vector<128x1xi32>
    %sub3A_1505 = arith.subi %div3A_1478, %sub3A_1504 : vector<128x1xi32>
    %select_n3A_1506 = arith.select %and3A_1502, %sub3A_1505, %div3A_1478 : vector<128x1xi1>, vector<128x1xi32>
    %convert_element_type3A_1507 = arith.sitofp %select_n3A_1506 : vector<128x1xi32> to vector<128x1xf32>
    %jit3A_1508 = arith.constant 224 : i32
    %eq3A_1509 = arith.constant 0 : i32
    %eq3A_1510 = arith.cmpi eq, %jit3A_1508, %eq3A_1509 : i32
    %jit3A_1511 = arith.constant 1 : i32
    %select_n3A_1512 = arith.select %eq3A_1510, %jit3A_1511, %jit3A_1508 : i32
    %rem3A_1513 = vector.broadcast %select_n3A_1512 : i32 to vector<128x1xi32>
    %rem3A_1514 = arith.remsi %get3A_1475, %rem3A_1513 : vector<128x1xi32>
    %ne3A_1515 = arith.constant 0 : i32
    %ne3A_1516 = vector.broadcast %ne3A_1515 : i32 to vector<128x1xi32>
    %ne3A_1517 = arith.cmpi ne, %rem3A_1514, %ne3A_1516 : vector<128x1xi32>
    %lt3A_1518 = arith.constant 0 : i32
    %lt3A_1519 = vector.broadcast %lt3A_1518 : i32 to vector<128x1xi32>
    %lt3A_1520 = arith.cmpi slt, %rem3A_1514, %lt3A_1519 : vector<128x1xi32>
    %lt3A_1521 = arith.constant 0 : i32
    %lt3A_1522 = arith.cmpi slt, %select_n3A_1512, %lt3A_1521 : i32
    %ne3A_1523 = vector.broadcast %lt3A_1522 : i1 to vector<128x1xi1>
    %ne3A_1524 = vector.broadcast %ne3A_1523 : vector<128x1xi1> to vector<128x1xi1>
    %ne3A_1525 = arith.xori %lt3A_1520, %ne3A_1524 : vector<128x1xi1>
    %and3A_1526 = arith.andi %ne3A_1525, %ne3A_1517 : vector<128x1xi1>
    %add3A_1527 = vector.broadcast %select_n3A_1512 : i32 to vector<128x1xi32>
    %add3A_1528 = arith.addi %rem3A_1514, %add3A_1527 : vector<128x1xi32>
    %select_n3A_1529 = arith.select %and3A_1526, %add3A_1528, %rem3A_1514 : vector<128x1xi1>, vector<128x1xi32>
    %convert_element_type3A_1530 = arith.sitofp %select_n3A_1529 : vector<128x1xi32> to vector<128x1xf32>
    %broadcast_in_dim3A_1531 = arith.constant 0x7F800000 : f32
    %broadcast_in_dim3A_1532 = vector.broadcast %broadcast_in_dim3A_1531 : f32 to vector<128x128xf32>
    %sub3A_1533 = vector.broadcast %convert_element_type3A_1507 : vector<128x1xf32> to vector<128x128xf32>
    %sub3A_1534 = vector.broadcast %convert_element_type3A_39 : vector<1x128xf32> to vector<128x128xf32>
    %sub3A_1535 = arith.subf %sub3A_1533, %sub3A_1534 : vector<128x128xf32>
    %sub3A_1536 = vector.broadcast %convert_element_type3A_1530 : vector<128x1xf32> to vector<128x128xf32>
    %sub3A_1537 = vector.broadcast %select_n3A_64 : vector<1x128xf32> to vector<128x128xf32>
    %sub3A_1538 = arith.subf %sub3A_1536, %sub3A_1537 : vector<128x128xf32>
    %mul3A_1539 = arith.mulf %sub3A_1535, %sub3A_1535 : vector<128x128xf32>
    %mul3A_1540 = arith.mulf %sub3A_1538, %sub3A_1538 : vector<128x128xf32>
    %add3A_1541 = arith.addf %mul3A_1539, %mul3A_1540 : vector<128x128xf32>
    %min3A_1542 = arith.minimumf %broadcast_in_dim3A_1532, %add3A_1541 : vector<128x128xf32>
    %sub3A_1543 = vector.broadcast %convert_element_type3A_1507 : vector<128x1xf32> to vector<128x128xf32>
    %sub3A_1544 = vector.broadcast %convert_element_type3A_102 : vector<1x128xf32> to vector<128x128xf32>
    %sub3A_1545 = arith.subf %sub3A_1543, %sub3A_1544 : vector<128x128xf32>
    %sub3A_1546 = vector.broadcast %convert_element_type3A_1530 : vector<128x1xf32> to vector<128x128xf32>
    %sub3A_1547 = vector.broadcast %select_n3A_128 : vector<1x128xf32> to vector<128x128xf32>
    %sub3A_1548 = arith.subf %sub3A_1546, %sub3A_1547 : vector<128x128xf32>
    %mul3A_1549 = arith.mulf %sub3A_1545, %sub3A_1545 : vector<128x128xf32>
    %mul3A_1550 = arith.mulf %sub3A_1548, %sub3A_1548 : vector<128x128xf32>
    %add3A_1551 = arith.addf %mul3A_1549, %mul3A_1550 : vector<128x128xf32>
    %min3A_1552 = arith.minimumf %min3A_1542, %add3A_1551 : vector<128x128xf32>
    %sub3A_1553 = vector.broadcast %convert_element_type3A_1507 : vector<128x1xf32> to vector<128x128xf32>
    %sub3A_1554 = vector.broadcast %convert_element_type3A_166 : vector<1x128xf32> to vector<128x128xf32>
    %sub3A_1555 = arith.subf %sub3A_1553, %sub3A_1554 : vector<128x128xf32>
    %sub3A_1556 = vector.broadcast %convert_element_type3A_1530 : vector<128x1xf32> to vector<128x128xf32>
    %sub3A_1557 = vector.broadcast %select_n3A_192 : vector<1x128xf32> to vector<128x128xf32>
    %sub3A_1558 = arith.subf %sub3A_1556, %sub3A_1557 : vector<128x128xf32>
    %mul3A_1559 = arith.mulf %sub3A_1555, %sub3A_1555 : vector<128x128xf32>
    %mul3A_1560 = arith.mulf %sub3A_1558, %sub3A_1558 : vector<128x128xf32>
    %add3A_1561 = arith.addf %mul3A_1559, %mul3A_1560 : vector<128x128xf32>
    %min3A_1562 = arith.minimumf %min3A_1552, %add3A_1561 : vector<128x128xf32>
    %sub3A_1563 = vector.broadcast %convert_element_type3A_1507 : vector<128x1xf32> to vector<128x128xf32>
    %sub3A_1564 = vector.broadcast %convert_element_type3A_230 : vector<1x128xf32> to vector<128x128xf32>
    %sub3A_1565 = arith.subf %sub3A_1563, %sub3A_1564 : vector<128x128xf32>
    %sub3A_1566 = vector.broadcast %convert_element_type3A_1530 : vector<128x1xf32> to vector<128x128xf32>
    %sub3A_1567 = vector.broadcast %select_n3A_256 : vector<1x128xf32> to vector<128x128xf32>
    %sub3A_1568 = arith.subf %sub3A_1566, %sub3A_1567 : vector<128x128xf32>
    %mul3A_1569 = arith.mulf %sub3A_1565, %sub3A_1565 : vector<128x128xf32>
    %mul3A_1570 = arith.mulf %sub3A_1568, %sub3A_1568 : vector<128x128xf32>
    %add3A_1571 = arith.addf %mul3A_1569, %mul3A_1570 : vector<128x128xf32>
    %min3A_1572 = arith.minimumf %min3A_1562, %add3A_1571 : vector<128x128xf32>
    %sub3A_1573 = vector.broadcast %convert_element_type3A_1507 : vector<128x1xf32> to vector<128x128xf32>
    %sub3A_1574 = vector.broadcast %convert_element_type3A_294 : vector<1x128xf32> to vector<128x128xf32>
    %sub3A_1575 = arith.subf %sub3A_1573, %sub3A_1574 : vector<128x128xf32>
    %sub3A_1576 = vector.broadcast %convert_element_type3A_1530 : vector<128x1xf32> to vector<128x128xf32>
    %sub3A_1577 = vector.broadcast %select_n3A_320 : vector<1x128xf32> to vector<128x128xf32>
    %sub3A_1578 = arith.subf %sub3A_1576, %sub3A_1577 : vector<128x128xf32>
    %mul3A_1579 = arith.mulf %sub3A_1575, %sub3A_1575 : vector<128x128xf32>
    %mul3A_1580 = arith.mulf %sub3A_1578, %sub3A_1578 : vector<128x128xf32>
    %add3A_1581 = arith.addf %mul3A_1579, %mul3A_1580 : vector<128x128xf32>
    %min3A_1582 = arith.minimumf %min3A_1572, %add3A_1581 : vector<128x128xf32>
    %sub3A_1583 = vector.broadcast %convert_element_type3A_1507 : vector<128x1xf32> to vector<128x128xf32>
    %sub3A_1584 = vector.broadcast %convert_element_type3A_358 : vector<1x128xf32> to vector<128x128xf32>
    %sub3A_1585 = arith.subf %sub3A_1583, %sub3A_1584 : vector<128x128xf32>
    %sub3A_1586 = vector.broadcast %convert_element_type3A_1530 : vector<128x1xf32> to vector<128x128xf32>
    %sub3A_1587 = vector.broadcast %select_n3A_384 : vector<1x128xf32> to vector<128x128xf32>
    %sub3A_1588 = arith.subf %sub3A_1586, %sub3A_1587 : vector<128x128xf32>
    %mul3A_1589 = arith.mulf %sub3A_1585, %sub3A_1585 : vector<128x128xf32>
    %mul3A_1590 = arith.mulf %sub3A_1588, %sub3A_1588 : vector<128x128xf32>
    %add3A_1591 = arith.addf %mul3A_1589, %mul3A_1590 : vector<128x128xf32>
    %min3A_1592 = arith.minimumf %min3A_1582, %add3A_1591 : vector<128x128xf32>
    %sub3A_1593 = vector.broadcast %convert_element_type3A_1507 : vector<128x1xf32> to vector<128x128xf32>
    %sub3A_1594 = vector.broadcast %convert_element_type3A_422 : vector<1x128xf32> to vector<128x128xf32>
    %sub3A_1595 = arith.subf %sub3A_1593, %sub3A_1594 : vector<128x128xf32>
    %sub3A_1596 = vector.broadcast %convert_element_type3A_1530 : vector<128x1xf32> to vector<128x128xf32>
    %sub3A_1597 = vector.broadcast %select_n3A_448 : vector<1x128xf32> to vector<128x128xf32>
    %sub3A_1598 = arith.subf %sub3A_1596, %sub3A_1597 : vector<128x128xf32>
    %mul3A_1599 = arith.mulf %sub3A_1595, %sub3A_1595 : vector<128x128xf32>
    %mul3A_1600 = arith.mulf %sub3A_1598, %sub3A_1598 : vector<128x128xf32>
    %add3A_1601 = arith.addf %mul3A_1599, %mul3A_1600 : vector<128x128xf32>
    %min3A_1602 = arith.minimumf %min3A_1592, %add3A_1601 : vector<128x128xf32>
    %sub3A_1603 = vector.broadcast %convert_element_type3A_1507 : vector<128x1xf32> to vector<128x128xf32>
    %sub3A_1604 = vector.broadcast %convert_element_type3A_486 : vector<1x128xf32> to vector<128x128xf32>
    %sub3A_1605 = arith.subf %sub3A_1603, %sub3A_1604 : vector<128x128xf32>
    %sub3A_1606 = vector.broadcast %convert_element_type3A_1530 : vector<128x1xf32> to vector<128x128xf32>
    %sub3A_1607 = vector.broadcast %select_n3A_512 : vector<1x128xf32> to vector<128x128xf32>
    %sub3A_1608 = arith.subf %sub3A_1606, %sub3A_1607 : vector<128x128xf32>
    %mul3A_1609 = arith.mulf %sub3A_1605, %sub3A_1605 : vector<128x128xf32>
    %mul3A_1610 = arith.mulf %sub3A_1608, %sub3A_1608 : vector<128x128xf32>
    %add3A_1611 = arith.addf %mul3A_1609, %mul3A_1610 : vector<128x128xf32>
    %min3A_1612 = arith.minimumf %min3A_1602, %add3A_1611 : vector<128x128xf32>
    %reduce_min3A_1613 = arith.constant dense<0x7F800000> : vector<128xf32>
    %reduce_min3A_1614 = vector.multi_reduction <minimumf>, %min3A_1612, %reduce_min3A_1613 [1] : vector<128x128xf32> to vector<128xf32>
    %broadcast_in_dim3A_1615 = vector.shape_cast %reduce_min3A_1614 : vector<128xf32> to vector<128x1xf32>
    %sqrt3A_1616 = math.sqrt %broadcast_in_dim3A_1615 : vector<128x1xf32>
    %add3A_1617 = arith.constant 768 : i32
    %add3A_1618 = vector.broadcast %add3A_1617 : i32 to vector<128x1xi32>
    %add3A_1619 = arith.addi %add3A_1618, %iota3A_513 : vector<128x1xi32>
    %lt3A_1620 = vector.broadcast %min3A_5 : i32 to vector<128x1xi32>
    %lt3A_1621 = arith.cmpi slt, %add3A_1619, %lt3A_1620 : vector<128x1xi32>
    %jit3A_1622 = arith.constant 0.000000e+00 : f32
    %broadcast_in_dim3A_1623 = vector.broadcast %jit3A_1622 : f32 to vector<128x1xf32>
    %select_n3A_1624 = arith.select %lt3A_1621, %sqrt3A_1616, %broadcast_in_dim3A_1623 : vector<128x1xi1>, vector<128x1xf32>
    %reduce_sum3A_1625 = vector.shape_cast %select_n3A_1624 : vector<128x1xf32> to vector<1x128x1xf32>
    %reduce_sum3A_1626 = arith.constant dense<0.000000e+00> : vector<1xf32>
    %reduce_sum3A_1627 = vector.multi_reduction <add>, %reduce_sum3A_1625, %reduce_sum3A_1626 [1, 2] : vector<1x128x1xf32> to vector<1xf32>
    %reduce_sum3A_1628 = vector.shape_cast %reduce_sum3A_1627 : vector<1xf32> to vector<1x1x1xf32>
    %reduce_sum3A_1629 = vector.extract %reduce_sum3A_1628[0, 0, 0] : f32 from vector<1x1x1xf32>
    %add3A_1630 = arith.addf %add3A_1470, %reduce_sum3A_1629 : f32
    %get3A_1631 = arith.constant 0 : index
    %get3A_1632 = arith.constant 896 : index
    %get3A_1633 = arith.constant 0 : index
    %get3A_1634 = vector.load %arg1[%get3A_1631, %get3A_1632, %get3A_1633] : memref<1x1024x1xi32, #tpu.memory_space<vmem>>, vector<1x128x1xi32>
    %get3A_1635 = vector.shape_cast %get3A_1634 : vector<1x128x1xi32> to vector<128x1xi32>
    %jit3A_1636 = arith.constant 224 : i32
    %div3A_1637 = vector.broadcast %jit3A_1636 : i32 to vector<128x1xi32>
    %div3A_1638 = arith.divsi %get3A_1635, %div3A_1637 : vector<128x1xi32>
    %sign3A_1639 = arith.constant 0 : i32
    %sign3A_1640 = vector.broadcast %sign3A_1639 : i32 to vector<128x1xi32>
    %sign3A_1641 = arith.cmpi sgt, %get3A_1635, %sign3A_1640 : vector<128x1xi32>
    %sign3A_1642 = arith.extui %sign3A_1641 : vector<128x1xi1> to vector<128x1xi32>
    %sign3A_1643 = arith.constant 0 : i32
    %sign3A_1644 = vector.broadcast %sign3A_1643 : i32 to vector<128x1xi32>
    %sign3A_1645 = arith.cmpi slt, %get3A_1635, %sign3A_1644 : vector<128x1xi32>
    %sign3A_1646 = arith.extui %sign3A_1645 : vector<128x1xi1> to vector<128x1xi32>
    %sign3A_1647 = arith.subi %sign3A_1642, %sign3A_1646 : vector<128x1xi32>
    %sign3A_1648 = arith.constant 0 : i32
    %sign3A_1649 = arith.cmpi sgt, %jit3A_1636, %sign3A_1648 : i32
    %sign3A_1650 = arith.extui %sign3A_1649 : i1 to i32
    %sign3A_1651 = arith.constant 0 : i32
    %sign3A_1652 = arith.cmpi slt, %jit3A_1636, %sign3A_1651 : i32
    %sign3A_1653 = arith.extui %sign3A_1652 : i1 to i32
    %sign3A_1654 = arith.subi %sign3A_1650, %sign3A_1653 : i32
    %ne3A_1655 = vector.broadcast %sign3A_1654 : i32 to vector<128x1xi32>
    %ne3A_1656 = arith.cmpi ne, %sign3A_1647, %ne3A_1655 : vector<128x1xi32>
    %rem3A_1657 = vector.broadcast %jit3A_1636 : i32 to vector<128x1xi32>
    %rem3A_1658 = arith.remsi %get3A_1635, %rem3A_1657 : vector<128x1xi32>
    %ne3A_1659 = arith.constant 0 : i32
    %ne3A_1660 = vector.broadcast %ne3A_1659 : i32 to vector<128x1xi32>
    %ne3A_1661 = arith.cmpi ne, %rem3A_1658, %ne3A_1660 : vector<128x1xi32>
    %and3A_1662 = arith.andi %ne3A_1656, %ne3A_1661 : vector<128x1xi1>
    %sub3A_1663 = arith.constant 1 : i32
    %sub3A_1664 = vector.broadcast %sub3A_1663 : i32 to vector<128x1xi32>
    %sub3A_1665 = arith.subi %div3A_1638, %sub3A_1664 : vector<128x1xi32>
    %select_n3A_1666 = arith.select %and3A_1662, %sub3A_1665, %div3A_1638 : vector<128x1xi1>, vector<128x1xi32>
    %convert_element_type3A_1667 = arith.sitofp %select_n3A_1666 : vector<128x1xi32> to vector<128x1xf32>
    %jit3A_1668 = arith.constant 224 : i32
    %eq3A_1669 = arith.constant 0 : i32
    %eq3A_1670 = arith.cmpi eq, %jit3A_1668, %eq3A_1669 : i32
    %jit3A_1671 = arith.constant 1 : i32
    %select_n3A_1672 = arith.select %eq3A_1670, %jit3A_1671, %jit3A_1668 : i32
    %rem3A_1673 = vector.broadcast %select_n3A_1672 : i32 to vector<128x1xi32>
    %rem3A_1674 = arith.remsi %get3A_1635, %rem3A_1673 : vector<128x1xi32>
    %ne3A_1675 = arith.constant 0 : i32
    %ne3A_1676 = vector.broadcast %ne3A_1675 : i32 to vector<128x1xi32>
    %ne3A_1677 = arith.cmpi ne, %rem3A_1674, %ne3A_1676 : vector<128x1xi32>
    %lt3A_1678 = arith.constant 0 : i32
    %lt3A_1679 = vector.broadcast %lt3A_1678 : i32 to vector<128x1xi32>
    %lt3A_1680 = arith.cmpi slt, %rem3A_1674, %lt3A_1679 : vector<128x1xi32>
    %lt3A_1681 = arith.constant 0 : i32
    %lt3A_1682 = arith.cmpi slt, %select_n3A_1672, %lt3A_1681 : i32
    %ne3A_1683 = vector.broadcast %lt3A_1682 : i1 to vector<128x1xi1>
    %ne3A_1684 = vector.broadcast %ne3A_1683 : vector<128x1xi1> to vector<128x1xi1>
    %ne3A_1685 = arith.xori %lt3A_1680, %ne3A_1684 : vector<128x1xi1>
    %and3A_1686 = arith.andi %ne3A_1685, %ne3A_1677 : vector<128x1xi1>
    %add3A_1687 = vector.broadcast %select_n3A_1672 : i32 to vector<128x1xi32>
    %add3A_1688 = arith.addi %rem3A_1674, %add3A_1687 : vector<128x1xi32>
    %select_n3A_1689 = arith.select %and3A_1686, %add3A_1688, %rem3A_1674 : vector<128x1xi1>, vector<128x1xi32>
    %convert_element_type3A_1690 = arith.sitofp %select_n3A_1689 : vector<128x1xi32> to vector<128x1xf32>
    %broadcast_in_dim3A_1691 = arith.constant 0x7F800000 : f32
    %broadcast_in_dim3A_1692 = vector.broadcast %broadcast_in_dim3A_1691 : f32 to vector<128x128xf32>
    %sub3A_1693 = vector.broadcast %convert_element_type3A_1667 : vector<128x1xf32> to vector<128x128xf32>
    %sub3A_1694 = vector.broadcast %convert_element_type3A_39 : vector<1x128xf32> to vector<128x128xf32>
    %sub3A_1695 = arith.subf %sub3A_1693, %sub3A_1694 : vector<128x128xf32>
    %sub3A_1696 = vector.broadcast %convert_element_type3A_1690 : vector<128x1xf32> to vector<128x128xf32>
    %sub3A_1697 = vector.broadcast %select_n3A_64 : vector<1x128xf32> to vector<128x128xf32>
    %sub3A_1698 = arith.subf %sub3A_1696, %sub3A_1697 : vector<128x128xf32>
    %mul3A_1699 = arith.mulf %sub3A_1695, %sub3A_1695 : vector<128x128xf32>
    %mul3A_1700 = arith.mulf %sub3A_1698, %sub3A_1698 : vector<128x128xf32>
    %add3A_1701 = arith.addf %mul3A_1699, %mul3A_1700 : vector<128x128xf32>
    %min3A_1702 = arith.minimumf %broadcast_in_dim3A_1692, %add3A_1701 : vector<128x128xf32>
    %sub3A_1703 = vector.broadcast %convert_element_type3A_1667 : vector<128x1xf32> to vector<128x128xf32>
    %sub3A_1704 = vector.broadcast %convert_element_type3A_102 : vector<1x128xf32> to vector<128x128xf32>
    %sub3A_1705 = arith.subf %sub3A_1703, %sub3A_1704 : vector<128x128xf32>
    %sub3A_1706 = vector.broadcast %convert_element_type3A_1690 : vector<128x1xf32> to vector<128x128xf32>
    %sub3A_1707 = vector.broadcast %select_n3A_128 : vector<1x128xf32> to vector<128x128xf32>
    %sub3A_1708 = arith.subf %sub3A_1706, %sub3A_1707 : vector<128x128xf32>
    %mul3A_1709 = arith.mulf %sub3A_1705, %sub3A_1705 : vector<128x128xf32>
    %mul3A_1710 = arith.mulf %sub3A_1708, %sub3A_1708 : vector<128x128xf32>
    %add3A_1711 = arith.addf %mul3A_1709, %mul3A_1710 : vector<128x128xf32>
    %min3A_1712 = arith.minimumf %min3A_1702, %add3A_1711 : vector<128x128xf32>
    %sub3A_1713 = vector.broadcast %convert_element_type3A_1667 : vector<128x1xf32> to vector<128x128xf32>
    %sub3A_1714 = vector.broadcast %convert_element_type3A_166 : vector<1x128xf32> to vector<128x128xf32>
    %sub3A_1715 = arith.subf %sub3A_1713, %sub3A_1714 : vector<128x128xf32>
    %sub3A_1716 = vector.broadcast %convert_element_type3A_1690 : vector<128x1xf32> to vector<128x128xf32>
    %sub3A_1717 = vector.broadcast %select_n3A_192 : vector<1x128xf32> to vector<128x128xf32>
    %sub3A_1718 = arith.subf %sub3A_1716, %sub3A_1717 : vector<128x128xf32>
    %mul3A_1719 = arith.mulf %sub3A_1715, %sub3A_1715 : vector<128x128xf32>
    %mul3A_1720 = arith.mulf %sub3A_1718, %sub3A_1718 : vector<128x128xf32>
    %add3A_1721 = arith.addf %mul3A_1719, %mul3A_1720 : vector<128x128xf32>
    %min3A_1722 = arith.minimumf %min3A_1712, %add3A_1721 : vector<128x128xf32>
    %sub3A_1723 = vector.broadcast %convert_element_type3A_1667 : vector<128x1xf32> to vector<128x128xf32>
    %sub3A_1724 = vector.broadcast %convert_element_type3A_230 : vector<1x128xf32> to vector<128x128xf32>
    %sub3A_1725 = arith.subf %sub3A_1723, %sub3A_1724 : vector<128x128xf32>
    %sub3A_1726 = vector.broadcast %convert_element_type3A_1690 : vector<128x1xf32> to vector<128x128xf32>
    %sub3A_1727 = vector.broadcast %select_n3A_256 : vector<1x128xf32> to vector<128x128xf32>
    %sub3A_1728 = arith.subf %sub3A_1726, %sub3A_1727 : vector<128x128xf32>
    %mul3A_1729 = arith.mulf %sub3A_1725, %sub3A_1725 : vector<128x128xf32>
    %mul3A_1730 = arith.mulf %sub3A_1728, %sub3A_1728 : vector<128x128xf32>
    %add3A_1731 = arith.addf %mul3A_1729, %mul3A_1730 : vector<128x128xf32>
    %min3A_1732 = arith.minimumf %min3A_1722, %add3A_1731 : vector<128x128xf32>
    %sub3A_1733 = vector.broadcast %convert_element_type3A_1667 : vector<128x1xf32> to vector<128x128xf32>
    %sub3A_1734 = vector.broadcast %convert_element_type3A_294 : vector<1x128xf32> to vector<128x128xf32>
    %sub3A_1735 = arith.subf %sub3A_1733, %sub3A_1734 : vector<128x128xf32>
    %sub3A_1736 = vector.broadcast %convert_element_type3A_1690 : vector<128x1xf32> to vector<128x128xf32>
    %sub3A_1737 = vector.broadcast %select_n3A_320 : vector<1x128xf32> to vector<128x128xf32>
    %sub3A_1738 = arith.subf %sub3A_1736, %sub3A_1737 : vector<128x128xf32>
    %mul3A_1739 = arith.mulf %sub3A_1735, %sub3A_1735 : vector<128x128xf32>
    %mul3A_1740 = arith.mulf %sub3A_1738, %sub3A_1738 : vector<128x128xf32>
    %add3A_1741 = arith.addf %mul3A_1739, %mul3A_1740 : vector<128x128xf32>
    %min3A_1742 = arith.minimumf %min3A_1732, %add3A_1741 : vector<128x128xf32>
    %sub3A_1743 = vector.broadcast %convert_element_type3A_1667 : vector<128x1xf32> to vector<128x128xf32>
    %sub3A_1744 = vector.broadcast %convert_element_type3A_358 : vector<1x128xf32> to vector<128x128xf32>
    %sub3A_1745 = arith.subf %sub3A_1743, %sub3A_1744 : vector<128x128xf32>
    %sub3A_1746 = vector.broadcast %convert_element_type3A_1690 : vector<128x1xf32> to vector<128x128xf32>
    %sub3A_1747 = vector.broadcast %select_n3A_384 : vector<1x128xf32> to vector<128x128xf32>
    %sub3A_1748 = arith.subf %sub3A_1746, %sub3A_1747 : vector<128x128xf32>
    %mul3A_1749 = arith.mulf %sub3A_1745, %sub3A_1745 : vector<128x128xf32>
    %mul3A_1750 = arith.mulf %sub3A_1748, %sub3A_1748 : vector<128x128xf32>
    %add3A_1751 = arith.addf %mul3A_1749, %mul3A_1750 : vector<128x128xf32>
    %min3A_1752 = arith.minimumf %min3A_1742, %add3A_1751 : vector<128x128xf32>
    %sub3A_1753 = vector.broadcast %convert_element_type3A_1667 : vector<128x1xf32> to vector<128x128xf32>
    %sub3A_1754 = vector.broadcast %convert_element_type3A_422 : vector<1x128xf32> to vector<128x128xf32>
    %sub3A_1755 = arith.subf %sub3A_1753, %sub3A_1754 : vector<128x128xf32>
    %sub3A_1756 = vector.broadcast %convert_element_type3A_1690 : vector<128x1xf32> to vector<128x128xf32>
    %sub3A_1757 = vector.broadcast %select_n3A_448 : vector<1x128xf32> to vector<128x128xf32>
    %sub3A_1758 = arith.subf %sub3A_1756, %sub3A_1757 : vector<128x128xf32>
    %mul3A_1759 = arith.mulf %sub3A_1755, %sub3A_1755 : vector<128x128xf32>
    %mul3A_1760 = arith.mulf %sub3A_1758, %sub3A_1758 : vector<128x128xf32>
    %add3A_1761 = arith.addf %mul3A_1759, %mul3A_1760 : vector<128x128xf32>
    %min3A_1762 = arith.minimumf %min3A_1752, %add3A_1761 : vector<128x128xf32>
    %sub3A_1763 = vector.broadcast %convert_element_type3A_1667 : vector<128x1xf32> to vector<128x128xf32>
    %sub3A_1764 = vector.broadcast %convert_element_type3A_486 : vector<1x128xf32> to vector<128x128xf32>
    %sub3A_1765 = arith.subf %sub3A_1763, %sub3A_1764 : vector<128x128xf32>
    %sub3A_1766 = vector.broadcast %convert_element_type3A_1690 : vector<128x1xf32> to vector<128x128xf32>
    %sub3A_1767 = vector.broadcast %select_n3A_512 : vector<1x128xf32> to vector<128x128xf32>
    %sub3A_1768 = arith.subf %sub3A_1766, %sub3A_1767 : vector<128x128xf32>
    %mul3A_1769 = arith.mulf %sub3A_1765, %sub3A_1765 : vector<128x128xf32>
    %mul3A_1770 = arith.mulf %sub3A_1768, %sub3A_1768 : vector<128x128xf32>
    %add3A_1771 = arith.addf %mul3A_1769, %mul3A_1770 : vector<128x128xf32>
    %min3A_1772 = arith.minimumf %min3A_1762, %add3A_1771 : vector<128x128xf32>
    %reduce_min3A_1773 = arith.constant dense<0x7F800000> : vector<128xf32>
    %reduce_min3A_1774 = vector.multi_reduction <minimumf>, %min3A_1772, %reduce_min3A_1773 [1] : vector<128x128xf32> to vector<128xf32>
    %broadcast_in_dim3A_1775 = vector.shape_cast %reduce_min3A_1774 : vector<128xf32> to vector<128x1xf32>
    %sqrt3A_1776 = math.sqrt %broadcast_in_dim3A_1775 : vector<128x1xf32>
    %add3A_1777 = arith.constant 896 : i32
    %add3A_1778 = vector.broadcast %add3A_1777 : i32 to vector<128x1xi32>
    %add3A_1779 = arith.addi %add3A_1778, %iota3A_513 : vector<128x1xi32>
    %lt3A_1780 = vector.broadcast %min3A_5 : i32 to vector<128x1xi32>
    %lt3A_1781 = arith.cmpi slt, %add3A_1779, %lt3A_1780 : vector<128x1xi32>
    %jit3A_1782 = arith.constant 0.000000e+00 : f32
    %broadcast_in_dim3A_1783 = vector.broadcast %jit3A_1782 : f32 to vector<128x1xf32>
    %select_n3A_1784 = arith.select %lt3A_1781, %sqrt3A_1776, %broadcast_in_dim3A_1783 : vector<128x1xi1>, vector<128x1xf32>
    %reduce_sum3A_1785 = vector.shape_cast %select_n3A_1784 : vector<128x1xf32> to vector<1x128x1xf32>
    %reduce_sum3A_1786 = arith.constant dense<0.000000e+00> : vector<1xf32>
    %reduce_sum3A_1787 = vector.multi_reduction <add>, %reduce_sum3A_1785, %reduce_sum3A_1786 [1, 2] : vector<1x128x1xf32> to vector<1xf32>
    %reduce_sum3A_1788 = vector.shape_cast %reduce_sum3A_1787 : vector<1xf32> to vector<1x1x1xf32>
    %reduce_sum3A_1789 = vector.extract %reduce_sum3A_1788[0, 0, 0] : f32 from vector<1x1x1xf32>
    %add3A_1790 = arith.addf %add3A_1630, %reduce_sum3A_1789 : f32
    %gt3A = arith.constant 0 : i32
    %gt3A_1791 = arith.cmpi sgt, %get3A_2, %gt3A : i32
    %gt3A_1792 = arith.constant 0 : i32
    %gt3A_1793 = arith.cmpi sgt, %get3A_4, %gt3A_1792 : i32
    %and3A_1794 = arith.andi %gt3A_1791, %gt3A_1793 : i1
    %convert_element_type3A_1795 = arith.sitofp %get3A_4 : i32 to f32
    %div3A_1796 = arith.divf %add3A_1790, %convert_element_type3A_1795 : f32
    %jit3A_1797 = arith.constant 0.000000e+00 : f32
    %select_n3A_1798 = arith.select %and3A_1794, %div3A_1796, %jit3A_1797 : f32
    %get3A_1799 = arith.constant 0 : index
    %get3A_1800 = arith.constant 0 : index
    %get3A_1801 = memref.load %arg5[%get3A_1799, %get3A_1800] : memref<1x1xf32, #tpu.memory_space<smem>>
    %div3A_1802 = arith.constant 4.800000e+01 : f32
    %div3A_1803 = arith.divf %select_n3A_1798, %div3A_1802 : f32
    %add3A_1804 = arith.addf %get3A_1801, %div3A_1803 : f32
    %swap3A = arith.constant 0 : index
    %swap3A_1805 = arith.constant 0 : index
    %swap3A_1806 = memref.load %arg5[%swap3A, %swap3A_1805] : memref<1x1xf32, #tpu.memory_space<smem>>
    memref.store %add3A_1804, %arg5[%swap3A, %swap3A_1805] : memref<1x1xf32, #tpu.memory_space<smem>>
    return
  }
  func.func @transform_0(%arg0: i32) -> (i32, i32, i32) {
    %c0_i32 = arith.constant 0 : i32
    %c0_i32_0 = arith.constant 0 : i32
    %c0_i32_1 = arith.constant 0 : i32
    return %arg0, %c0_i32, %c0_i32_0 : i32, i32, i32
  }
  func.func @transform_1(%arg0: i32) -> (i32, i32, i32) {
    %c0_i32 = arith.constant 0 : i32
    %c0_i32_0 = arith.constant 0 : i32
    %c0_i32_1 = arith.constant 0 : i32
    return %arg0, %c0_i32, %c0_i32_0 : i32, i32, i32
  }
  func.func @transform_2(%arg0: i32) -> i32 {
    %c0_i32 = arith.constant 0 : i32
    %c0_i32_0 = arith.constant 0 : i32
    return %c0_i32 : i32
  }
  func.func @transform_3(%arg0: i32) -> i32 {
    %c0_i32 = arith.constant 0 : i32
    %c0_i32_0 = arith.constant 0 : i32
    return %c0_i32 : i32
  }
  func.func @transform_4(%arg0: i32) -> (i32, i32) {
    %c0_i32 = arith.constant 0 : i32
    %c0_i32_0 = arith.constant 0 : i32
    %c0_i32_1 = arith.constant 0 : i32
    return %c0_i32, %c0_i32_0 : i32, i32
  }
}

</mosaic_0001>

<sc_bundles>
// kernel: kernel.4.cloned.1.call-start
scs
__scs_entry_jumppad:
0x0: {  	(pc) =	sbr.rel $0x88, $3  }
0x1: {  	(tag) =	ssettag $0x0;
	lr =	simm.s32 $0x1  }
0x2: {  	[smem:$0x3F9F] =	sst lr;
	_ =	strace $0xD0000000  }
0x3: {  	_ = 	snop  }
0x4: {  	_ = 	snop  }
0x5: {  	_ = 	snop  }
0x6: {  	_ = 	snop  }
0x7: {  	_ = 	snop  }
__scs_overlays_trampoline_lowered:
0x8: {  	[smem:$0x3FAE] =	sst s0  }
0x9: {  	[smem:$0x3FAF] =	sst s1  }
0xa: {  	[smem:$0x3FB0] =	sst s2  }
0xb: {  	[smem:$0x3FB1] =	sst s3  }
0xc: {  	[smem:$0x3FB2] =	sst s4  }
0xd: {  	[smem:$0x3FB3] =	sst s5  }
0xe: {  	[smem:$0x3FB4] =	sst s6  }
0xf: {  	[smem:$0x3FB5] =	sst s7  }
0x10: {  	[smem:$0x3FB6] =	sst s8  }
0x11: {  	[smem:$0x3FB7] =	sst s9;
	s0 =	simm.s32 @!p0 $0x0  }
0x12: {  	s1 =	sld [smem:$0x3F9D];
	s0 =	simm.s32 @p0 $0x1  }
0x13: {  	[smem:$0x3FB8] =	sst s0;
	s0 =	simm.s32 @!p1 $0x0  }
0x14: {  	s2 =	sld [smem:$0x3F9C];
	s0 =	simm.s32 @p1 $0x1  }
0x15: {  	[smem:$0x3FB9] =	sst s0;
	s0 =	simm.s32 @!p2 $0x0  }
0x16: {  	s3 =	sld [smem:$0x3FDB];
	s0 =	simm.s32 @p2 $0x1  }
0x17: {  	s4 =	simm.s32 $0x1BF5;
	[smem:$0x3FBB] =	sst s0  }
0x18: {  	s0 =	sld [smem:$0x3F9E];
	_ =	swait.ge [sflag:s4], $0x0  }
0x19: {  	s7 =	sld [smem:$0x3F9F]  }
0x1a: {  	s8 =	sadd.s32 $0xFFFFE003, lr  }
0x1b: {  	s9 =	sadd.s32 $0xFFFFFEF7, lr;
	s5 =	simm.s32 $0xFFFFFFFF;
	p2 =	slt.u32 s8, $0xFFFFF086  }
0x1c: {  	p1 =	slt.u32 s9, $0xF7A;
	s5 =	simm.s32 @!p2 $0x0  }
0x1d: {  	s5 =	simm.s32 @p1 $0x1;
	p0 =	seq.s32 s7, s2  }
0x1e: {  	s7 =	smul.u32 @!p0 $0xF7A, s2;
	p2 =	seq.s32 @!p0 s5, $0x0  }
0x1f: {  	s9 =	smul.u32 $0xF7A, s1;
	s8 =	simm.s32 @!p0 $0x1BF5;
	p2 =	por !p2, p0  }
0x20: {  	[sflag:s8] =	ssyncset.s32 @!p0 $0xFFFFF086;
	s6 =	sadd.s32 @!p0 s3, s7;
	s7 =	simm.s32 @!p0 $0x108  }
0x21: {  	s3 =	sadd.s32 s3, s9;
	s6 =	sadd.s32 @!p0 $0x88, s6;
	s7 =	simm.s32 @p2 $0x1082  }
0x22: {  	[simem:s7], [sflag:s8] =	dma.local @!p0 [hbm:s6], $0xF7A  }
0x23: {  	s9 =	sor.u32 $0xD0000000, s2;
	s6 =	simm.s32 $0x108;
	_ =	swait.ge @!p0 [sflag:s8], $0x0  }
0x24: {  	s3 =	sadd.s32 $0x88, s3;
	s6 =	simm.s32 @!p1 $0x1082;
	[sflag:s4] =	ssyncset.s32 $0xFFFFF086  }
0x25: {  	[simem:s6], [sflag:s4] =	dma.local [hbm:s3], $0xF7A  }
0x26: {  	[smem:$0x3F9F] =	sst s1;
	(tag) =	ssettag s2;
	_ =	strace s9  }
0x27: {  	s1 =	sld [smem:$0x3FAF]  }
0x28: {  	s2 =	sld [smem:$0x3FB0]  }
0x29: {  	s4 =	sld [smem:$0x3FB2]  }
0x2a: {  	p0 =	seq.s32 s5, $0x0;
	s5 =	sld [smem:$0x3FB3]  }
0x2b: {  	s6 =	sld [smem:$0x3FB4]  }
0x2c: {  	s7 =	sld [smem:$0x3FB5]  }
0x2d: {  	s3 =	simm.s32 $0x108;
	s8 =	sld [smem:$0x3FB6]  }
0x2e: {  	s3 =	simm.s32 @!p0 $0x1082;
	s9 =	sld [smem:$0x3FB7]  }
0x2f: {  	lr =	sadd.s32 s0, s3;
	s0 =	sld [smem:$0x3FAE]  }
0x30: {  	s3 =	sld [smem:$0x3FB1]  }
0x31: {  	[smem:$0x3FBA] =	sst s10  }
0x32: {  	s10 =	sld [smem:$0x3FB8];
	_ =	sdelay $0x3  }
0x33: {  	p0 =	seq.s32 s10, $0x1;
	s10 =	sld [smem:$0x3FBA];
	_ =	sdelay $0x3  }
0x34: {  	[smem:$0x3FBA] =	sst s10  }
0x35: {  	s10 =	sld [smem:$0x3FB9];
	_ =	sdelay $0x3  }
0x36: {  	p1 =	seq.s32 s10, $0x1;
	s10 =	sld [smem:$0x3FBA];
	_ =	sdelay $0x3  }
0x37: {  	[smem:$0x3FBA] =	sst s10  }
0x38: {  	s10 =	sld [smem:$0x3FBB]  }
0x39: {  	_ = 	snop;
	(pc) =	sbr.ind lr, $3  }
0x3a: {  	_ = 	snop  }
0x3b: {  	_ = 	snop  }
0x3c: {  	p2 =	seq.s32 s10, $0x1;
	s10 =	sld [smem:$0x3FBA]  }
0x3d: {  	_ =	shalt  }
0x3e: {  	_ =	shalt  }
0x3f: {  	_ =	shalt  }
0x40: {  	_ =	shalt  }
0x41: {  	_ =	shalt  }
0x42: {  	_ =	shalt  }
0x43: {  	_ =	shalt  }
0x44: {  	_ =	shalt  }
0x45: {  	_ =	shalt  }
0x46: {  	_ =	shalt  }
0x47: {  	_ =	shalt  }
0x48: {  	_ =	shalt  }
0x49: {  	_ =	shalt  }
0x4a: {  	_ =	shalt  }
0x4b: {  	_ =	shalt  }
0x4c: {  	_ =	shalt  }
0x4d: {  	_ =	shalt  }
0x4e: {  	_ =	shalt  }
0x4f: {  	_ =	shalt  }
0x50: {  	_ =	shalt  }
0x51: {  	_ =	shalt  }
0x52: {  	_ =	shalt  }
0x53: {  	_ =	shalt  }
0x54: {  	_ =	shalt  }
0x55: {  	_ =	shalt  }
0x56: {  	_ =	shalt  }
0x57: {  	_ =	shalt  }
0x58: {  	_ =	shalt  }
0x59: {  	_ =	shalt  }
0x5a: {  	_ =	shalt  }
0x5b: {  	_ =	shalt  }
0x5c: {  	_ =	shalt  }
0x5d: {  	_ =	shalt  }
0x5e: {  	_ =	shalt  }
0x5f: {  	_ =	shalt  }
0x60: {  	_ =	shalt  }
0x61: {  	_ =	shalt  }
0x62: {  	_ =	shalt  }
0x63: {  	_ =	shalt  }
0x64: {  	_ =	shalt  }
0x65: {  	_ =	shalt  }
0x66: {  	_ =	shalt  }
0x67: {  	_ =	shalt  }
0x68: {  	_ =	shalt  }
0x69: {  	_ =	shalt  }
0x6a: {  	_ =	shalt  }
0x6b: {  	_ =	shalt  }
0x6c: {  	_ =	shalt  }
0x6d: {  	_ =	shalt  }
0x6e: {  	_ =	shalt  }
0x6f: {  	_ =	shalt  }
0x70: {  	_ =	shalt  }
0x71: {  	_ =	shalt  }
0x72: {  	_ =	shalt  }
0x73: {  	_ =	shalt  }
0x74: {  	_ =	shalt  }
0x75: {  	_ =	shalt  }
0x76: {  	_ =	shalt  }
0x77: {  	_ =	shalt  }
0x78: {  	_ =	shalt  }
0x79: {  	_ =	shalt  }
0x7a: {  	_ =	shalt  }
0x7b: {  	_ =	shalt  }
0x7c: {  	_ =	shalt  }
0x7d: {  	_ =	shalt  }
0x7e: {  	_ =	shalt  }
0x7f: {  	_ =	shalt  }
0x80: {  	_ =	shalt  }
0x81: {  	_ =	shalt  }
0x82: {  	_ =	shalt  }
0x83: {  	_ =	shalt  }
0x84: {  	_ =	shalt  }
0x85: {  	_ =	shalt  }
0x86: {  	_ =	shalt  }
0x87: {  	_ =	shalt  }
.Lfunc_end0:
.L_simem_size_0:
called_computation_lowered:
.L_overlay_start_0:
0x88: {  	s2 =	sld [smem:$0x3FD9]  }
0x89: {  	s3 =	sld [smem:$0x3FFE];
	_ =	sdelay $0x1  }
0x8a: {  	s1 =	srdreg.scid  }
0x8b: {  	s0 =	sand.u32 $0x1, s1  }
0x8c: {  	s16 =	sshll.u32 s0, $0xA;
	s2 =	sadd.s32 s3, s2  }
0x8d: {  	s2 =	sadd.s32 s2, s16  }
0x8e: {  	[smem:$0x3FC6] =	sst s2  }
0x8f: {  	_ = 	snop  }
0x90: {  	(tm) =	ssettm $0x1  }
0x91: {  	s17 =	sld [smem:$0x3FFB];
	_ =	sdelay $0x3  }
0x92: {  	_ =	strace s17  }
0x93: {  	s2 =	sld [smem:$0x3FFC];
	_ =	sdelay $0x3  }
0x94: {  	_ =	strace s2  }
0x95: {  	s2 =	sld [smem:$0x3FFD];
	_ =	sdelay $0x3  }
0x96: {  	_ =	strace s2  }
0x97: {  	_ =	strace $0x8FFFFFFF  }
0x98: {  	s18 =	sld [smem:$0x3FDB];
	_ =	sdelay $0x1  }
0x99: {  	s19 =	simm.s32 $_scs_section_size  }
0x9a: {  	s4 =	simm.s32 $_size__tile_overlayer_lowered;
	s5 =	simm.s32 $_tile_overlayer_lowered  }
0x9b: {  	s22 =	simm.s32 $0x1BFF;
	s21 =	sshll.u32 s5, $0x1;
	s2 =	sadd.s32 s19, s18  }
0x9c: {  	s6 =	simm.s32 $0x0;
	s20 =	sshll.u32 s4, $0x1;
	s4 =	sadd.s32 s21, s2  }
0x9d: {  	[timem:s6], [sflag:s22] =	dma.local [hbm:s4], s20  }
0x9e: {  	_ =	swait.ge [sflag:s22], s20  }
0x9f: {  	s3 =	ssub.s32 $0x0, s20;
	[sflag:s22] =	ssyncset.done $0x0  }
0xa0: {  	[sflag:s22] =	ssyncadd.s32 s3;
	_ =	sdelay $0x1  }
0xa1: {  	s23 =	simm.s32 $0x1B8B  }
0xa2: {  	_ =	swait.ge [sflag:s23], $0x1  }
0xa3: {  	[sflag:s23] =	ssyncset.done $0x0  }
0xa4: {  	s25 =	simm.s32 $0x1B8E;
	s24 =	sld [smem:$0x3FFE];
	[sflag:s23] =	ssyncadd.s32 $0xFFFFFFFF  }
0xa5: {  	s26 =	simm.s32 $execute0_lowered;
	[smem:$0x3FD2] =	sst s25  }
0xa6: {  	s4 =	sshll.u32 s26, $0x1;
	_ =	strace $0x80000046;
	[dreg:$0x1] =	wrdreg $0xFFFFFFFF  }
0xa7: {  	s28 =	simm.s32 $_size_execute0_lowered;
	s2 =	sadd.s32 s2, s4;
	[dreg:$0x0] =	wrdreg $0x0  }
0xa8: {  	s4 =	sshll.u32 s28, $0x1;
	[dreg:$0x2] =	wrdreg s2  }
0xa9: {  	[dreg:$0x3] =	wrdreg s4  }
0xaa: {  	[dreg:$0x4] =	wrdreg $0xC0  }
0xab: {  	_ =	task [dreg:s6], $0x5FFFF  }
0xac: {  	[dreg:$0x1] =	wrdreg $0xFFFFFFFF  }
0xad: {  	[dreg:$0x0] =	wrdreg $0x60  }
0xae: {  	[dreg:$0x2] =	wrdreg s24  }
0xaf: {  	[dreg:$0x3] =	wrdreg $0x9  }
0xb0: {  	_ =	task.clear_ibuf [dreg:s6], $0x4FFFF;
	_ =	strace $0x90000046  }
0xb1: {  	s29 =	simm.s32 $0x9;
	_ =	strace $0x80000048  }
0xb2: {  	_ =	swait.ge [sflag:s29], $0x1  }
0xb3: {  	[sflag:s29] =	ssyncadd.s32 $0xFFFFFFFF  }
0xb4: {  	_ =	strace $0x90000048  }
0xb5: {  	_ =	sfence  }
0xb6: {  	s30 =	sld [smem:$0x0];
	_ =	sdelay $0x2  }
0xb7: {  	s31 =	sshll.u32 s1, $0xD;
	s1 =	sshrl.u32 s1, $0x2  }
0xb8: {  	s3 =	sand.u32 $0x4000, s31;
	s1 =	sadd.s32 s1, s30  }
0xb9: {  	s0 =	sor.u32 s3, s0;
	s1 =	sshll.u32 s1, $0x11  }
0xba: {  	s0 =	sor.u32 s1, s0  }
0xbb: {  	s0 =	sadd.s32 $0x8F2B, s0  }
0xbc: {  	[sflag:s0] =	ssyncadd.remote.s32 $0x1  }
0xbd: {  	_ =	sfence.sel $0xFFFF  }
0xbe: {  	[dreg:$0x0] =	wrdreg $0xFFFFFFFF;
	(pc) =	sbr.abs _section_cstart, $3  }
0xbf: {  	[dreg:$0x1] =	wrdreg $0xFFFFFFFF  }
0xc0: {  	_ =	task.clear_ibuf [dreg:s6], $0x2FFFF;
	_ =	strace $0x9FFFFFFF  }
0xc1: {  	(tm) =	ssettm $0x7FFFFFFF  }
tec
execute0_lowered:
.L_overlay_start_1:
0x0: {  	(tag) =	ssettag $0x1  }
0x1: {  	s1 =	stileid.u32  }
0x2: {  	p0 =	sgt.u32 s1, $0xB  }
.Ltmp0:
0x3: {  	_ = 	snop;
	(pc) =	sbr.rel @p0 .LBB2_14-.Ltmp0, $4  }
0x4: {  	_ = 	snop  }
0x5: {  	s2 =	simm.s32 $0x0  }
0x6: {  	[smem:$0x7FF] =	sst s2  }
0x7: {  	s0 =	rddreg [dreg:$0x0];
	_ =	strace $0x80000047  }
0x8: {  	s1 =	srdreg.scid  }
0x9: {  	s3 =	stileid.u32;
	s9 =	sadd.s32 $0x1400, s0;
	s11 =	simm.s32 $0x80  }
0xa: {  	s12 =	simm.s32 $0x400;
	s13 =	simm.s32 $0x1;
	s14 =	simm.s32 $0x18800  }
0xb: {  	s15 =	simm.s32 $0x18C80;
	s16 =	simm.s32 $0x19100;
	s17 =	simm.s32 $0x19580  }
0xc: {  	s19 =	simm.s32 $0x200;
	s1 =	sand.u32 $0x1, s1;
	s2 =	sshll.u32 s3, $0x1  }
0xd: {  	s20 =	simm.s32 $0x0;
	s3 =	sshrl.u32 s3, $0x2;
	s2 =	sor.u32 s1, s2  }
0xe: {  	s5 =	smul.u32 $0x62000, s3;
	s3 =	sshll.u32 s3, $0xA;
	s4 =	sshll.u32 s2, $0x7  }
0xf: {  	s29 =	ssub.s32 $0x2, s1;
	s2 =	sshll.u32 s2, $0x9;
	s4 =	sand.u32 $0x380, s4  }
0x10: {  	s31 =	sshrl.u32 s29, $0x1;
	s2 =	sadd.s32 s2, s0;
	s5 =	sor.u32 s5, s4  }
0x11: {  	s3 =	sor.u32 s3, s4;
	s30 =	sadd.s32 $0x4AC00, s2;
	s6 =	sadd.s32 $0x4AC10, s2  }
.Ltmp1:
0x12: {  	s7 =	sadd.s32 $0x4AC20, s2;
	s3 =	sshrl.u32 s3, $0x3;
	(pc) =	sbr.rel .LBB2_2-.Ltmp1, $4  }
0x13: {  	s8 =	sadd.s32 $0x4AC30, s2;
	s10 =	sshrl.u32 s5, $0x3;
	s26 =	sadd.s32 s3, s0  }
0x14: {  	v0 =	vlaneseq.u32;
	[dreg:$0x4] =	wrdreg s30;
	s25 =	sadd.s32 s10, s0;
	s0 =	sadd.s32 $0x4DC00, s26  }
0x15: {  	v1 =	vimm.s32 $0x0;
	vm0 =	vcmask $0x300;
	vm1 =	vcmask $0x704;
	s28 =	sadd.s32 $0x26000, s25;
	[dreg:$0x3] =	wrdreg s0;
	s0 =	ssub.s32 s29, s31  }
0x16: {  	vm2 =	vcmask $0xB08;
	vm3 =	vcmask $0xF0C;
	v2 =	vor.u32 $0x400, v0;
	s9 =	sadd.s32 s9, s10;
	[dreg:$0x2] =	wrdreg s28;
	s10 =	smax.u32 s0, $0x1  }
.LBB2_8:
0x17: {  	v6 =	vimm.s32 $0x0  }
0x18: {  	v9 =	vimm.s32 $0x0;
	v10 =	vimm.s32 $0x0;
	v11 =	vimm.s32 $0x0  }
.LBB2_12:
0x19: {  	v5 =	vadd.f32 $-1.000000000e+00, v5;
	v13 =	vsel @p0 vm4, $0x1, v1  }
0x1a: {  	v6 =	vadd.s32 @p0 v12, v6;
	v7 =	vand.u32 $0x7FFFFFFF, v7;
	v8 =	vadd.s32 @p0 v8, v10  }
0x1b: {  	v4 =	vadd.s32 @p0 v4, v11;
	v9 =	vadd.s32 @p0 v13, v9;
	vm4 =	vle.f32 v7, $3.000100260e-01  }
0x1c: {  	v6 =	vpsel p0, v6, v3;
	v8 =	vpsel p0, v8, v3;
	v5 =	vand.u32 $0x7FFFFFFF, v5  }
0x1d: {  	v11 =	vpsel p0, v4, v3;
	vm5 =	vmneg vm4;
	vm6 =	vle.f32 v5, $3.000100260e-01  }
0x1e: {  	v7 =	vsel vm4, $0x1, v1;
	v9 =	vpsel p0, v9, v3;
	vm7 =	vmneg vm6  }
0x1f: {  	vm5 =	vmand vm6, vm5;
	v5 =	vsel vm6, $0x1, v1;
	vm4 =	vmand vm4, vm7  }
0x20: {  	v63 =	vsel vm5, $0x1, v1;
	v5 =	vadd.s32 v5, v8;
	v4 =	vsel vm4, $0x1, v1  }
0x21: {  	v3 =	vadd.s32 v63, v6;
	v6 =	vadd.s32 v7, v11;
	v4 =	vadd.s32 v4, v9  }
.LBB2_13:
0x22: {  	(xrf0) =	vadd.scan.msk.s32 $0xffff, v4;
	_ =	sdelay $0x1  }
0x23: {  	(xrf0) =	vadd.scan.msk.s32 $0xffff, v3  }
0x24: {  	(xrf0) =	vadd.scan.msk.s32 $0xffff, v5  }
0x25: {  	(xrf0) =	vadd.scan.msk.s32 $0xffff, v6;
	_ =	sdelay $0x1  }
0x26: {  	v3, _, _ =	vpop (xrf0)  }
0x27: {  	(v2sf) =	vpush v3, $0xF  }
0x28: {  	v3, _, _ =	vpop (xrf0)  }
0x29: {  	v63, _, _ =	vpop (xrf0);
	(v2sf) =	vpush v3, $0xF  }
0x2a: {  	(v2sf) =	vpush v63, $0xF;
	v3, _, _ =	vpop (xrf0)  }
0x2b: {  	(v2sf) =	vpush v3, $0xF;
	_ =	sdelay $0xa  }
0x2c: {  	s0 =	spop (v2sf)  }
0x2d: {  	s0 =	sadd.s32 s22, s0  }
0x2e: {  	s1 =	spop (v2sf);
	v3 =	vmov s0  }
0x2f: {  	s25 =	spop (v2sf);
	s1 =	sadd.s32 s21, s1;
	v3 =	vnsel vm0, $0x0, v3  }
0x30: {  	s0 =	sadd.s32 s29, s25;
	s2 =	spop (v2sf);
	v3 =	vsel vm1, s1, v3  }
0x31: {  	s26 =	sadd.s32 s26, s2;
	v3 =	vsel vm2, s0, v3  }
0x32: {  	v3 =	vsel vm3, s26, v3  }
0x33: {  	s28 =	simm.s32 $0x0;
	s30 =	simm.s32 $0x19A00;
	s29 =	rddreg [dreg:$0x3];
	[tilespmem:$0x19A00] =	vst v3  }
0x34: {  	[hbm4b:s29+s28] =	stream.linear.scatter [tilespmem:s30], [sflag:$0x1], $0x80, $0x38;
	[tilespmem:$0x19A80] =	vst v63  }
0x35: {  	_ =	swait.ge [sflag:s13], $0x80  }
0x36: {  	[sflag:s13] =	ssyncset.done $0x0  }
0x37: {  	s31 =	rddreg [dreg:$0x4];
	[sflag:s13] =	ssyncadd.s32 $0xFFFFFF80  }
0x38: {  	[hbm4b:s31+s11] =	stream.strided.scatter [tilespmem:s14], [sflag:$0x1], $0x400, s19, s11, $0x38;
	[tilespmem:$0x19A80] =	vst v63  }
0x39: {  	_ =	swait.ge [sflag:s13], $0x400  }
0x3a: {  	[sflag:s13] =	ssyncset.done $0x0  }
0x3b: {  	[sflag:s13] =	ssyncadd.s32 $0xFFFFFC00  }
0x3c: {  	[hbm4b:s6+s11] =	stream.strided.scatter [tilespmem:s15], [sflag:$0x1], $0x400, s19, s11, $0x38;
	[tilespmem:$0x19A80] =	vst v63  }
0x3d: {  	_ =	swait.ge [sflag:s13], $0x400  }
0x3e: {  	[sflag:s13] =	ssyncset.done $0x0  }
0x3f: {  	[sflag:s13] =	ssyncadd.s32 $0xFFFFFC00  }
0x40: {  	[hbm4b:s7+s11] =	stream.strided.scatter [tilespmem:s16], [sflag:$0x1], $0x400, s19, s11, $0x38;
	[tilespmem:$0x19A80] =	vst v63  }
0x41: {  	s20 =	sadd.s32 $0x1, s20;
	_ =	swait.ge [sflag:s13], $0x400  }
0x42: {  	p0 =	sne.s32 s20, s10;
	[sflag:s13] =	ssyncset.done $0x0  }
.Ltmp2:
0x43: {  	[sflag:s13] =	ssyncadd.s32 $0xFFFFFC00;
	(pc) =	sbr.rel @!p0 .LBB2_14-.Ltmp2, $4  }
0x44: {  	[hbm4b:s8+s11] =	stream.strided.scatter [tilespmem:s17], [sflag:$0x1], $0x400, s19, s11, $0x38;
	[tilespmem:$0x19A80] =	vst v63  }
0x45: {  	_ =	swait.ge [sflag:s13], $0x400  }
0x46: {  	[sflag:s13] =	ssyncset.done $0x0  }
0x47: {  	[sflag:s13] =	ssyncadd.s32 $0xFFFFFC00  }
.LBB2_2:
0x48: {  	s0 =	simm.s32 $0x0  }
0x49: {  	[tilespmem:s0], [sflag:$0x1] =	stream.strided.gather [hbm4b:s9+s11], $0xC400, s12, s11, $0x38;
	[tilespmem:$0x19A80] =	vst v63  }
0x4a: {  	_ =	swait.ge [sflag:s13], $0xC400  }
0x4b: {  	s24 =	simm.s32 $0xC400;
	s2 =	simm.s32 $0x100;
	[sflag:s13] =	ssyncset.done $0x0  }
0x4c: {  	s23 =	simm.s32 $0xC500;
	s1 =	rddreg [dreg:$0x2];
	[sflag:s13] =	ssyncadd.s32 $0xFFFF3C00  }
0x4d: {  	[tilespmem:s24], [sflag:$0x1] =	stream.strided.gather [hbm4b:s1+s11], $0xC400, s12, s11, $0x38;
	[tilespmem:$0x19A80] =	vst v63  }
0x4e: {  	s25 =	simm.s32 $0x0;
	s26 =	simm.s32 $0x0;
	_ =	swait.ge [sflag:s13], $0xC400  }
0x4f: {  	s29 =	simm.s32 $0x0;
	s21 =	simm.s32 $0x0;
	[sflag:s13] =	ssyncset.done $0x0  }
0x50: {  	s22 =	simm.s32 $0x0;
	s3 =	simm.s32 $0x0;
	[sflag:s13] =	ssyncadd.s32 $0xFFFF3C00  }
.LBB2_3:
0x51: {  	v3 =	vmov s24;
	_ =	sdelay $0x3  }
0x52: {  	s1 =	simm.s32 $0x0  }
0x53: {  	v5 =	vld.idx.msk [tilespmem:v3+s1+$0x0 ss:$0x1], $0xffff;
	_ =	sdelay $0x4  }
0x54: {  	v5 =	vadd.f32 $-1.000000000e+00, v5;
	_ =	sdelay $0x1  }
0x55: {  	v4 =	vmov s25;
	v5 =	vand.u32 $0x7FFFFFFF, v5  }
0x56: {  	vm4 =	vle.f32 v5, $3.000100260e-01  }
0x57: {  	v5 =	vsel vm4, $0x1, v1  }
0x58: {  	(xrf0) =	vadd.scan.msk.s32 $0xffff, v5;
	_ =	sdelay $0x1  }
0x59: {  	v6 =	vld.idx.msk [tilespmem:v4+s1+$0x0 ss:$0x1], $0xffff;
	_ =	sdelay $0x3  }
0x5a: {  	v10, _, _ =	vpop (xrf0)  }
0x5b: {  	v6 =	vadd.f32 $-1.000000000e+00, v6;
	(v2sf) =	vpush v10, $0xF;
	_ =	sdelay $0x1  }
0x5c: {  	v6 =	vand.u32 $0x7FFFFFFF, v6  }
0x5d: {  	vm5 =	vle.f32 v6, $3.000100260e-01;
	vm6 =	vmneg vm4  }
0x5e: {  	v6 =	vsel vm5, $0x1, v1;
	vm6 =	vmand vm5, vm6  }
0x5f: {  	vm7 =	vmneg vm5;
	v5 =	vsel vm6, $0x1, v1;
	(xrf0) =	vadd.scan.msk.s32 $0xffff, v6  }
0x60: {  	vm7 =	vmand vm4, vm7;
	(xrf0) =	vadd.scan.msk.s32 $0xffff, v5  }
0x61: {  	v6 =	vsel vm7, $0x1, v1  }
0x62: {  	v7 =	vmov s29;
	(xrf0) =	vadd.scan.msk.s32 $0xffff, v6  }
0x63: {  	v8 =	vmov s22;
	v9 =	vmov s21;
	v12 =	vmov s26  }
0x64: {  	v7 =	vadd.s32 $0xFFFFFFFF, v7;
	v8 =	vadd.s32 $0xFFFFFFFF, v8;
	v9 =	vadd.s32 $0xFFFFFFFF, v9  }
0x65: {  	v12 =	vadd.s32 $0xFFFFFFFF, v12;
	v7 =	vbroadcast v7, $0x0;
	v8 =	vbroadcast v8, $0x0;
	v11, _, _ =	vpop (xrf0)  }
0x66: {  	v9 =	vbroadcast v9, $0x0;
	v12 =	vbroadcast v12, $0x0;
	v61, _, _ =	vpop (xrf0);
	(v2sf) =	vpush v11, $0xF  }
0x67: {  	v5 =	vxor.u32 $0x1, v5;
	v6 =	vxor.u32 $0x1, v6;
	(v2sf) =	vpush v61, $0xF  }
0x68: {  	v5 =	vmul.u32 v2, v5;
	v6 =	vmul.u32 v2, v6;
	v8 =	vadd.s32 v61, v8;
	v62, _, _ =	vpop (xrf0)  }
0x69: {  	vm8 =	vlt.s32 v8, v2;
	v9 =	vadd.s32 v62, v9;
	s4 =	spop (v2sf);
	(v2sf) =	vpush v62, $0xF  }
0x6a: {  	v7 =	vadd.s32 v10, v7;
	v8 =	vsel vm8, v8, v2;
	vm13 =	vlt.s32 v9, v2  }
0x6b: {  	vm14 =	vlt.s32 v7, v2;
	v8 =	vnsel vm6, $0x0, v8;
	v9 =	vsel vm13, v9, v2  }
0x6c: {  	v11 =	vadd.s32 v11, v12;
	v5 =	vadd.s32 v5, v8;
	v8 =	vnsel vm7, $0x0, v9  }
0x6d: {  	v7 =	vsel vm14, v7, v2;
	vm15 =	vlt.s32 v11, v2;
	v6 =	vadd.s32 v6, v8  }
0x6e: {  	v7 =	vsel vm4, v7, v2;
	v8 =	vsel vm15, v11, v2  }
0x6f: {  	v8 =	vsel vm5, v8, v2  }
0x70: {  	v63 =	vor.u32 s0, v0  }
0x71: {  	[tilespmem:v5+s14+$0x0] =	vst.idx.msk $0xffff, v63  }
0x72: {  	[tilespmem:v6+s15+$0x0] =	vst.idx.msk $0xffff, v63  }
0x73: {  	s18 =	simm.s32 $0x10;
	[tilespmem:v7+s16+$0x0] =	vst.idx.msk $0xffff, v63  }
0x74: {  	s31 =	smov.u32 s3;
	s30 =	smov.u32 s2;
	s28 =	smov.u32 s23;
	[tilespmem:v8+s17+$0x0] =	vst.idx.msk $0xffff, v63  }
0x75: {  	s23 =	smov.u32 s0;
	s1 =	simm.s32 $0x80;
	v5 =	vld.idx.msk [tilespmem:v3+s18+$0x0 ss:$0x1], $0xffff;
	s5 =	spop (v2sf)  }
0x76: {  	v6 =	vld.idx.msk [tilespmem:v4+s18+$0x0 ss:$0x1], $0xffff;
	s29 =	sadd.s32 s29, s4;
	s26 =	sadd.s32 s26, s5;
	s18 =	spop (v2sf)  }
.LBB2_4:
0x77: {  	s23 =	sadd.s32 $0x10, s23  }
0x78: {  	s4 =	spop (v2sf);
	s2 =	smov.u32 s1;
	s3 =	sadd.s32 $0x40, s1  }
0x79: {  	p0 =	sne.s32 s1, $0x3C0;
	s22 =	sadd.s32 s22, s18;
	s21 =	sadd.s32 s21, s4  }
0x7a: {  	v7 =	vmov s22;
	v8 =	vmov s21  }
0x7b: {  	v5 =	vadd.f32 $-1.000000000e+00, v5;
	v7 =	vadd.s32 $0xFFFFFFFF, v7;
	v8 =	vadd.s32 $0xFFFFFFFF, v8  }
0x7c: {  	v6 =	vadd.f32 $-1.000000000e+00, v6  }
0x7d: {  	v5 =	vand.u32 $0x7FFFFFFF, v5  }
0x7e: {  	v6 =	vand.u32 $0x7FFFFFFF, v6;
	vm4 =	vle.f32 v5, $3.000100260e-01  }
0x7f: {  	vm5 =	vle.f32 v6, $3.000100260e-01;
	vm6 =	vmneg vm4;
	v5 =	vsel vm4, $0x1, v1  }
0x80: {  	vm8 =	vmneg vm5;
	v6 =	vsel vm5, $0x1, v1;
	vm7 =	vmand vm5, vm6;
	(xrf0) =	vadd.scan.msk.s32 $0xffff, v5  }
0x81: {  	v5 =	vsel vm7, $0x1, v1;
	vm6 =	vmand vm4, vm8;
	(xrf0) =	vadd.scan.msk.s32 $0xffff, v6  }
0x82: {  	v6 =	vsel vm6, $0x1, v1;
	v9 =	vxor.u32 $0x1, v5;
	(xrf0) =	vadd.scan.msk.s32 $0xffff, v5  }
0x83: {  	v10 =	vmov s29;
	v5 =	vxor.u32 $0x1, v6;
	(xrf0) =	vadd.scan.msk.s32 $0xffff, v6  }
0x84: {  	v6 =	vadd.s32 $0xFFFFFFFF, v10;
	v10 =	vmov s26  }
0x85: {  	v8 =	vbroadcast v8, $0x0;
	v6 =	vbroadcast v6, $0x0;
	v10 =	vadd.s32 $0xFFFFFFFF, v10  }
0x86: {  	v7 =	vbroadcast v7, $0x0;
	v5 =	vmul.u32 v2, v5;
	v10 =	vbroadcast v10, $0x0;
	v11, _, _ =	vpop (xrf0)  }
0x87: {  	v9 =	vmul.u32 v2, v9;
	v6 =	vadd.s32 v11, v6;
	(v2sf) =	vpush v11, $0xF;
	v11, _, _ =	vpop (xrf0)  }
0x88: {  	vm8 =	vlt.s32 v6, v2;
	v10 =	vadd.s32 v11, v10;
	v12, _, _ =	vpop (xrf0);
	(v2sf) =	vpush v11, $0xF  }
0x89: {  	v7 =	vadd.s32 v12, v7;
	v6 =	vsel vm8, v6, v2;
	(v2sf) =	vpush v12, $0xF;
	v11, _, _ =	vpop (xrf0)  }
0x8a: {  	vm8 =	vlt.s32 v7, v2;
	v8 =	vadd.s32 v11, v8;
	(v2sf) =	vpush v11, $0xF  }
0x8b: {  	vm9 =	vlt.s32 v10, v2;
	v7 =	vsel vm8, v7, v2;
	vm8 =	vlt.s32 v8, v2  }
0x8c: {  	v10 =	vsel vm9, v10, v2;
	v7 =	vnsel vm7, $0x0, v7;
	v8 =	vsel vm8, v8, v2  }
0x8d: {  	v7 =	vadd.s32 v9, v7;
	v8 =	vnsel vm6, $0x0, v8;
	v9 =	vsel vm5, v10, v2  }
0x8e: {  	v6 =	vsel vm4, v6, v2;
	v5 =	vadd.s32 v5, v8;
	_ =	sdelay $0x2  }
0x8f: {  	v8 =	vor.u32 s23, v0  }
0x90: {  	[tilespmem:v7+s14+$0x0] =	vst.idx.msk $0xffff, v8  }
0x91: {  	[tilespmem:v5+s15+$0x0] =	vst.idx.msk $0xffff, v8  }
.Ltmp3:
0x92: {  	[tilespmem:v6+s16+$0x0] =	vst.idx.msk $0xffff, v8;
	(pc) =	sbr.rel @p0 .LBB2_4-.Ltmp3, $4  }
0x93: {  	s1 =	sshra.s32 s2, $0x2;
	[tilespmem:v9+s17+$0x0] =	vst.idx.msk $0xffff, v8  }
0x94: {  	v5 =	vld.idx.msk [tilespmem:v3+s1+$0x0 ss:$0x1], $0xffff;
	s2 =	spop (v2sf)  }
0x95: {  	v6 =	vld.idx.msk [tilespmem:v4+s1+$0x0 ss:$0x1], $0xffff;
	s29 =	sadd.s32 s29, s2;
	s1 =	spop (v2sf)  }
0x96: {  	s26 =	sadd.s32 s26, s1;
	s18 =	spop (v2sf);
	s1 =	smov.u32 s3  }
0x97: {  	_ =	sdelay $0x1  }
0x98: {  	v3 =	vadd.f32 $-1.000000000e+00, v5  }
0x99: {  	v4 =	vadd.f32 $-1.000000000e+00, v6  }
0x9a: {  	v3 =	vand.u32 $0x7FFFFFFF, v3  }
0x9b: {  	v4 =	vand.u32 $0x7FFFFFFF, v4;
	vm4 =	vle.f32 v3, $3.000100260e-01  }
0x9c: {  	vm5 =	vle.f32 v4, $3.000100260e-01;
	vm6 =	vmneg vm4;
	v3 =	vsel vm4, $0x1, v1  }
0x9d: {  	vm8 =	vmneg vm5;
	v4 =	vsel vm5, $0x1, v1;
	vm7 =	vmand vm5, vm6;
	(xrf0) =	vadd.scan.msk.s32 $0xffff, v3  }
0x9e: {  	v3 =	vsel vm7, $0x1, v1;
	vm12 =	vmand vm4, vm8;
	(xrf0) =	vadd.scan.msk.s32 $0xffff, v4  }
0x9f: {  	v57 =	vsel vm12, $0x1, v1;
	(xrf0) =	vadd.scan.msk.s32 $0xffff, v3  }
0xa0: {  	(xrf0) =	vadd.scan.msk.s32 $0xffff, v57;
	_ =	sdelay $0x2  }
0xa1: {  	v58, _, _ =	vpop (xrf0)  }
0xa2: {  	(v2sf) =	vpush v58, $0xF;
	v59, _, _ =	vpop (xrf0)  }
0xa3: {  	v7, _, _ =	vpop (xrf0);
	(v2sf) =	vpush v59, $0xF  }
0xa4: {  	(v2sf) =	vpush v7, $0xF;
	v8, _, _ =	vpop (xrf0)  }
0xa5: {  	(v2sf) =	vpush v8, $0xF;
	_ =	sdelay $0x7  }
0xa6: {  	s1 =	spop (v2sf);
	s2 =	sadd.s32 s22, s18  }
0xa7: {  	s1 =	sadd.s32 s21, s1;
	v9 =	vmov s2  }
0xa8: {  	v60 =	vmov s29;
	v10 =	vmov s1;
	v9 =	vadd.s32 $0xFFFFFFFF, v9  }
0xa9: {  	v61 =	vmov s26;
	v10 =	vadd.s32 $0xFFFFFFFF, v10;
	v9 =	vbroadcast v9, $0x0  }
0xaa: {  	v10 =	vbroadcast v10, $0x0;
	v3 =	vxor.u32 $0x1, v3;
	v4 =	vxor.u32 $0x1, v57;
	s3 =	spop (v2sf)  }
0xab: {  	v3 =	vmul.u32 v2, v3;
	v7 =	vadd.s32 v7, v9;
	v9 =	vadd.s32 $0xFFFFFFFF, v60;
	s4 =	spop (v2sf)  }
0xac: {  	v8 =	vadd.s32 v8, v10;
	v9 =	vbroadcast v9, $0x0;
	v10 =	vadd.s32 $0xFFFFFFFF, v61;
	s5 =	spop (v2sf)  }
0xad: {  	v4 =	vmul.u32 v2, v4;
	vm13 =	vlt.s32 v7, v2;
	v10 =	vbroadcast v10, $0x0;
	s21 =	spop (v2sf)  }
0xae: {  	v7 =	vsel vm13, v7, v2;
	vm14 =	vlt.s32 v8, v2;
	v5 =	vadd.s32 v58, v9;
	s22 =	sadd.s32 s2, s5;
	s21 =	sadd.s32 s1, s21  }
0xaf: {  	v7 =	vnsel vm7, $0x0, v7;
	v8 =	vsel vm14, v8, v2;
	vm9 =	vlt.s32 v5, v2;
	s29 =	sadd.s32 s29, s3;
	p0 =	slt.s32 s22, $0x400;
	p1 =	slt.s32 s21, $0x400  }
0xb0: {  	v6 =	vadd.s32 v59, v10;
	v3 =	vadd.s32 v3, v7;
	v62 =	vnsel vm12, $0x0, v8;
	s26 =	sadd.s32 s26, s4;
	p5 =	slt.s32 s29, $0x400;
	p0 =	por p0, p1  }
0xb1: {  	v5 =	vsel vm9, v5, v2;
	vm15 =	vlt.s32 v6, v2;
	v4 =	vadd.s32 v4, v62;
	p6 =	slt.s32 s26, $0x400;
	p0 =	por p0, p5  }
0xb2: {  	v6 =	vsel vm15, v6, v2;
	v5 =	vsel vm4, v5, v2;
	p1 =	por p0, p6;
	p0 =	sgt.u32 s31, $0xC2F  }
0xb3: {  	s23 =	sadd.s32 $0x10, s23;
	v6 =	vsel vm5, v6, v2;
	p1 =	por p0, !p1  }
.Ltmp4:
0xb4: {  	v63 =	vor.u32 s23, v0;
	(pc) =	sbr.rel @!p1 .LBB2_3-.Ltmp4, $4  }
0xb5: {  	[tilespmem:v3+s14+$0x0] =	vst.idx.msk $0xffff, v63  }
0xb6: {  	[tilespmem:v4+s15+$0x0] =	vst.idx.msk $0xffff, v63  }
0xb7: {  	s25 =	sadd.s32 $0x100, s25;
	s24 =	sadd.s32 $0x100, s24;
	s0 =	sadd.s32 $0x100, s0;
	[tilespmem:v5+s16+$0x0] =	vst.idx.msk $0xffff, v63  }
0xb8: {  	s23 =	sadd.s32 $0x100, s28;
	[tilespmem:v6+s17+$0x0] =	vst.idx.msk $0xffff, v63;
	s3 =	sadd.s32 $0x10, s31;
	s2 =	sadd.s32 $0x100, s30  }
.Ltmp5:
0xb9: {  	(pc) =	sbr.rel @p0 .LBB2_13-.Ltmp5, $3  }
0xba: {  	_ =	sdelay $0x1  }
0xbb: {  	v4 =	vimm.s32 $0x0  }
0xbc: {  	v3 =	vimm.s32 $0x0;
	v5 =	vimm.s32 $0x0;
	v6 =	vimm.s32 $0x0  }
0xbd: {  	s0 =	ssub.s32 $0xC30, s31  }
0xbe: {  	v4 =	vld [tilespmem:s30+$0x0];
	p1 =	sne.s32 s0, $0x1  }
.Ltmp6:
0xbf: {  	v5 =	vld [tilespmem:s28+$0x0];
	(pc) =	sbr.rel @!p1 .LBB2_8-.Ltmp6, $2  }
0xc0: {  	_ =	sdelay $0x2  }
0xc1: {  	v3 =	vimm.s32 $0x0;
	s2 =	sadd.s32 $0x10, s30;
	p0 =	por $0x0, $0x0;
	s1 =	sadd.s32 $0xFFFFFFFF, s0;
	v7 =	vadd.f32 $-1.000000000e+00, v4  }
0xc2: {  	v6 =	vld [tilespmem:s2+$0x0];
	v4 =	vadd.f32 $-1.000000000e+00, v5  }
0xc3: {  	p1 =	sne.s32 s1, $0x1;
	s0 =	sadd.s32 $0x10, s28;
	v5 =	vand.u32 $0x7FFFFFFF, v7  }
.Ltmp7:
0xc4: {  	v9 =	vimm.s32 $0x0;
	v4 =	vand.u32 $0x7FFFFFFF, v4;
	vm4 =	vle.f32 v5, $3.000100260e-01;
	v5 =	vld [tilespmem:s0+$0x0];
	(pc) =	sbr.rel @!p1 .LBB2_10-.Ltmp7, $4  }
0xc5: {  	v10 =	vimm.s32 $0x0;
	v11 =	vimm.s32 $0x0;
	vm5 =	vle.f32 v4, $3.000100260e-01  }
0xc6: {  	vm6 =	vmneg vm4;
	v4 =	vsel vm4, $0x1, v1;
	vm7 =	vmneg vm5  }
0xc7: {  	v8 =	vsel vm5, $0x1, v1;
	vm5 =	vmand vm5, vm6;
	v7 =	vadd.f32 $-1.000000000e+00, v6  }
0xc8: {  	s1 =	sadd.s32 $0xFFFFFFFF, s1;
	s2 =	sadd.s32 $0x10, s2;
	p0 =	por $0x1, $0x1;
	vm4 =	vmand vm4, vm7;
	v12 =	vsel vm5, $0x1, v1;
	v6 =	vimm.s32 $0x0  }
.LBB2_11:
0xc9: {  	v13 =	vld [tilespmem:s2+$0x0];
	p1 =	sne.s32 s1, $0x1;
	s1 =	sadd.s32 $0xFFFFFFFF, s1;
	v14 =	vadd.f32 $-1.000000000e+00, v5;
	s0 =	sadd.s32 $0x10, s0;
	v15 =	vsel vm4, $0x1, v1;
	v6 =	vadd.s32 v12, v6  }
.Ltmp8:
0xca: {  	v7 =	vand.u32 $0x7FFFFFFF, v7;
	v10 =	vadd.s32 v8, v10;
	v5 =	vld [tilespmem:s0+$0x0];
	v9 =	vadd.s32 v15, v9;
	(pc) =	sbr.rel @p1 .LBB2_11-.Ltmp8, $4  }
0xcb: {  	v11 =	vadd.s32 v4, v11;
	vm4 =	vle.f32 v7, $3.000100260e-01;
	v7 =	vand.u32 $0x7FFFFFFF, v14  }
0xcc: {  	vm5 =	vmneg vm4;
	v4 =	vsel vm4, $0x1, v1;
	vm6 =	vle.f32 v7, $3.000100260e-01  }
0xcd: {  	vm7 =	vmneg vm6;
	v8 =	vsel vm6, $0x1, v1;
	vm5 =	vmand vm6, vm5  }
0xce: {  	s2 =	sadd.s32 $0x10, s2;
	v7 =	vadd.f32 $-1.000000000e+00, v13;
	vm4 =	vmand vm4, vm7;
	v12 =	vsel vm5, $0x1, v1  }
.Ltmp9:
0xcf: {  	_ = 	snop;
	(pc) =	sbr.rel .LBB2_12-.Ltmp9, $1  }
0xd0: {  	_ =	sdelay $0x3  }
.LBB2_10:
.Ltmp10:
0xd1: {  	(pc) =	sbr.rel .LBB2_12-.Ltmp10, $3  }
0xd2: {  	_ =	sdelay $0x1  }
0xd3: {  	v6 =	vimm.s32 $0x0  }
0xd4: {  	v9 =	vimm.s32 $0x0;
	v10 =	vimm.s32 $0x0;
	v11 =	vimm.s32 $0x0  }
.LBB2_14:
0xd5: {  	_ =	sfence.sel $0x180000  }
0xd6: {  	[bflag:$0x0] =	sbarrier.arrive $0xFFFF  }
0xd7: {  	_ =	strace $0x90000047  }
0xd8: {  	s0 =	stileid.u32;
	[bflag:$0x2] =	sbarrier.arrive $0xFFFF  }
0xd9: {  	p0 =	sne.s32 s0, $0x0;
	s0 =	rddreg [dreg:$0x1]  }
0xda: {  	s0 =	sadd.s32 @!p0 $0x100000, s0  }
0xdb: {  	[sflag:s0] =	ssyncadd.tile.s32 @!p0 $0x1;
	_ =	shalt  }
.Lfunc_end2:
_tile_overlayer_lowered:
.L_overlay_start_2:
0xdc: {  	(tag) =	ssettag $0x2  }
0xdd: {  	s0 =	rddreg [dreg:$0x0];
	s2 =	stileid.u32  }
0xde: {  	s1 =	rddreg [dreg:$0x1];
	p0 =	sne.s32 s2, $0x0  }
0xdf: {  	s3 =	rddreg [dreg:$0x2];
	[bflag:$0x3] =	sbarrier.arrive $0xFFFF;
	s2 =	simm.s32 @!p0 $0x1C01  }
0xe0: {  	[timem:s3], [sflag:s2] =	dma.local @!p0 [hbm:s0], s1  }
0xe1: {  	s0 =	simm.s32 @!p0 $0x1  }
0xe2: {  	_ =	swait.ge @!p0 [sflag:s0], s1  }
0xe3: {  	s1 =	ssub.s32 @!p0 $0x0, s1;
	[sflag:s0] =	ssyncset.done @!p0 $0x0  }
0xe4: {  	[sflag:s0] =	ssyncadd.s32 @!p0 s1  }
0xe5: {  	[bflag:$0x3] =	sbarrier.arrive $0xFFFF  }
0xe6: {  	_ =	shalt  }

</sc_bundles>
